<compile_context>
chip_gen: v7x
topology: tpu7x:2x2x1
jax: 0.10.2.dev20260603
libtpu: 0.0.44.dev20260713+nightly
codegen_flags: <defaults>
</compile_context>

<pallas_src>
import jax
import jax.numpy as jnp
from jax import lax
from jax.experimental import pallas as pl
from jax.experimental.pallas import tpu as pltpu
from jax.experimental.pallas import tpu_sc as plsc

T = 2048
H = 1024
E = 8
FFN = 512
SFFN = 2048
NGROUP = 4
BC = 512
NJS = SFFN // BC
R = 2 * T
BT = 256
NT = R // BT
S = NT + E
NEG = -1e30

NC = 2
NS = 16
NW = NC * NS
TPW = T // NW
CH = 16


def _router_kernel(scores_ref, bias_ref, p1_ref, p2_ref, w1_ref, w2_ref,
                   counts_ref):
    scores = scores_ref[...]
    sfc = scores + bias_ref[...]

    eidx = lax.broadcasted_iota(jnp.int32, (T, E), 1)
    gidx8 = eidx // 2
    gsum_full = jnp.zeros((T, E), jnp.float32)
    for g in range(NGROUP):
        in_g = gidx8 == g
        gsum_g = jnp.sum(jnp.where(in_g, sfc, 0.0), axis=-1, keepdims=True)
        gsum_full = jnp.where(in_g, gsum_g, gsum_full)

    m1 = jnp.max(gsum_full, axis=-1, keepdims=True)
    i1 = jnp.min(jnp.where(gsum_full == m1, gidx8, NGROUP),
                 axis=-1, keepdims=True)
    gs2 = jnp.where(gidx8 == i1, NEG, gsum_full)
    m2 = jnp.max(gs2, axis=-1, keepdims=True)
    i2 = jnp.min(jnp.where(gs2 == m2, gidx8, NGROUP),
                 axis=-1, keepdims=True)
    gsel = (gidx8 == i1) | (gidx8 == i2)
    masked = jnp.where(gsel, sfc, NEG)

    e_m1 = jnp.max(masked, axis=-1, keepdims=True)
    e1 = jnp.min(jnp.where(masked == e_m1, eidx, E), axis=-1, keepdims=True)
    masked2 = jnp.where(eidx == e1, NEG, masked)
    e_m2 = jnp.max(masked2, axis=-1, keepdims=True)
    e2 = jnp.min(jnp.where(masked2 == e_m2, eidx, E), axis=-1, keepdims=True)

    sel1 = (eidx == e1)
    sel2 = (eidx == e2)
    w1 = jnp.sum(jnp.where(sel1, scores, 0.0), axis=-1, keepdims=True)
    w2 = jnp.sum(jnp.where(sel2, scores, 0.0), axis=-1, keepdims=True)
    denom = w1 + w2 + 1e-20
    w1_ref[...] = jnp.broadcast_to(w1 / denom, (T, 128))
    w2_ref[...] = jnp.broadcast_to(w2 / denom, (T, 128))

    mask = (sel1 | sel2).astype(jnp.float32)
    r_t = lax.broadcasted_iota(jnp.int32, (T, T), 0)
    c_t = lax.broadcasted_iota(jnp.int32, (T, T), 1)
    ltri = (c_t < r_t).astype(jnp.float32)
    rank = lax.dot_general(ltri, mask, (((1,), (0,)), ((), ())),
                           preferred_element_type=jnp.float32)
    counts = jnp.sum(mask, axis=0, keepdims=True)
    lidx = lax.broadcasted_iota(jnp.int32, (1, E), 1)
    offs = jnp.zeros((1, E), jnp.float32)
    for e in range(1, E):
        off_e = jnp.sum(jnp.where(lidx < e, counts, 0.0),
                        axis=-1, keepdims=True)
        offs = jnp.where(lidx == e, off_e, offs)
    pos = offs + rank
    p1_ref[...] = jnp.sum(jnp.where(sel1, pos, 0.0), axis=-1,
                          keepdims=True).astype(jnp.int32)
    p2_ref[...] = jnp.sum(jnp.where(sel2, pos, 0.0), axis=-1,
                          keepdims=True).astype(jnp.int32)
    counts_ref[...] = counts.astype(jnp.int32)


def _gmm_kernel(tid_ref, eid_ref, lo_ref, hi_ref, first_ref,
                xs_ref, ws_ref, wg_ref, wu_ref, wd_ref, out_ref):
    s = pl.program_id(0)
    xs = xs_ref[...].astype(jnp.bfloat16)
    wg = wg_ref[0].astype(jnp.bfloat16)
    wu = wu_ref[0].astype(jnp.bfloat16)
    wd = wd_ref[0].astype(jnp.bfloat16)
    g = lax.dot_general(xs, wg, (((1,), (1,)), ((), ())),
                        preferred_element_type=jnp.float32)
    u = lax.dot_general(xs, wu, (((1,), (1,)), ((), ())),
                        preferred_element_type=jnp.float32)
    wv = jnp.max(ws_ref[...], axis=-1, keepdims=True)
    ridx = lax.broadcasted_iota(jnp.int32, (BT, FFN), 0)
    live = (ridx >= lo_ref[s]) & (ridx < hi_ref[s])
    a = jnp.where(live, g * jax.nn.sigmoid(g) * u * wv,
                  0.0).astype(jnp.bfloat16)
    partial = lax.dot_general(a, wd, (((1,), (1,)), ((), ())),
                              preferred_element_type=jnp.float32)

    @pl.when(first_ref[s] != 0)
    def _():
        out_ref[...] = partial

    @pl.when(first_ref[s] == 0)
    def _():
        out_ref[...] += partial


def _shared_kernel(x_ref, r1_ref, r2_ref, wg_ref, wu_ref, wd_ref, out_ref):
    x = x_ref[...]
    wg = wg_ref[...].astype(jnp.bfloat16)
    wu = wu_ref[...].astype(jnp.bfloat16)
    wd = wd_ref[...].astype(jnp.bfloat16)
    g = lax.dot_general(x, wg, (((1,), (1,)), ((), ())),
                        preferred_element_type=jnp.float32)
    u = lax.dot_general(x, wu, (((1,), (1,)), ((), ())),
                        preferred_element_type=jnp.float32)
    a = (g * jax.nn.sigmoid(g) * u).astype(jnp.bfloat16)
    partial = lax.dot_general(a, wd, (((1,), (1,)), ((), ())),
                              preferred_element_type=jnp.float32)

    @pl.when(pl.program_id(0) == 0)
    def _():
        out_ref[...] = partial + r1_ref[...] + r2_ref[...]

    @pl.when(pl.program_id(0) > 0)
    def _():
        out_ref[...] += partial


def _dispatch_body(x_hbm, p1_hbm, p2_hbm, w1_hbm, w2_hbm, xs_hbm, ws_hbm,
                   idx1_v, idx2_v, rows_v, w1rows_v, w2rows_v, sem):
    wid = lax.axis_index("s") * NC + lax.axis_index("c")
    base = wid * TPW
    pltpu.sync_copy(p1_hbm.at[pl.ds(base, TPW)], idx1_v)
    pltpu.sync_copy(p2_hbm.at[pl.ds(base, TPW)], idx2_v)
    pltpu.sync_copy(x_hbm.at[pl.ds(base, TPW)], rows_v)
    pltpu.sync_copy(w1_hbm.at[pl.ds(base, TPW)], w1rows_v)
    pltpu.sync_copy(w2_hbm.at[pl.ds(base, TPW)], w2rows_v)
    c1 = pltpu.async_copy(rows_v, xs_hbm.at[idx1_v], sem)
    c2 = pltpu.async_copy(rows_v, xs_hbm.at[idx2_v], sem)
    c3 = pltpu.async_copy(w1rows_v, ws_hbm.at[idx1_v], sem)
    c4 = pltpu.async_copy(w2rows_v, ws_hbm.at[idx2_v], sem)
    c1.wait()
    c2.wait()
    c3.wait()
    c4.wait()


def _combine_body(douts_hbm, p1_hbm, p2_hbm,
                  rp1_hbm, rp2_hbm, idx1_v, idx2_v, r1_v, r2_v, sem0, sem1):
    wid = lax.axis_index("s") * NC + lax.axis_index("c")
    nch = TPW // CH
    sems = (sem0, sem1)

    def fire(c, b):
        cbase = wid * TPW + c * CH
        pltpu.sync_copy(p1_hbm.at[pl.ds(cbase, CH)], idx1_v.at[b])
        pltpu.sync_copy(p2_hbm.at[pl.ds(cbase, CH)], idx2_v.at[b])
        return (pltpu.async_copy(douts_hbm.at[idx1_v.at[b]], r1_v.at[b],
                                 sems[b]),
                pltpu.async_copy(douts_hbm.at[idx2_v.at[b]], r2_v.at[b],
                                 sems[b]))

    pend = fire(0, 0)
    for c in range(nch):
        b = c % 2
        nxt = fire(c + 1, 1 - b) if c + 1 < nch else None
        pend[0].wait()
        pend[1].wait()
        cbase = wid * TPW + c * CH
        pltpu.sync_copy(r1_v.at[b], rp1_hbm.at[pl.ds(cbase, CH)])
        pltpu.sync_copy(r2_v.at[b], rp2_hbm.at[pl.ds(cbase, CH)])
        pend = nxt


def _step_table(counts):
    b = jnp.concatenate([jnp.zeros((1,), jnp.int32),
                         jnp.cumsum(counts)]).astype(jnp.int32)
    ii = jnp.arange(NT, dtype=jnp.int32)[:, None]
    ee = jnp.arange(E, dtype=jnp.int32)[None, :]
    lo = jnp.maximum(b[ee], BT * ii)
    hi = jnp.minimum(b[ee + 1], BT * ii + BT)
    act = lo < hi
    posn = jnp.cumsum(act.reshape(-1)).astype(jnp.int32) - 1
    wpos = jnp.where(act.reshape(-1), posn, S)
    first = act & (jnp.cumsum(act, axis=1) == 1)

    def scat(vals, fill):
        return jnp.full((S,), fill, jnp.int32).at[wpos].set(
            vals.reshape(-1).astype(jnp.int32), mode="drop")

    t_idx = scat(jnp.broadcast_to(ii, (NT, E)), NT - 1)
    e_idx = scat(jnp.broadcast_to(ee, (NT, E)), E - 1)
    lo_r = scat(lo - BT * ii, 0)
    hi_r = scat(hi - BT * ii, 0)
    first_i = scat(first, 0)
    return t_idx, e_idx, lo_r, hi_r, first_i


def kernel(hidden_states, gate_weight, e_score_correction_bias, expert_gate,
           expert_up, expert_down, shared_gate, shared_up, shared_down):
    x = hidden_states.reshape(T, H)
    scores = jax.nn.sigmoid(x @ gate_weight.astype(jnp.float32).T)

    p1, p2, w1, w2, counts = pl.pallas_call(
        _router_kernel,
        out_shape=[
            jax.ShapeDtypeStruct((T, 1), jnp.int32),
            jax.ShapeDtypeStruct((T, 1), jnp.int32),
            jax.ShapeDtypeStruct((T, 128), jnp.float32),
            jax.ShapeDtypeStruct((T, 128), jnp.float32),
            jax.ShapeDtypeStruct((1, E), jnp.int32),
        ],
    )(scores, e_score_correction_bias.reshape(1, E))
    p1 = p1.reshape(T)
    p2 = p2.reshape(T)

    t_idx, e_idx, lo_r, hi_r, first_i = _step_table(counts.reshape(E))

    xb = x.astype(jnp.bfloat16)
    mesh = plsc.VectorSubcoreMesh(core_axis_name="c", subcore_axis_name="s")
    xs, ws = pl.kernel(
        _dispatch_body,
        out_type=[
            jax.ShapeDtypeStruct((R, H), jnp.float32),
            jax.ShapeDtypeStruct((R, 128), jnp.float32),
        ],
        mesh=mesh,
        scratch_types=[
            pltpu.VMEM((TPW,), jnp.int32),
            pltpu.VMEM((TPW,), jnp.int32),
            pltpu.VMEM((TPW, H), jnp.float32),
            pltpu.VMEM((TPW, 128), jnp.float32),
            pltpu.VMEM((TPW, 128), jnp.float32),
            pltpu.SemaphoreType.DMA,
        ],
    )(x, p1, p2, w1, w2)

    douts = pl.pallas_call(
        _gmm_kernel,
        grid_spec=pltpu.PrefetchScalarGridSpec(
            num_scalar_prefetch=5,
            grid=(S,),
            in_specs=[
                pl.BlockSpec((BT, H), lambda s, t, e, lo, hi, f: (t[s], 0)),
                pl.BlockSpec((BT, 128), lambda s, t, e, lo, hi, f: (t[s], 0)),
                pl.BlockSpec((1, FFN, H),
                             lambda s, t, e, lo, hi, f: (e[s], 0, 0)),
                pl.BlockSpec((1, FFN, H),
                             lambda s, t, e, lo, hi, f: (e[s], 0, 0)),
                pl.BlockSpec((1, H, FFN),
                             lambda s, t, e, lo, hi, f: (e[s], 0, 0)),
            ],
            out_specs=pl.BlockSpec((BT, H),
                                   lambda s, t, e, lo, hi, f: (t[s], 0)),
        ),
        out_shape=jax.ShapeDtypeStruct((R, H), jnp.float32),
    )(t_idx, e_idx, lo_r, hi_r, first_i, xs, ws, expert_gate, expert_up,
      expert_down)

    rp1, rp2 = pl.kernel(
        _combine_body,
        out_type=[
            jax.ShapeDtypeStruct((T, H), jnp.float32),
            jax.ShapeDtypeStruct((T, H), jnp.float32),
        ],
        mesh=mesh,
        scratch_types=[
            pltpu.VMEM((2, CH), jnp.int32),
            pltpu.VMEM((2, CH), jnp.int32),
            pltpu.VMEM((2, CH, H), jnp.float32),
            pltpu.VMEM((2, CH, H), jnp.float32),
            pltpu.SemaphoreType.DMA,
            pltpu.SemaphoreType.DMA,
        ],
    )(douts, p1, p2)

    out = pl.pallas_call(
        _shared_kernel,
        grid=(NJS,),
        in_specs=[
            pl.BlockSpec((T, H), lambda j: (0, 0)),
            pl.BlockSpec((T, H), lambda j: (0, 0)),
            pl.BlockSpec((T, H), lambda j: (0, 0)),
            pl.BlockSpec((BC, H), lambda j: (j, 0)),
            pl.BlockSpec((BC, H), lambda j: (j, 0)),
            pl.BlockSpec((H, BC), lambda j: (0, j)),
        ],
        out_specs=pl.BlockSpec((T, H), lambda j: (0, 0)),
        out_shape=jax.ShapeDtypeStruct((T, H), jnp.float32),
    )(xb, rp1, rp2, shared_gate, shared_up, shared_down)

    return out.reshape(1, T, H)

# --- scband reference (transcript-rebuilt; emitter-appended) ---
"""Pipeline reference for scband-deep-seek-v3-style-mo-e-71640054497668 (READ-ONLY COPY).

The authoritative reference and input builder live on the scoring server;
editing this copy changes nothing except your own understanding.
"""

import jax, jax.numpy as jnp
import numpy as np

B, S, H = 1, 2048, 1024
FFN = 512
SFFN = 2048
E = 8
TOPK = 2
NGROUP = 4
TOPKG = 2
NORM_TOPK = True
SCALE = 1.0


def setup_inputs(seed: int = 0) -> dict:
    key = jax.random.key(seed)
    ks = jax.random.split(key, 9)
    return {
        "hidden_states": jax.random.normal(ks[0], (B, S, H), dtype=jnp.float32),
        "gate_weight": jax.random.normal(ks[1], (E, H), dtype=jnp.float32) * 0.02,
        "e_score_correction_bias": jnp.zeros((E,), dtype=jnp.float32),
        "expert_gate": jax.random.normal(ks[2], (E, FFN, H), dtype=jnp.float32) * 0.02,
        "expert_up": jax.random.normal(ks[3], (E, FFN, H), dtype=jnp.float32) * 0.02,
        "expert_down": jax.random.normal(ks[4], (E, H, FFN), dtype=jnp.float32) * 0.02,
        "shared_gate": jax.random.normal(ks[5], (SFFN, H), dtype=jnp.float32) * 0.02,
        "shared_up": jax.random.normal(ks[6], (SFFN, H), dtype=jnp.float32) * 0.02,
        "shared_down": jax.random.normal(ks[7], (H, SFFN), dtype=jnp.float32) * 0.02,
    }


def _group_limited_greedy(scores, correction_bias):
    T, N = scores.shape
    epg = N // NGROUP
    scores_for_choice = scores + correction_bias[None, :]
    gs = scores_for_choice.reshape(T, NGROUP, epg)
    group_scores = jax.lax.top_k(gs, 2)[0].sum(axis=-1)  # [T, NGROUP]
    group_idx = jax.lax.top_k(group_scores, TOPKG)[1]    # [T, TOPKG]
    group_mask = jax.nn.one_hot(group_idx, NGROUP, dtype=scores.dtype).sum(axis=1)  # [T, NGROUP]
    score_mask = jnp.broadcast_to(group_mask[:, :, None], (T, NGROUP, epg)).reshape(T, N)
    masked_scores = jnp.where(score_mask > 0, scores_for_choice, -jnp.inf)
    topk_idx = jax.lax.top_k(masked_scores, TOPK)[1]     # [T, TOPK]
    topk_weight = jnp.take_along_axis(scores, topk_idx, axis=1)
    return topk_weight, topk_idx


def reference(hidden_states, gate_weight, e_score_correction_bias, expert_gate, expert_up, expert_down, shared_gate, shared_up, shared_down):
    Bb, Ss, Hh = hidden_states.shape
    hidden = hidden_states.reshape(-1, Hh)
    logits = hidden.astype(jnp.float32) @ gate_weight.astype(jnp.float32).T
    scores = jax.nn.sigmoid(logits)
    topk_weight, topk_idx = _group_limited_greedy(scores, e_score_correction_bias.astype(jnp.float32))
    if NORM_TOPK:
        topk_weight = topk_weight / (topk_weight.sum(axis=-1, keepdims=True) + 1e-20)
    topk_weight = (topk_weight * SCALE).astype(hidden.dtype)
    # dense dispatch: one-hot weight matrix, run all experts
    one_hot = jax.nn.one_hot(topk_idx, E, dtype=topk_weight.dtype)  # [T, TOPK, E]
    weight_matrix = (one_hot * topk_weight[:, :, None]).sum(axis=1)  # [T, E]
    g = jnp.einsum('th,efh->tef', hidden, expert_gate)
    u = jnp.einsum('th,efh->tef', hidden, expert_up)
    d = jnp.einsum('tef,ehf->teh', jax.nn.silu(g) * u, expert_down)
    routed = jnp.einsum('teh,te->th', d, weight_matrix)
    shared = (jax.nn.silu(hidden @ shared_gate.T) * (hidden @ shared_up.T)) @ shared_down.T
    return (routed + shared).reshape(Bb, Ss, Hh)

if __name__ == "__main__":
    import jax
    _d = setup_inputs()
    print(jax.jit(kernel)(*tuple(_d.values())))

</pallas_src>

<mosaic_0001>
#map = affine_map<(d0, d1) -> (0, 0)>
#map1 = affine_map<(d0, d1) -> (0)>
module attributes {stable_mosaic.version = 14 : i64} {
  func.func @_dispatch_body(%arg0: i32, %arg1: i32, %arg2: memref<2048x1024xf32, #tpu.memory_space<hbm>>, %arg3: memref<2048xi32, #tpu.memory_space<hbm>>, %arg4: memref<2048xi32, #tpu.memory_space<hbm>>, %arg5: memref<2048x128xf32, #tpu.memory_space<hbm>>, %arg6: memref<2048x128xf32, #tpu.memory_space<hbm>>, %arg7: memref<4096x1024xf32, #tpu.memory_space<hbm>>, %arg8: memref<4096x128xf32, #tpu.memory_space<hbm>>, %arg9: memref<64xi32, #tpu.memory_space<vmem>>, %arg10: memref<64xi32, #tpu.memory_space<vmem>>, %arg11: memref<64x1024xf32, #tpu.memory_space<vmem>>, %arg12: memref<64x128xf32, #tpu.memory_space<vmem>>, %arg13: memref<64x128xf32, #tpu.memory_space<vmem>>, %arg14: memref<!tpu.dma_semaphore, #tpu.memory_space<semaphore_mem>>) attributes {dimension_semantics = [#tpu.dimension_semantics<core_parallel>, #tpu.dimension_semantics<subcore_parallel>], iteration_bounds = array<i64: 2, 16>, scalar_prefetch = 0 : i64, scratch_operands = 6 : i64, tpu.core_type = #tpu.core_type<sc_vector_subcore>, window_params = [{transform_indices = #map}, {transform_indices = #map1}, {transform_indices = #map1}, {transform_indices = #map}, {transform_indices = #map}, {transform_indices = #map}, {transform_indices = #map}]} {
    %mul3A = arith.constant 2 : i32
    %mul3A_0 = arith.muli %arg1, %mul3A : i32
    %add3A = arith.addi %mul3A_0, %arg0 : i32
    %mul3A_1 = arith.constant 64 : i32
    %mul3A_2 = arith.muli %add3A, %mul3A_1 : i32
    "tpu.region"() ({
      %run_scoped3A = tpu.sem_alloc : memref<!tpu.dma_semaphore, #tpu.memory_space<semaphore_mem>>
      %dma_start3A_25 = tpu.memref_slice %arg3[%mul3A_2] : memref<2048xi32, #tpu.memory_space<hbm>> -> memref<64xi32, #tpu.memory_space<hbm>>
      %dma_start3A_26 = tpu.memref_slice %arg3[%mul3A_2] : memref<2048xi32, #tpu.memory_space<hbm>> -> memref<64xi32, #tpu.memory_space<hbm>>
      tpu.enqueue_dma source(%dma_start3A_26 : memref<64xi32, #tpu.memory_space<hbm>>) target(%arg9 : memref<64xi32, #tpu.memory_space<vmem>>) target_semaphore(%run_scoped3A : memref<!tpu.dma_semaphore, #tpu.memory_space<semaphore_mem>>)
      %dma_wait3A_27 = tpu.memref_slice %arg3[%mul3A_2] : memref<2048xi32, #tpu.memory_space<hbm>> -> memref<64xi32, #tpu.memory_space<hbm>>
      %dma_wait3A_28 = tpu.memref_slice %arg3[%mul3A_2] : memref<2048xi32, #tpu.memory_space<hbm>> -> memref<64xi32, #tpu.memory_space<hbm>>
      tpu.wait_dma2 semaphore(%run_scoped3A : memref<!tpu.dma_semaphore, #tpu.memory_space<semaphore_mem>>) src(%dma_wait3A_28 : memref<64xi32, #tpu.memory_space<hbm>>) dst(%arg9 : memref<64xi32, #tpu.memory_space<vmem>>)
      tpu.yield
    }) : () -> ()
    "tpu.region"() ({
      %run_scoped3A = tpu.sem_alloc : memref<!tpu.dma_semaphore, #tpu.memory_space<semaphore_mem>>
      %dma_start3A_25 = tpu.memref_slice %arg4[%mul3A_2] : memref<2048xi32, #tpu.memory_space<hbm>> -> memref<64xi32, #tpu.memory_space<hbm>>
      %dma_start3A_26 = tpu.memref_slice %arg4[%mul3A_2] : memref<2048xi32, #tpu.memory_space<hbm>> -> memref<64xi32, #tpu.memory_space<hbm>>
      tpu.enqueue_dma source(%dma_start3A_26 : memref<64xi32, #tpu.memory_space<hbm>>) target(%arg10 : memref<64xi32, #tpu.memory_space<vmem>>) target_semaphore(%run_scoped3A : memref<!tpu.dma_semaphore, #tpu.memory_space<semaphore_mem>>)
      %dma_wait3A_27 = tpu.memref_slice %arg4[%mul3A_2] : memref<2048xi32, #tpu.memory_space<hbm>> -> memref<64xi32, #tpu.memory_space<hbm>>
      %dma_wait3A_28 = tpu.memref_slice %arg4[%mul3A_2] : memref<2048xi32, #tpu.memory_space<hbm>> -> memref<64xi32, #tpu.memory_space<hbm>>
      tpu.wait_dma2 semaphore(%run_scoped3A : memref<!tpu.dma_semaphore, #tpu.memory_space<semaphore_mem>>) src(%dma_wait3A_28 : memref<64xi32, #tpu.memory_space<hbm>>) dst(%arg10 : memref<64xi32, #tpu.memory_space<vmem>>)
      tpu.yield
    }) : () -> ()
    "tpu.region"() ({
      %run_scoped3A = tpu.sem_alloc : memref<!tpu.dma_semaphore, #tpu.memory_space<semaphore_mem>>
      %dma_start3A_25 = arith.constant 0 : i32
      %dma_start3A_26 = tpu.memref_slice %arg2[%mul3A_2, %dma_start3A_25] : memref<2048x1024xf32, #tpu.memory_space<hbm>> -> memref<64x1024xf32, #tpu.memory_space<hbm>>
      %dma_start3A_27 = arith.constant 0 : i32
      %dma_start3A_28 = tpu.memref_slice %arg2[%mul3A_2, %dma_start3A_27] : memref<2048x1024xf32, #tpu.memory_space<hbm>> -> memref<64x1024xf32, #tpu.memory_space<hbm>>
      tpu.enqueue_dma source(%dma_start3A_28 : memref<64x1024xf32, #tpu.memory_space<hbm>>) target(%arg11 : memref<64x1024xf32, #tpu.memory_space<vmem>>) target_semaphore(%run_scoped3A : memref<!tpu.dma_semaphore, #tpu.memory_space<semaphore_mem>>)
      %dma_wait3A_29 = arith.constant 0 : i32
      %dma_wait3A_30 = tpu.memref_slice %arg2[%mul3A_2, %dma_wait3A_29] : memref<2048x1024xf32, #tpu.memory_space<hbm>> -> memref<64x1024xf32, #tpu.memory_space<hbm>>
      %dma_wait3A_31 = arith.constant 0 : i32
      %dma_wait3A_32 = tpu.memref_slice %arg2[%mul3A_2, %dma_wait3A_31] : memref<2048x1024xf32, #tpu.memory_space<hbm>> -> memref<64x1024xf32, #tpu.memory_space<hbm>>
      tpu.wait_dma2 semaphore(%run_scoped3A : memref<!tpu.dma_semaphore, #tpu.memory_space<semaphore_mem>>) src(%dma_wait3A_32 : memref<64x1024xf32, #tpu.memory_space<hbm>>) dst(%arg11 : memref<64x1024xf32, #tpu.memory_space<vmem>>)
      tpu.yield
    }) : () -> ()
    "tpu.region"() ({
      %run_scoped3A = tpu.sem_alloc : memref<!tpu.dma_semaphore, #tpu.memory_space<semaphore_mem>>
      %dma_start3A_25 = arith.constant 0 : i32
      %dma_start3A_26 = tpu.memref_slice %arg5[%mul3A_2, %dma_start3A_25] : memref<2048x128xf32, #tpu.memory_space<hbm>> -> memref<64x128xf32, #tpu.memory_space<hbm>>
      %dma_start3A_27 = arith.constant 0 : i32
      %dma_start3A_28 = tpu.memref_slice %arg5[%mul3A_2, %dma_start3A_27] : memref<2048x128xf32, #tpu.memory_space<hbm>> -> memref<64x128xf32, #tpu.memory_space<hbm>>
      tpu.enqueue_dma source(%dma_start3A_28 : memref<64x128xf32, #tpu.memory_space<hbm>>) target(%arg12 : memref<64x128xf32, #tpu.memory_space<vmem>>) target_semaphore(%run_scoped3A : memref<!tpu.dma_semaphore, #tpu.memory_space<semaphore_mem>>)
      %dma_wait3A_29 = arith.constant 0 : i32
      %dma_wait3A_30 = tpu.memref_slice %arg5[%mul3A_2, %dma_wait3A_29] : memref<2048x128xf32, #tpu.memory_space<hbm>> -> memref<64x128xf32, #tpu.memory_space<hbm>>
      %dma_wait3A_31 = arith.constant 0 : i32
      %dma_wait3A_32 = tpu.memref_slice %arg5[%mul3A_2, %dma_wait3A_31] : memref<2048x128xf32, #tpu.memory_space<hbm>> -> memref<64x128xf32, #tpu.memory_space<hbm>>
      tpu.wait_dma2 semaphore(%run_scoped3A : memref<!tpu.dma_semaphore, #tpu.memory_space<semaphore_mem>>) src(%dma_wait3A_32 : memref<64x128xf32, #tpu.memory_space<hbm>>) dst(%arg12 : memref<64x128xf32, #tpu.memory_space<vmem>>)
      tpu.yield
    }) : () -> ()
    "tpu.region"() ({
      %run_scoped3A = tpu.sem_alloc : memref<!tpu.dma_semaphore, #tpu.memory_space<semaphore_mem>>
      %dma_start3A_25 = arith.constant 0 : i32
      %dma_start3A_26 = tpu.memref_slice %arg6[%mul3A_2, %dma_start3A_25] : memref<2048x128xf32, #tpu.memory_space<hbm>> -> memref<64x128xf32, #tpu.memory_space<hbm>>
      %dma_start3A_27 = arith.constant 0 : i32
      %dma_start3A_28 = tpu.memref_slice %arg6[%mul3A_2, %dma_start3A_27] : memref<2048x128xf32, #tpu.memory_space<hbm>> -> memref<64x128xf32, #tpu.memory_space<hbm>>
      tpu.enqueue_dma source(%dma_start3A_28 : memref<64x128xf32, #tpu.memory_space<hbm>>) target(%arg13 : memref<64x128xf32, #tpu.memory_space<vmem>>) target_semaphore(%run_scoped3A : memref<!tpu.dma_semaphore, #tpu.memory_space<semaphore_mem>>)
      %dma_wait3A_29 = arith.constant 0 : i32
      %dma_wait3A_30 = tpu.memref_slice %arg6[%mul3A_2, %dma_wait3A_29] : memref<2048x128xf32, #tpu.memory_space<hbm>> -> memref<64x128xf32, #tpu.memory_space<hbm>>
      %dma_wait3A_31 = arith.constant 0 : i32
      %dma_wait3A_32 = tpu.memref_slice %arg6[%mul3A_2, %dma_wait3A_31] : memref<2048x128xf32, #tpu.memory_space<hbm>> -> memref<64x128xf32, #tpu.memory_space<hbm>>
      tpu.wait_dma2 semaphore(%run_scoped3A : memref<!tpu.dma_semaphore, #tpu.memory_space<semaphore_mem>>) src(%dma_wait3A_32 : memref<64x128xf32, #tpu.memory_space<hbm>>) dst(%arg13 : memref<64x128xf32, #tpu.memory_space<vmem>>)
      tpu.yield
    }) : () -> ()
    %dma_start3A = arith.constant 0 : i32
    %dma_start3A_3 = arith.constant 0 : i32
    %dma_start3A_4 = tpu.memref_slice %arg7[%dma_start3A, %dma_start3A_3] : memref<4096x1024xf32, #tpu.memory_space<hbm>> -> memref<4096x1024xf32, #tpu.memory_space<hbm>>
    tpu.enqueue_indirect_dma source(%arg11 : memref<64x1024xf32, #tpu.memory_space<vmem>>) target(%dma_start3A_4 : memref<4096x1024xf32, #tpu.memory_space<hbm>>) offsets(%arg9 : memref<64xi32, #tpu.memory_space<vmem>>) semaphore(%arg14 : memref<!tpu.dma_semaphore, #tpu.memory_space<semaphore_mem>>)
    %dma_start3A_5 = arith.constant 0 : i32
    %dma_start3A_6 = arith.constant 0 : i32
    %dma_start3A_7 = tpu.memref_slice %arg7[%dma_start3A_5, %dma_start3A_6] : memref<4096x1024xf32, #tpu.memory_space<hbm>> -> memref<4096x1024xf32, #tpu.memory_space<hbm>>
    tpu.enqueue_indirect_dma source(%arg11 : memref<64x1024xf32, #tpu.memory_space<vmem>>) target(%dma_start3A_7 : memref<4096x1024xf32, #tpu.memory_space<hbm>>) offsets(%arg10 : memref<64xi32, #tpu.memory_space<vmem>>) semaphore(%arg14 : memref<!tpu.dma_semaphore, #tpu.memory_space<semaphore_mem>>)
    %dma_start3A_8 = arith.constant 0 : i32
    %dma_start3A_9 = arith.constant 0 : i32
    %dma_start3A_10 = tpu.memref_slice %arg8[%dma_start3A_8, %dma_start3A_9] : memref<4096x128xf32, #tpu.memory_space<hbm>> -> memref<4096x128xf32, #tpu.memory_space<hbm>>
    tpu.enqueue_indirect_dma source(%arg12 : memref<64x128xf32, #tpu.memory_space<vmem>>) target(%dma_start3A_10 : memref<4096x128xf32, #tpu.memory_space<hbm>>) offsets(%arg9 : memref<64xi32, #tpu.memory_space<vmem>>) semaphore(%arg14 : memref<!tpu.dma_semaphore, #tpu.memory_space<semaphore_mem>>)
    %dma_start3A_11 = arith.constant 0 : i32
    %dma_start3A_12 = arith.constant 0 : i32
    %dma_start3A_13 = tpu.memref_slice %arg8[%dma_start3A_11, %dma_start3A_12] : memref<4096x128xf32, #tpu.memory_space<hbm>> -> memref<4096x128xf32, #tpu.memory_space<hbm>>
    tpu.enqueue_indirect_dma source(%arg13 : memref<64x128xf32, #tpu.memory_space<vmem>>) target(%dma_start3A_13 : memref<4096x128xf32, #tpu.memory_space<hbm>>) offsets(%arg10 : memref<64xi32, #tpu.memory_space<vmem>>) semaphore(%arg14 : memref<!tpu.dma_semaphore, #tpu.memory_space<semaphore_mem>>)
    %dma_wait3A = arith.constant 0 : i32
    %dma_wait3A_14 = arith.constant 0 : i32
    %dma_wait3A_15 = tpu.memref_slice %arg7[%dma_wait3A, %dma_wait3A_14] : memref<4096x1024xf32, #tpu.memory_space<hbm>> -> memref<4096x1024xf32, #tpu.memory_space<hbm>>
    tpu.wait_indirect_dma semaphore(%arg14 : memref<!tpu.dma_semaphore, #tpu.memory_space<semaphore_mem>>) src(%arg11 : memref<64x1024xf32, #tpu.memory_space<vmem>>) dst(%dma_wait3A_15 : memref<4096x1024xf32, #tpu.memory_space<hbm>>)
    %dma_wait3A_16 = arith.constant 0 : i32
    %dma_wait3A_17 = arith.constant 0 : i32
    %dma_wait3A_18 = tpu.memref_slice %arg7[%dma_wait3A_16, %dma_wait3A_17] : memref<4096x1024xf32, #tpu.memory_space<hbm>> -> memref<4096x1024xf32, #tpu.memory_space<hbm>>
    tpu.wait_indirect_dma semaphore(%arg14 : memref<!tpu.dma_semaphore, #tpu.memory_space<semaphore_mem>>) src(%arg11 : memref<64x1024xf32, #tpu.memory_space<vmem>>) dst(%dma_wait3A_18 : memref<4096x1024xf32, #tpu.memory_space<hbm>>)
    %dma_wait3A_19 = arith.constant 0 : i32
    %dma_wait3A_20 = arith.constant 0 : i32
    %dma_wait3A_21 = tpu.memref_slice %arg8[%dma_wait3A_19, %dma_wait3A_20] : memref<4096x128xf32, #tpu.memory_space<hbm>> -> memref<4096x128xf32, #tpu.memory_space<hbm>>
    tpu.wait_indirect_dma semaphore(%arg14 : memref<!tpu.dma_semaphore, #tpu.memory_space<semaphore_mem>>) src(%arg12 : memref<64x128xf32, #tpu.memory_space<vmem>>) dst(%dma_wait3A_21 : memref<4096x128xf32, #tpu.memory_space<hbm>>)
    %dma_wait3A_22 = arith.constant 0 : i32
    %dma_wait3A_23 = arith.constant 0 : i32
    %dma_wait3A_24 = tpu.memref_slice %arg8[%dma_wait3A_22, %dma_wait3A_23] : memref<4096x128xf32, #tpu.memory_space<hbm>> -> memref<4096x128xf32, #tpu.memory_space<hbm>>
    tpu.wait_indirect_dma semaphore(%arg14 : memref<!tpu.dma_semaphore, #tpu.memory_space<semaphore_mem>>) src(%arg13 : memref<64x128xf32, #tpu.memory_space<vmem>>) dst(%dma_wait3A_24 : memref<4096x128xf32, #tpu.memory_space<hbm>>)
    return
  }
}

#map = affine_map<(d0, d1) -> (0, 0)>
#map1 = affine_map<(d0, d1) -> (0)>
module attributes {stable_mosaic.version = 14 : i64} {
  func.func @_combine_body(%arg0: i32, %arg1: i32, %arg2: memref<4096x1024xf32, #tpu.memory_space<hbm>>, %arg3: memref<2048xi32, #tpu.memory_space<hbm>>, %arg4: memref<2048xi32, #tpu.memory_space<hbm>>, %arg5: memref<2048x1024xf32, #tpu.memory_space<hbm>>, %arg6: memref<2048x1024xf32, #tpu.memory_space<hbm>>, %arg7: memref<2x16xi32, #tpu.memory_space<vmem>>, %arg8: memref<2x16xi32, #tpu.memory_space<vmem>>, %arg9: memref<2x16x1024xf32, #tpu.memory_space<vmem>>, %arg10: memref<2x16x1024xf32, #tpu.memory_space<vmem>>, %arg11: memref<!tpu.dma_semaphore, #tpu.memory_space<semaphore_mem>>, %arg12: memref<!tpu.dma_semaphore, #tpu.memory_space<semaphore_mem>>) attributes {dimension_semantics = [#tpu.dimension_semantics<core_parallel>, #tpu.dimension_semantics<subcore_parallel>], iteration_bounds = array<i64: 2, 16>, scalar_prefetch = 0 : i64, scratch_operands = 6 : i64, tpu.core_type = #tpu.core_type<sc_vector_subcore>, window_params = [{transform_indices = #map}, {transform_indices = #map1}, {transform_indices = #map1}, {transform_indices = #map}, {transform_indices = #map}]} {
    %mul3A = arith.constant 2 : i32
    %mul3A_0 = arith.muli %arg1, %mul3A : i32
    %add3A = arith.addi %mul3A_0, %arg0 : i32
    %mul3A_1 = arith.constant 64 : i32
    %mul3A_2 = arith.muli %add3A, %mul3A_1 : i32
    %add3A_3 = arith.constant 0 : i32
    %add3A_4 = arith.addi %mul3A_2, %add3A_3 : i32
    %run_scoped3A = arith.constant 0 : i32
    "tpu.region"() ({
      %run_scoped3A_238 = tpu.sem_alloc : memref<!tpu.dma_semaphore, #tpu.memory_space<semaphore_mem>>
      %dma_start3A_239 = arith.constant 0 : i32
      %dma_start3A_240 = tpu.memref_slice %arg7[%run_scoped3A, %dma_start3A_239] : memref<2x16xi32, #tpu.memory_space<vmem>> -> memref<1x16xi32, #tpu.memory_space<vmem>>
      %dma_start3A_241 = tpu.memref_squeeze %dma_start3A_240 : memref<1x16xi32, #tpu.memory_space<vmem>> -> memref<16xi32, #tpu.memory_space<vmem>>
      %dma_start3A_242 = tpu.memref_slice %arg3[%add3A_4] : memref<2048xi32, #tpu.memory_space<hbm>> -> memref<16xi32, #tpu.memory_space<hbm>>
      %dma_start3A_243 = arith.constant 0 : i32
      %dma_start3A_244 = tpu.memref_slice %arg7[%run_scoped3A, %dma_start3A_243] : memref<2x16xi32, #tpu.memory_space<vmem>> -> memref<1x16xi32, #tpu.memory_space<vmem>>
      %dma_start3A_245 = tpu.memref_squeeze %dma_start3A_244 : memref<1x16xi32, #tpu.memory_space<vmem>> -> memref<16xi32, #tpu.memory_space<vmem>>
      %dma_start3A_246 = tpu.memref_slice %arg3[%add3A_4] : memref<2048xi32, #tpu.memory_space<hbm>> -> memref<16xi32, #tpu.memory_space<hbm>>
      tpu.enqueue_dma source(%dma_start3A_246 : memref<16xi32, #tpu.memory_space<hbm>>) target(%dma_start3A_245 : memref<16xi32, #tpu.memory_space<vmem>>) target_semaphore(%run_scoped3A_238 : memref<!tpu.dma_semaphore, #tpu.memory_space<semaphore_mem>>)
      %dma_wait3A_247 = arith.constant 0 : i32
      %dma_wait3A_248 = tpu.memref_slice %arg7[%run_scoped3A, %dma_wait3A_247] : memref<2x16xi32, #tpu.memory_space<vmem>> -> memref<1x16xi32, #tpu.memory_space<vmem>>
      %dma_wait3A_249 = tpu.memref_squeeze %dma_wait3A_248 : memref<1x16xi32, #tpu.memory_space<vmem>> -> memref<16xi32, #tpu.memory_space<vmem>>
      %dma_wait3A_250 = tpu.memref_slice %arg3[%add3A_4] : memref<2048xi32, #tpu.memory_space<hbm>> -> memref<16xi32, #tpu.memory_space<hbm>>
      %dma_wait3A_251 = arith.constant 0 : i32
      %dma_wait3A_252 = tpu.memref_slice %arg7[%run_scoped3A, %dma_wait3A_251] : memref<2x16xi32, #tpu.memory_space<vmem>> -> memref<1x16xi32, #tpu.memory_space<vmem>>
      %dma_wait3A_253 = tpu.memref_squeeze %dma_wait3A_252 : memref<1x16xi32, #tpu.memory_space<vmem>> -> memref<16xi32, #tpu.memory_space<vmem>>
      %dma_wait3A_254 = tpu.memref_slice %arg3[%add3A_4] : memref<2048xi32, #tpu.memory_space<hbm>> -> memref<16xi32, #tpu.memory_space<hbm>>
      tpu.wait_dma2 semaphore(%run_scoped3A_238 : memref<!tpu.dma_semaphore, #tpu.memory_space<semaphore_mem>>) src(%dma_wait3A_254 : memref<16xi32, #tpu.memory_space<hbm>>) dst(%dma_wait3A_253 : memref<16xi32, #tpu.memory_space<vmem>>)
      tpu.yield
    }) : () -> ()
    %run_scoped3A_5 = arith.constant 0 : i32
    "tpu.region"() ({
      %run_scoped3A_238 = tpu.sem_alloc : memref<!tpu.dma_semaphore, #tpu.memory_space<semaphore_mem>>
      %dma_start3A_239 = arith.constant 0 : i32
      %dma_start3A_240 = tpu.memref_slice %arg8[%run_scoped3A_5, %dma_start3A_239] : memref<2x16xi32, #tpu.memory_space<vmem>> -> memref<1x16xi32, #tpu.memory_space<vmem>>
      %dma_start3A_241 = tpu.memref_squeeze %dma_start3A_240 : memref<1x16xi32, #tpu.memory_space<vmem>> -> memref<16xi32, #tpu.memory_space<vmem>>
      %dma_start3A_242 = tpu.memref_slice %arg4[%add3A_4] : memref<2048xi32, #tpu.memory_space<hbm>> -> memref<16xi32, #tpu.memory_space<hbm>>
      %dma_start3A_243 = arith.constant 0 : i32
      %dma_start3A_244 = tpu.memref_slice %arg8[%run_scoped3A_5, %dma_start3A_243] : memref<2x16xi32, #tpu.memory_space<vmem>> -> memref<1x16xi32, #tpu.memory_space<vmem>>
      %dma_start3A_245 = tpu.memref_squeeze %dma_start3A_244 : memref<1x16xi32, #tpu.memory_space<vmem>> -> memref<16xi32, #tpu.memory_space<vmem>>
      %dma_start3A_246 = tpu.memref_slice %arg4[%add3A_4] : memref<2048xi32, #tpu.memory_space<hbm>> -> memref<16xi32, #tpu.memory_space<hbm>>
      tpu.enqueue_dma source(%dma_start3A_246 : memref<16xi32, #tpu.memory_space<hbm>>) target(%dma_start3A_245 : memref<16xi32, #tpu.memory_space<vmem>>) target_semaphore(%run_scoped3A_238 : memref<!tpu.dma_semaphore, #tpu.memory_space<semaphore_mem>>)
      %dma_wait3A_247 = arith.constant 0 : i32
      %dma_wait3A_248 = tpu.memref_slice %arg8[%run_scoped3A_5, %dma_wait3A_247] : memref<2x16xi32, #tpu.memory_space<vmem>> -> memref<1x16xi32, #tpu.memory_space<vmem>>
      %dma_wait3A_249 = tpu.memref_squeeze %dma_wait3A_248 : memref<1x16xi32, #tpu.memory_space<vmem>> -> memref<16xi32, #tpu.memory_space<vmem>>
      %dma_wait3A_250 = tpu.memref_slice %arg4[%add3A_4] : memref<2048xi32, #tpu.memory_space<hbm>> -> memref<16xi32, #tpu.memory_space<hbm>>
      %dma_wait3A_251 = arith.constant 0 : i32
      %dma_wait3A_252 = tpu.memref_slice %arg8[%run_scoped3A_5, %dma_wait3A_251] : memref<2x16xi32, #tpu.memory_space<vmem>> -> memref<1x16xi32, #tpu.memory_space<vmem>>
      %dma_wait3A_253 = tpu.memref_squeeze %dma_wait3A_252 : memref<1x16xi32, #tpu.memory_space<vmem>> -> memref<16xi32, #tpu.memory_space<vmem>>
      %dma_wait3A_254 = tpu.memref_slice %arg4[%add3A_4] : memref<2048xi32, #tpu.memory_space<hbm>> -> memref<16xi32, #tpu.memory_space<hbm>>
      tpu.wait_dma2 semaphore(%run_scoped3A_238 : memref<!tpu.dma_semaphore, #tpu.memory_space<semaphore_mem>>) src(%dma_wait3A_254 : memref<16xi32, #tpu.memory_space<hbm>>) dst(%dma_wait3A_253 : memref<16xi32, #tpu.memory_space<vmem>>)
      tpu.yield
    }) : () -> ()
    %dma_start3A = arith.constant 0 : i32
    %dma_start3A_6 = arith.constant 0 : i32
    %dma_start3A_7 = arith.constant 0 : i32
    %dma_start3A_8 = arith.constant 0 : i32
    %dma_start3A_9 = tpu.memref_slice %arg9[%dma_start3A_6, %dma_start3A_7, %dma_start3A_8] : memref<2x16x1024xf32, #tpu.memory_space<vmem>> -> memref<1x16x1024xf32, #tpu.memory_space<vmem>>
    %dma_start3A_10 = tpu.memref_squeeze %dma_start3A_9 : memref<1x16x1024xf32, #tpu.memory_space<vmem>> -> memref<16x1024xf32, #tpu.memory_space<vmem>>
    %dma_start3A_11 = arith.constant 0 : i32
    %dma_start3A_12 = tpu.memref_slice %arg7[%dma_start3A, %dma_start3A_11] : memref<2x16xi32, #tpu.memory_space<vmem>> -> memref<1x16xi32, #tpu.memory_space<vmem>>
    %dma_start3A_13 = tpu.memref_squeeze %dma_start3A_12 : memref<1x16xi32, #tpu.memory_space<vmem>> -> memref<16xi32, #tpu.memory_space<vmem>>
    %dma_start3A_14 = arith.constant 0 : i32
    %dma_start3A_15 = arith.constant 0 : i32
    %dma_start3A_16 = tpu.memref_slice %arg2[%dma_start3A_14, %dma_start3A_15] : memref<4096x1024xf32, #tpu.memory_space<hbm>> -> memref<4096x1024xf32, #tpu.memory_space<hbm>>
    tpu.enqueue_indirect_dma source(%dma_start3A_16 : memref<4096x1024xf32, #tpu.memory_space<hbm>>) target(%dma_start3A_10 : memref<16x1024xf32, #tpu.memory_space<vmem>>) offsets(%dma_start3A_13 : memref<16xi32, #tpu.memory_space<vmem>>) semaphore(%arg11 : memref<!tpu.dma_semaphore, #tpu.memory_space<semaphore_mem>>)
    %dma_start3A_17 = arith.constant 0 : i32
    %dma_start3A_18 = arith.constant 0 : i32
    %dma_start3A_19 = arith.constant 0 : i32
    %dma_start3A_20 = arith.constant 0 : i32
    %dma_start3A_21 = tpu.memref_slice %arg10[%dma_start3A_18, %dma_start3A_19, %dma_start3A_20] : memref<2x16x1024xf32, #tpu.memory_space<vmem>> -> memref<1x16x1024xf32, #tpu.memory_space<vmem>>
    %dma_start3A_22 = tpu.memref_squeeze %dma_start3A_21 : memref<1x16x1024xf32, #tpu.memory_space<vmem>> -> memref<16x1024xf32, #tpu.memory_space<vmem>>
    %dma_start3A_23 = arith.constant 0 : i32
    %dma_start3A_24 = tpu.memref_slice %arg8[%dma_start3A_17, %dma_start3A_23] : memref<2x16xi32, #tpu.memory_space<vmem>> -> memref<1x16xi32, #tpu.memory_space<vmem>>
    %dma_start3A_25 = tpu.memref_squeeze %dma_start3A_24 : memref<1x16xi32, #tpu.memory_space<vmem>> -> memref<16xi32, #tpu.memory_space<vmem>>
    %dma_start3A_26 = arith.constant 0 : i32
    %dma_start3A_27 = arith.constant 0 : i32
    %dma_start3A_28 = tpu.memref_slice %arg2[%dma_start3A_26, %dma_start3A_27] : memref<4096x1024xf32, #tpu.memory_space<hbm>> -> memref<4096x1024xf32, #tpu.memory_space<hbm>>
    tpu.enqueue_indirect_dma source(%dma_start3A_28 : memref<4096x1024xf32, #tpu.memory_space<hbm>>) target(%dma_start3A_22 : memref<16x1024xf32, #tpu.memory_space<vmem>>) offsets(%dma_start3A_25 : memref<16xi32, #tpu.memory_space<vmem>>) semaphore(%arg11 : memref<!tpu.dma_semaphore, #tpu.memory_space<semaphore_mem>>)
    %mul3A_29 = arith.constant 64 : i32
    %mul3A_30 = arith.muli %add3A, %mul3A_29 : i32
    %add3A_31 = arith.constant 16 : i32
    %add3A_32 = arith.addi %mul3A_30, %add3A_31 : i32
    %run_scoped3A_33 = arith.constant 1 : i32
    "tpu.region"() ({
      %run_scoped3A_238 = tpu.sem_alloc : memref<!tpu.dma_semaphore, #tpu.memory_space<semaphore_mem>>
      %dma_start3A_239 = arith.constant 0 : i32
      %dma_start3A_240 = tpu.memref_slice %arg7[%run_scoped3A_33, %dma_start3A_239] : memref<2x16xi32, #tpu.memory_space<vmem>> -> memref<1x16xi32, #tpu.memory_space<vmem>>
      %dma_start3A_241 = tpu.memref_squeeze %dma_start3A_240 : memref<1x16xi32, #tpu.memory_space<vmem>> -> memref<16xi32, #tpu.memory_space<vmem>>
      %dma_start3A_242 = tpu.memref_slice %arg3[%add3A_32] : memref<2048xi32, #tpu.memory_space<hbm>> -> memref<16xi32, #tpu.memory_space<hbm>>
      %dma_start3A_243 = arith.constant 0 : i32
      %dma_start3A_244 = tpu.memref_slice %arg7[%run_scoped3A_33, %dma_start3A_243] : memref<2x16xi32, #tpu.memory_space<vmem>> -> memref<1x16xi32, #tpu.memory_space<vmem>>
      %dma_start3A_245 = tpu.memref_squeeze %dma_start3A_244 : memref<1x16xi32, #tpu.memory_space<vmem>> -> memref<16xi32, #tpu.memory_space<vmem>>
      %dma_start3A_246 = tpu.memref_slice %arg3[%add3A_32] : memref<2048xi32, #tpu.memory_space<hbm>> -> memref<16xi32, #tpu.memory_space<hbm>>
      tpu.enqueue_dma source(%dma_start3A_246 : memref<16xi32, #tpu.memory_space<hbm>>) target(%dma_start3A_245 : memref<16xi32, #tpu.memory_space<vmem>>) target_semaphore(%run_scoped3A_238 : memref<!tpu.dma_semaphore, #tpu.memory_space<semaphore_mem>>)
      %dma_wait3A_247 = arith.constant 0 : i32
      %dma_wait3A_248 = tpu.memref_slice %arg7[%run_scoped3A_33, %dma_wait3A_247] : memref<2x16xi32, #tpu.memory_space<vmem>> -> memref<1x16xi32, #tpu.memory_space<vmem>>
      %dma_wait3A_249 = tpu.memref_squeeze %dma_wait3A_248 : memref<1x16xi32, #tpu.memory_space<vmem>> -> memref<16xi32, #tpu.memory_space<vmem>>
      %dma_wait3A_250 = tpu.memref_slice %arg3[%add3A_32] : memref<2048xi32, #tpu.memory_space<hbm>> -> memref<16xi32, #tpu.memory_space<hbm>>
      %dma_wait3A_251 = arith.constant 0 : i32
      %dma_wait3A_252 = tpu.memref_slice %arg7[%run_scoped3A_33, %dma_wait3A_251] : memref<2x16xi32, #tpu.memory_space<vmem>> -> memref<1x16xi32, #tpu.memory_space<vmem>>
      %dma_wait3A_253 = tpu.memref_squeeze %dma_wait3A_252 : memref<1x16xi32, #tpu.memory_space<vmem>> -> memref<16xi32, #tpu.memory_space<vmem>>
      %dma_wait3A_254 = tpu.memref_slice %arg3[%add3A_32] : memref<2048xi32, #tpu.memory_space<hbm>> -> memref<16xi32, #tpu.memory_space<hbm>>
      tpu.wait_dma2 semaphore(%run_scoped3A_238 : memref<!tpu.dma_semaphore, #tpu.memory_space<semaphore_mem>>) src(%dma_wait3A_254 : memref<16xi32, #tpu.memory_space<hbm>>) dst(%dma_wait3A_253 : memref<16xi32, #tpu.memory_space<vmem>>)
      tpu.yield
    }) : () -> ()
    %run_scoped3A_34 = arith.constant 1 : i32
    "tpu.region"() ({
      %run_scoped3A_238 = tpu.sem_alloc : memref<!tpu.dma_semaphore, #tpu.memory_space<semaphore_mem>>
      %dma_start3A_239 = arith.constant 0 : i32
      %dma_start3A_240 = tpu.memref_slice %arg8[%run_scoped3A_34, %dma_start3A_239] : memref<2x16xi32, #tpu.memory_space<vmem>> -> memref<1x16xi32, #tpu.memory_space<vmem>>
      %dma_start3A_241 = tpu.memref_squeeze %dma_start3A_240 : memref<1x16xi32, #tpu.memory_space<vmem>> -> memref<16xi32, #tpu.memory_space<vmem>>
      %dma_start3A_242 = tpu.memref_slice %arg4[%add3A_32] : memref<2048xi32, #tpu.memory_space<hbm>> -> memref<16xi32, #tpu.memory_space<hbm>>
      %dma_start3A_243 = arith.constant 0 : i32
      %dma_start3A_244 = tpu.memref_slice %arg8[%run_scoped3A_34, %dma_start3A_243] : memref<2x16xi32, #tpu.memory_space<vmem>> -> memref<1x16xi32, #tpu.memory_space<vmem>>
      %dma_start3A_245 = tpu.memref_squeeze %dma_start3A_244 : memref<1x16xi32, #tpu.memory_space<vmem>> -> memref<16xi32, #tpu.memory_space<vmem>>
      %dma_start3A_246 = tpu.memref_slice %arg4[%add3A_32] : memref<2048xi32, #tpu.memory_space<hbm>> -> memref<16xi32, #tpu.memory_space<hbm>>
      tpu.enqueue_dma source(%dma_start3A_246 : memref<16xi32, #tpu.memory_space<hbm>>) target(%dma_start3A_245 : memref<16xi32, #tpu.memory_space<vmem>>) target_semaphore(%run_scoped3A_238 : memref<!tpu.dma_semaphore, #tpu.memory_space<semaphore_mem>>)
      %dma_wait3A_247 = arith.constant 0 : i32
      %dma_wait3A_248 = tpu.memref_slice %arg8[%run_scoped3A_34, %dma_wait3A_247] : memref<2x16xi32, #tpu.memory_space<vmem>> -> memref<1x16xi32, #tpu.memory_space<vmem>>
      %dma_wait3A_249 = tpu.memref_squeeze %dma_wait3A_248 : memref<1x16xi32, #tpu.memory_space<vmem>> -> memref<16xi32, #tpu.memory_space<vmem>>
      %dma_wait3A_250 = tpu.memref_slice %arg4[%add3A_32] : memref<2048xi32, #tpu.memory_space<hbm>> -> memref<16xi32, #tpu.memory_space<hbm>>
      %dma_wait3A_251 = arith.constant 0 : i32
      %dma_wait3A_252 = tpu.memref_slice %arg8[%run_scoped3A_34, %dma_wait3A_251] : memref<2x16xi32, #tpu.memory_space<vmem>> -> memref<1x16xi32, #tpu.memory_space<vmem>>
      %dma_wait3A_253 = tpu.memref_squeeze %dma_wait3A_252 : memref<1x16xi32, #tpu.memory_space<vmem>> -> memref<16xi32, #tpu.memory_space<vmem>>
      %dma_wait3A_254 = tpu.memref_slice %arg4[%add3A_32] : memref<2048xi32, #tpu.memory_space<hbm>> -> memref<16xi32, #tpu.memory_space<hbm>>
      tpu.wait_dma2 semaphore(%run_scoped3A_238 : memref<!tpu.dma_semaphore, #tpu.memory_space<semaphore_mem>>) src(%dma_wait3A_254 : memref<16xi32, #tpu.memory_space<hbm>>) dst(%dma_wait3A_253 : memref<16xi32, #tpu.memory_space<vmem>>)
      tpu.yield
    }) : () -> ()
    %dma_start3A_35 = arith.constant 1 : i32
    %dma_start3A_36 = arith.constant 1 : i32
    %dma_start3A_37 = arith.constant 0 : i32
    %dma_start3A_38 = arith.constant 0 : i32
    %dma_start3A_39 = tpu.memref_slice %arg9[%dma_start3A_36, %dma_start3A_37, %dma_start3A_38] : memref<2x16x1024xf32, #tpu.memory_space<vmem>> -> memref<1x16x1024xf32, #tpu.memory_space<vmem>>
    %dma_start3A_40 = tpu.memref_squeeze %dma_start3A_39 : memref<1x16x1024xf32, #tpu.memory_space<vmem>> -> memref<16x1024xf32, #tpu.memory_space<vmem>>
    %dma_start3A_41 = arith.constant 0 : i32
    %dma_start3A_42 = tpu.memref_slice %arg7[%dma_start3A_35, %dma_start3A_41] : memref<2x16xi32, #tpu.memory_space<vmem>> -> memref<1x16xi32, #tpu.memory_space<vmem>>
    %dma_start3A_43 = tpu.memref_squeeze %dma_start3A_42 : memref<1x16xi32, #tpu.memory_space<vmem>> -> memref<16xi32, #tpu.memory_space<vmem>>
    %dma_start3A_44 = arith.constant 0 : i32
    %dma_start3A_45 = arith.constant 0 : i32
    %dma_start3A_46 = tpu.memref_slice %arg2[%dma_start3A_44, %dma_start3A_45] : memref<4096x1024xf32, #tpu.memory_space<hbm>> -> memref<4096x1024xf32, #tpu.memory_space<hbm>>
    tpu.enqueue_indirect_dma source(%dma_start3A_46 : memref<4096x1024xf32, #tpu.memory_space<hbm>>) target(%dma_start3A_40 : memref<16x1024xf32, #tpu.memory_space<vmem>>) offsets(%dma_start3A_43 : memref<16xi32, #tpu.memory_space<vmem>>) semaphore(%arg12 : memref<!tpu.dma_semaphore, #tpu.memory_space<semaphore_mem>>)
    %dma_start3A_47 = arith.constant 1 : i32
    %dma_start3A_48 = arith.constant 1 : i32
    %dma_start3A_49 = arith.constant 0 : i32
    %dma_start3A_50 = arith.constant 0 : i32
    %dma_start3A_51 = tpu.memref_slice %arg10[%dma_start3A_48, %dma_start3A_49, %dma_start3A_50] : memref<2x16x1024xf32, #tpu.memory_space<vmem>> -> memref<1x16x1024xf32, #tpu.memory_space<vmem>>
    %dma_start3A_52 = tpu.memref_squeeze %dma_start3A_51 : memref<1x16x1024xf32, #tpu.memory_space<vmem>> -> memref<16x1024xf32, #tpu.memory_space<vmem>>
    %dma_start3A_53 = arith.constant 0 : i32
    %dma_start3A_54 = tpu.memref_slice %arg8[%dma_start3A_47, %dma_start3A_53] : memref<2x16xi32, #tpu.memory_space<vmem>> -> memref<1x16xi32, #tpu.memory_space<vmem>>
    %dma_start3A_55 = tpu.memref_squeeze %dma_start3A_54 : memref<1x16xi32, #tpu.memory_space<vmem>> -> memref<16xi32, #tpu.memory_space<vmem>>
    %dma_start3A_56 = arith.constant 0 : i32
    %dma_start3A_57 = arith.constant 0 : i32
    %dma_start3A_58 = tpu.memref_slice %arg2[%dma_start3A_56, %dma_start3A_57] : memref<4096x1024xf32, #tpu.memory_space<hbm>> -> memref<4096x1024xf32, #tpu.memory_space<hbm>>
    tpu.enqueue_indirect_dma source(%dma_start3A_58 : memref<4096x1024xf32, #tpu.memory_space<hbm>>) target(%dma_start3A_52 : memref<16x1024xf32, #tpu.memory_space<vmem>>) offsets(%dma_start3A_55 : memref<16xi32, #tpu.memory_space<vmem>>) semaphore(%arg12 : memref<!tpu.dma_semaphore, #tpu.memory_space<semaphore_mem>>)
    %dma_wait3A = arith.constant 0 : i32
    %dma_wait3A_59 = arith.constant 0 : i32
    %dma_wait3A_60 = arith.constant 0 : i32
    %dma_wait3A_61 = arith.constant 0 : i32
    %dma_wait3A_62 = tpu.memref_slice %arg9[%dma_wait3A_59, %dma_wait3A_60, %dma_wait3A_61] : memref<2x16x1024xf32, #tpu.memory_space<vmem>> -> memref<1x16x1024xf32, #tpu.memory_space<vmem>>
    %dma_wait3A_63 = tpu.memref_squeeze %dma_wait3A_62 : memref<1x16x1024xf32, #tpu.memory_space<vmem>> -> memref<16x1024xf32, #tpu.memory_space<vmem>>
    %dma_wait3A_64 = arith.constant 0 : i32
    %dma_wait3A_65 = tpu.memref_slice %arg7[%dma_wait3A, %dma_wait3A_64] : memref<2x16xi32, #tpu.memory_space<vmem>> -> memref<1x16xi32, #tpu.memory_space<vmem>>
    %dma_wait3A_66 = tpu.memref_squeeze %dma_wait3A_65 : memref<1x16xi32, #tpu.memory_space<vmem>> -> memref<16xi32, #tpu.memory_space<vmem>>
    %dma_wait3A_67 = arith.constant 0 : i32
    %dma_wait3A_68 = arith.constant 0 : i32
    %dma_wait3A_69 = tpu.memref_slice %arg2[%dma_wait3A_67, %dma_wait3A_68] : memref<4096x1024xf32, #tpu.memory_space<hbm>> -> memref<4096x1024xf32, #tpu.memory_space<hbm>>
    tpu.wait_indirect_dma semaphore(%arg11 : memref<!tpu.dma_semaphore, #tpu.memory_space<semaphore_mem>>) src(%dma_wait3A_69 : memref<4096x1024xf32, #tpu.memory_space<hbm>>) dst(%dma_wait3A_63 : memref<16x1024xf32, #tpu.memory_space<vmem>>)
    %dma_wait3A_70 = arith.constant 0 : i32
    %dma_wait3A_71 = arith.constant 0 : i32
    %dma_wait3A_72 = arith.constant 0 : i32
    %dma_wait3A_73 = arith.constant 0 : i32
    %dma_wait3A_74 = tpu.memref_slice %arg10[%dma_wait3A_71, %dma_wait3A_72, %dma_wait3A_73] : memref<2x16x1024xf32, #tpu.memory_space<vmem>> -> memref<1x16x1024xf32, #tpu.memory_space<vmem>>
    %dma_wait3A_75 = tpu.memref_squeeze %dma_wait3A_74 : memref<1x16x1024xf32, #tpu.memory_space<vmem>> -> memref<16x1024xf32, #tpu.memory_space<vmem>>
    %dma_wait3A_76 = arith.constant 0 : i32
    %dma_wait3A_77 = tpu.memref_slice %arg8[%dma_wait3A_70, %dma_wait3A_76] : memref<2x16xi32, #tpu.memory_space<vmem>> -> memref<1x16xi32, #tpu.memory_space<vmem>>
    %dma_wait3A_78 = tpu.memref_squeeze %dma_wait3A_77 : memref<1x16xi32, #tpu.memory_space<vmem>> -> memref<16xi32, #tpu.memory_space<vmem>>
    %dma_wait3A_79 = arith.constant 0 : i32
    %dma_wait3A_80 = arith.constant 0 : i32
    %dma_wait3A_81 = tpu.memref_slice %arg2[%dma_wait3A_79, %dma_wait3A_80] : memref<4096x1024xf32, #tpu.memory_space<hbm>> -> memref<4096x1024xf32, #tpu.memory_space<hbm>>
    tpu.wait_indirect_dma semaphore(%arg11 : memref<!tpu.dma_semaphore, #tpu.memory_space<semaphore_mem>>) src(%dma_wait3A_81 : memref<4096x1024xf32, #tpu.memory_space<hbm>>) dst(%dma_wait3A_75 : memref<16x1024xf32, #tpu.memory_space<vmem>>)
    %mul3A_82 = arith.constant 64 : i32
    %mul3A_83 = arith.muli %add3A, %mul3A_82 : i32
    %add3A_84 = arith.constant 0 : i32
    %add3A_85 = arith.addi %mul3A_83, %add3A_84 : i32
    %run_scoped3A_86 = arith.constant 0 : i32
    "tpu.region"() ({
      %run_scoped3A_238 = tpu.sem_alloc : memref<!tpu.dma_semaphore, #tpu.memory_space<semaphore_mem>>
      %dma_start3A_239 = arith.constant 0 : i32
      %dma_start3A_240 = arith.constant 0 : i32
      %dma_start3A_241 = tpu.memref_slice %arg9[%run_scoped3A_86, %dma_start3A_239, %dma_start3A_240] : memref<2x16x1024xf32, #tpu.memory_space<vmem>> -> memref<1x16x1024xf32, #tpu.memory_space<vmem>>
      %dma_start3A_242 = tpu.memref_squeeze %dma_start3A_241 : memref<1x16x1024xf32, #tpu.memory_space<vmem>> -> memref<16x1024xf32, #tpu.memory_space<vmem>>
      %dma_start3A_243 = arith.constant 0 : i32
      %dma_start3A_244 = tpu.memref_slice %arg5[%add3A_85, %dma_start3A_243] : memref<2048x1024xf32, #tpu.memory_space<hbm>> -> memref<16x1024xf32, #tpu.memory_space<hbm>>
      %dma_start3A_245 = arith.constant 0 : i32
      %dma_start3A_246 = tpu.memref_slice %arg5[%add3A_85, %dma_start3A_245] : memref<2048x1024xf32, #tpu.memory_space<hbm>> -> memref<16x1024xf32, #tpu.memory_space<hbm>>
      %dma_start3A_247 = arith.constant 0 : i32
      %dma_start3A_248 = arith.constant 0 : i32
      %dma_start3A_249 = tpu.memref_slice %arg9[%run_scoped3A_86, %dma_start3A_247, %dma_start3A_248] : memref<2x16x1024xf32, #tpu.memory_space<vmem>> -> memref<1x16x1024xf32, #tpu.memory_space<vmem>>
      %dma_start3A_250 = tpu.memref_squeeze %dma_start3A_249 : memref<1x16x1024xf32, #tpu.memory_space<vmem>> -> memref<16x1024xf32, #tpu.memory_space<vmem>>
      tpu.enqueue_dma source(%dma_start3A_250 : memref<16x1024xf32, #tpu.memory_space<vmem>>) target(%dma_start3A_246 : memref<16x1024xf32, #tpu.memory_space<hbm>>) target_semaphore(%run_scoped3A_238 : memref<!tpu.dma_semaphore, #tpu.memory_space<semaphore_mem>>)
      %dma_wait3A_251 = arith.constant 0 : i32
      %dma_wait3A_252 = arith.constant 0 : i32
      %dma_wait3A_253 = tpu.memref_slice %arg9[%run_scoped3A_86, %dma_wait3A_251, %dma_wait3A_252] : memref<2x16x1024xf32, #tpu.memory_space<vmem>> -> memref<1x16x1024xf32, #tpu.memory_space<vmem>>
      %dma_wait3A_254 = tpu.memref_squeeze %dma_wait3A_253 : memref<1x16x1024xf32, #tpu.memory_space<vmem>> -> memref<16x1024xf32, #tpu.memory_space<vmem>>
      %dma_wait3A_255 = arith.constant 0 : i32
      %dma_wait3A_256 = tpu.memref_slice %arg5[%add3A_85, %dma_wait3A_255] : memref<2048x1024xf32, #tpu.memory_space<hbm>> -> memref<16x1024xf32, #tpu.memory_space<hbm>>
      %dma_wait3A_257 = arith.constant 0 : i32
      %dma_wait3A_258 = tpu.memref_slice %arg5[%add3A_85, %dma_wait3A_257] : memref<2048x1024xf32, #tpu.memory_space<hbm>> -> memref<16x1024xf32, #tpu.memory_space<hbm>>
      %dma_wait3A_259 = arith.constant 0 : i32
      %dma_wait3A_260 = arith.constant 0 : i32
      %dma_wait3A_261 = tpu.memref_slice %arg9[%run_scoped3A_86, %dma_wait3A_259, %dma_wait3A_260] : memref<2x16x1024xf32, #tpu.memory_space<vmem>> -> memref<1x16x1024xf32, #tpu.memory_space<vmem>>
      %dma_wait3A_262 = tpu.memref_squeeze %dma_wait3A_261 : memref<1x16x1024xf32, #tpu.memory_space<vmem>> -> memref<16x1024xf32, #tpu.memory_space<vmem>>
      tpu.wait_dma2 semaphore(%run_scoped3A_238 : memref<!tpu.dma_semaphore, #tpu.memory_space<semaphore_mem>>) src(%dma_wait3A_262 : memref<16x1024xf32, #tpu.memory_space<vmem>>) dst(%dma_wait3A_258 : memref<16x1024xf32, #tpu.memory_space<hbm>>)
      tpu.yield
    }) : () -> ()
    %run_scoped3A_87 = arith.constant 0 : i32
    "tpu.region"() ({
      %run_scoped3A_238 = tpu.sem_alloc : memref<!tpu.dma_semaphore, #tpu.memory_space<semaphore_mem>>
      %dma_start3A_239 = arith.constant 0 : i32
      %dma_start3A_240 = arith.constant 0 : i32
      %dma_start3A_241 = tpu.memref_slice %arg10[%run_scoped3A_87, %dma_start3A_239, %dma_start3A_240] : memref<2x16x1024xf32, #tpu.memory_space<vmem>> -> memref<1x16x1024xf32, #tpu.memory_space<vmem>>
      %dma_start3A_242 = tpu.memref_squeeze %dma_start3A_241 : memref<1x16x1024xf32, #tpu.memory_space<vmem>> -> memref<16x1024xf32, #tpu.memory_space<vmem>>
      %dma_start3A_243 = arith.constant 0 : i32
      %dma_start3A_244 = tpu.memref_slice %arg6[%add3A_85, %dma_start3A_243] : memref<2048x1024xf32, #tpu.memory_space<hbm>> -> memref<16x1024xf32, #tpu.memory_space<hbm>>
      %dma_start3A_245 = arith.constant 0 : i32
      %dma_start3A_246 = tpu.memref_slice %arg6[%add3A_85, %dma_start3A_245] : memref<2048x1024xf32, #tpu.memory_space<hbm>> -> memref<16x1024xf32, #tpu.memory_space<hbm>>
      %dma_start3A_247 = arith.constant 0 : i32
      %dma_start3A_248 = arith.constant 0 : i32
      %dma_start3A_249 = tpu.memref_slice %arg10[%run_scoped3A_87, %dma_start3A_247, %dma_start3A_248] : memref<2x16x1024xf32, #tpu.memory_space<vmem>> -> memref<1x16x1024xf32, #tpu.memory_space<vmem>>
      %dma_start3A_250 = tpu.memref_squeeze %dma_start3A_249 : memref<1x16x1024xf32, #tpu.memory_space<vmem>> -> memref<16x1024xf32, #tpu.memory_space<vmem>>
      tpu.enqueue_dma source(%dma_start3A_250 : memref<16x1024xf32, #tpu.memory_space<vmem>>) target(%dma_start3A_246 : memref<16x1024xf32, #tpu.memory_space<hbm>>) target_semaphore(%run_scoped3A_238 : memref<!tpu.dma_semaphore, #tpu.memory_space<semaphore_mem>>)
      %dma_wait3A_251 = arith.constant 0 : i32
      %dma_wait3A_252 = arith.constant 0 : i32
      %dma_wait3A_253 = tpu.memref_slice %arg10[%run_scoped3A_87, %dma_wait3A_251, %dma_wait3A_252] : memref<2x16x1024xf32, #tpu.memory_space<vmem>> -> memref<1x16x1024xf32, #tpu.memory_space<vmem>>
      %dma_wait3A_254 = tpu.memref_squeeze %dma_wait3A_253 : memref<1x16x1024xf32, #tpu.memory_space<vmem>> -> memref<16x1024xf32, #tpu.memory_space<vmem>>
      %dma_wait3A_255 = arith.constant 0 : i32
      %dma_wait3A_256 = tpu.memref_slice %arg6[%add3A_85, %dma_wait3A_255] : memref<2048x1024xf32, #tpu.memory_space<hbm>> -> memref<16x1024xf32, #tpu.memory_space<hbm>>
      %dma_wait3A_257 = arith.constant 0 : i32
      %dma_wait3A_258 = tpu.memref_slice %arg6[%add3A_85, %dma_wait3A_257] : memref<2048x1024xf32, #tpu.memory_space<hbm>> -> memref<16x1024xf32, #tpu.memory_space<hbm>>
      %dma_wait3A_259 = arith.constant 0 : i32
      %dma_wait3A_260 = arith.constant 0 : i32
      %dma_wait3A_261 = tpu.memref_slice %arg10[%run_scoped3A_87, %dma_wait3A_259, %dma_wait3A_260] : memref<2x16x1024xf32, #tpu.memory_space<vmem>> -> memref<1x16x1024xf32, #tpu.memory_space<vmem>>
      %dma_wait3A_262 = tpu.memref_squeeze %dma_wait3A_261 : memref<1x16x1024xf32, #tpu.memory_space<vmem>> -> memref<16x1024xf32, #tpu.memory_space<vmem>>
      tpu.wait_dma2 semaphore(%run_scoped3A_238 : memref<!tpu.dma_semaphore, #tpu.memory_space<semaphore_mem>>) src(%dma_wait3A_262 : memref<16x1024xf32, #tpu.memory_space<vmem>>) dst(%dma_wait3A_258 : memref<16x1024xf32, #tpu.memory_space<hbm>>)
      tpu.yield
    }) : () -> ()
    %mul3A_88 = arith.constant 64 : i32
    %mul3A_89 = arith.muli %add3A, %mul3A_88 : i32
    %add3A_90 = arith.constant 32 : i32
    %add3A_91 = arith.addi %mul3A_89, %add3A_90 : i32
    %run_scoped3A_92 = arith.constant 0 : i32
    "tpu.region"() ({
      %run_scoped3A_238 = tpu.sem_alloc : memref<!tpu.dma_semaphore, #tpu.memory_space<semaphore_mem>>
      %dma_start3A_239 = arith.constant 0 : i32
      %dma_start3A_240 = tpu.memref_slice %arg7[%run_scoped3A_92, %dma_start3A_239] : memref<2x16xi32, #tpu.memory_space<vmem>> -> memref<1x16xi32, #tpu.memory_space<vmem>>
      %dma_start3A_241 = tpu.memref_squeeze %dma_start3A_240 : memref<1x16xi32, #tpu.memory_space<vmem>> -> memref<16xi32, #tpu.memory_space<vmem>>
      %dma_start3A_242 = tpu.memref_slice %arg3[%add3A_91] : memref<2048xi32, #tpu.memory_space<hbm>> -> memref<16xi32, #tpu.memory_space<hbm>>
      %dma_start3A_243 = arith.constant 0 : i32
      %dma_start3A_244 = tpu.memref_slice %arg7[%run_scoped3A_92, %dma_start3A_243] : memref<2x16xi32, #tpu.memory_space<vmem>> -> memref<1x16xi32, #tpu.memory_space<vmem>>
      %dma_start3A_245 = tpu.memref_squeeze %dma_start3A_244 : memref<1x16xi32, #tpu.memory_space<vmem>> -> memref<16xi32, #tpu.memory_space<vmem>>
      %dma_start3A_246 = tpu.memref_slice %arg3[%add3A_91] : memref<2048xi32, #tpu.memory_space<hbm>> -> memref<16xi32, #tpu.memory_space<hbm>>
      tpu.enqueue_dma source(%dma_start3A_246 : memref<16xi32, #tpu.memory_space<hbm>>) target(%dma_start3A_245 : memref<16xi32, #tpu.memory_space<vmem>>) target_semaphore(%run_scoped3A_238 : memref<!tpu.dma_semaphore, #tpu.memory_space<semaphore_mem>>)
      %dma_wait3A_247 = arith.constant 0 : i32
      %dma_wait3A_248 = tpu.memref_slice %arg7[%run_scoped3A_92, %dma_wait3A_247] : memref<2x16xi32, #tpu.memory_space<vmem>> -> memref<1x16xi32, #tpu.memory_space<vmem>>
      %dma_wait3A_249 = tpu.memref_squeeze %dma_wait3A_248 : memref<1x16xi32, #tpu.memory_space<vmem>> -> memref<16xi32, #tpu.memory_space<vmem>>
      %dma_wait3A_250 = tpu.memref_slice %arg3[%add3A_91] : memref<2048xi32, #tpu.memory_space<hbm>> -> memref<16xi32, #tpu.memory_space<hbm>>
      %dma_wait3A_251 = arith.constant 0 : i32
      %dma_wait3A_252 = tpu.memref_slice %arg7[%run_scoped3A_92, %dma_wait3A_251] : memref<2x16xi32, #tpu.memory_space<vmem>> -> memref<1x16xi32, #tpu.memory_space<vmem>>
      %dma_wait3A_253 = tpu.memref_squeeze %dma_wait3A_252 : memref<1x16xi32, #tpu.memory_space<vmem>> -> memref<16xi32, #tpu.memory_space<vmem>>
      %dma_wait3A_254 = tpu.memref_slice %arg3[%add3A_91] : memref<2048xi32, #tpu.memory_space<hbm>> -> memref<16xi32, #tpu.memory_space<hbm>>
      tpu.wait_dma2 semaphore(%run_scoped3A_238 : memref<!tpu.dma_semaphore, #tpu.memory_space<semaphore_mem>>) src(%dma_wait3A_254 : memref<16xi32, #tpu.memory_space<hbm>>) dst(%dma_wait3A_253 : memref<16xi32, #tpu.memory_space<vmem>>)
      tpu.yield
    }) : () -> ()
    %run_scoped3A_93 = arith.constant 0 : i32
    "tpu.region"() ({
      %run_scoped3A_238 = tpu.sem_alloc : memref<!tpu.dma_semaphore, #tpu.memory_space<semaphore_mem>>
      %dma_start3A_239 = arith.constant 0 : i32
      %dma_start3A_240 = tpu.memref_slice %arg8[%run_scoped3A_93, %dma_start3A_239] : memref<2x16xi32, #tpu.memory_space<vmem>> -> memref<1x16xi32, #tpu.memory_space<vmem>>
      %dma_start3A_241 = tpu.memref_squeeze %dma_start3A_240 : memref<1x16xi32, #tpu.memory_space<vmem>> -> memref<16xi32, #tpu.memory_space<vmem>>
      %dma_start3A_242 = tpu.memref_slice %arg4[%add3A_91] : memref<2048xi32, #tpu.memory_space<hbm>> -> memref<16xi32, #tpu.memory_space<hbm>>
      %dma_start3A_243 = arith.constant 0 : i32
      %dma_start3A_244 = tpu.memref_slice %arg8[%run_scoped3A_93, %dma_start3A_243] : memref<2x16xi32, #tpu.memory_space<vmem>> -> memref<1x16xi32, #tpu.memory_space<vmem>>
      %dma_start3A_245 = tpu.memref_squeeze %dma_start3A_244 : memref<1x16xi32, #tpu.memory_space<vmem>> -> memref<16xi32, #tpu.memory_space<vmem>>
      %dma_start3A_246 = tpu.memref_slice %arg4[%add3A_91] : memref<2048xi32, #tpu.memory_space<hbm>> -> memref<16xi32, #tpu.memory_space<hbm>>
      tpu.enqueue_dma source(%dma_start3A_246 : memref<16xi32, #tpu.memory_space<hbm>>) target(%dma_start3A_245 : memref<16xi32, #tpu.memory_space<vmem>>) target_semaphore(%run_scoped3A_238 : memref<!tpu.dma_semaphore, #tpu.memory_space<semaphore_mem>>)
      %dma_wait3A_247 = arith.constant 0 : i32
      %dma_wait3A_248 = tpu.memref_slice %arg8[%run_scoped3A_93, %dma_wait3A_247] : memref<2x16xi32, #tpu.memory_space<vmem>> -> memref<1x16xi32, #tpu.memory_space<vmem>>
      %dma_wait3A_249 = tpu.memref_squeeze %dma_wait3A_248 : memref<1x16xi32, #tpu.memory_space<vmem>> -> memref<16xi32, #tpu.memory_space<vmem>>
      %dma_wait3A_250 = tpu.memref_slice %arg4[%add3A_91] : memref<2048xi32, #tpu.memory_space<hbm>> -> memref<16xi32, #tpu.memory_space<hbm>>
      %dma_wait3A_251 = arith.constant 0 : i32
      %dma_wait3A_252 = tpu.memref_slice %arg8[%run_scoped3A_93, %dma_wait3A_251] : memref<2x16xi32, #tpu.memory_space<vmem>> -> memref<1x16xi32, #tpu.memory_space<vmem>>
      %dma_wait3A_253 = tpu.memref_squeeze %dma_wait3A_252 : memref<1x16xi32, #tpu.memory_space<vmem>> -> memref<16xi32, #tpu.memory_space<vmem>>
      %dma_wait3A_254 = tpu.memref_slice %arg4[%add3A_91] : memref<2048xi32, #tpu.memory_space<hbm>> -> memref<16xi32, #tpu.memory_space<hbm>>
      tpu.wait_dma2 semaphore(%run_scoped3A_238 : memref<!tpu.dma_semaphore, #tpu.memory_space<semaphore_mem>>) src(%dma_wait3A_254 : memref<16xi32, #tpu.memory_space<hbm>>) dst(%dma_wait3A_253 : memref<16xi32, #tpu.memory_space<vmem>>)
      tpu.yield
    }) : () -> ()
    %dma_start3A_94 = arith.constant 0 : i32
    %dma_start3A_95 = arith.constant 0 : i32
    %dma_start3A_96 = arith.constant 0 : i32
    %dma_start3A_97 = arith.constant 0 : i32
    %dma_start3A_98 = tpu.memref_slice %arg9[%dma_start3A_95, %dma_start3A_96, %dma_start3A_97] : memref<2x16x1024xf32, #tpu.memory_space<vmem>> -> memref<1x16x1024xf32, #tpu.memory_space<vmem>>
    %dma_start3A_99 = tpu.memref_squeeze %dma_start3A_98 : memref<1x16x1024xf32, #tpu.memory_space<vmem>> -> memref<16x1024xf32, #tpu.memory_space<vmem>>
    %dma_start3A_100 = arith.constant 0 : i32
    %dma_start3A_101 = tpu.memref_slice %arg7[%dma_start3A_94, %dma_start3A_100] : memref<2x16xi32, #tpu.memory_space<vmem>> -> memref<1x16xi32, #tpu.memory_space<vmem>>
    %dma_start3A_102 = tpu.memref_squeeze %dma_start3A_101 : memref<1x16xi32, #tpu.memory_space<vmem>> -> memref<16xi32, #tpu.memory_space<vmem>>
    %dma_start3A_103 = arith.constant 0 : i32
    %dma_start3A_104 = arith.constant 0 : i32
    %dma_start3A_105 = tpu.memref_slice %arg2[%dma_start3A_103, %dma_start3A_104] : memref<4096x1024xf32, #tpu.memory_space<hbm>> -> memref<4096x1024xf32, #tpu.memory_space<hbm>>
    tpu.enqueue_indirect_dma source(%dma_start3A_105 : memref<4096x1024xf32, #tpu.memory_space<hbm>>) target(%dma_start3A_99 : memref<16x1024xf32, #tpu.memory_space<vmem>>) offsets(%dma_start3A_102 : memref<16xi32, #tpu.memory_space<vmem>>) semaphore(%arg11 : memref<!tpu.dma_semaphore, #tpu.memory_space<semaphore_mem>>)
    %dma_start3A_106 = arith.constant 0 : i32
    %dma_start3A_107 = arith.constant 0 : i32
    %dma_start3A_108 = arith.constant 0 : i32
    %dma_start3A_109 = arith.constant 0 : i32
    %dma_start3A_110 = tpu.memref_slice %arg10[%dma_start3A_107, %dma_start3A_108, %dma_start3A_109] : memref<2x16x1024xf32, #tpu.memory_space<vmem>> -> memref<1x16x1024xf32, #tpu.memory_space<vmem>>
    %dma_start3A_111 = tpu.memref_squeeze %dma_start3A_110 : memref<1x16x1024xf32, #tpu.memory_space<vmem>> -> memref<16x1024xf32, #tpu.memory_space<vmem>>
    %dma_start3A_112 = arith.constant 0 : i32
    %dma_start3A_113 = tpu.memref_slice %arg8[%dma_start3A_106, %dma_start3A_112] : memref<2x16xi32, #tpu.memory_space<vmem>> -> memref<1x16xi32, #tpu.memory_space<vmem>>
    %dma_start3A_114 = tpu.memref_squeeze %dma_start3A_113 : memref<1x16xi32, #tpu.memory_space<vmem>> -> memref<16xi32, #tpu.memory_space<vmem>>
    %dma_start3A_115 = arith.constant 0 : i32
    %dma_start3A_116 = arith.constant 0 : i32
    %dma_start3A_117 = tpu.memref_slice %arg2[%dma_start3A_115, %dma_start3A_116] : memref<4096x1024xf32, #tpu.memory_space<hbm>> -> memref<4096x1024xf32, #tpu.memory_space<hbm>>
    tpu.enqueue_indirect_dma source(%dma_start3A_117 : memref<4096x1024xf32, #tpu.memory_space<hbm>>) target(%dma_start3A_111 : memref<16x1024xf32, #tpu.memory_space<vmem>>) offsets(%dma_start3A_114 : memref<16xi32, #tpu.memory_space<vmem>>) semaphore(%arg11 : memref<!tpu.dma_semaphore, #tpu.memory_space<semaphore_mem>>)
    %dma_wait3A_118 = arith.constant 1 : i32
    %dma_wait3A_119 = arith.constant 1 : i32
    %dma_wait3A_120 = arith.constant 0 : i32
    %dma_wait3A_121 = arith.constant 0 : i32
    %dma_wait3A_122 = tpu.memref_slice %arg9[%dma_wait3A_119, %dma_wait3A_120, %dma_wait3A_121] : memref<2x16x1024xf32, #tpu.memory_space<vmem>> -> memref<1x16x1024xf32, #tpu.memory_space<vmem>>
    %dma_wait3A_123 = tpu.memref_squeeze %dma_wait3A_122 : memref<1x16x1024xf32, #tpu.memory_space<vmem>> -> memref<16x1024xf32, #tpu.memory_space<vmem>>
    %dma_wait3A_124 = arith.constant 0 : i32
    %dma_wait3A_125 = tpu.memref_slice %arg7[%dma_wait3A_118, %dma_wait3A_124] : memref<2x16xi32, #tpu.memory_space<vmem>> -> memref<1x16xi32, #tpu.memory_space<vmem>>
    %dma_wait3A_126 = tpu.memref_squeeze %dma_wait3A_125 : memref<1x16xi32, #tpu.memory_space<vmem>> -> memref<16xi32, #tpu.memory_space<vmem>>
    %dma_wait3A_127 = arith.constant 0 : i32
    %dma_wait3A_128 = arith.constant 0 : i32
    %dma_wait3A_129 = tpu.memref_slice %arg2[%dma_wait3A_127, %dma_wait3A_128] : memref<4096x1024xf32, #tpu.memory_space<hbm>> -> memref<4096x1024xf32, #tpu.memory_space<hbm>>
    tpu.wait_indirect_dma semaphore(%arg12 : memref<!tpu.dma_semaphore, #tpu.memory_space<semaphore_mem>>) src(%dma_wait3A_129 : memref<4096x1024xf32, #tpu.memory_space<hbm>>) dst(%dma_wait3A_123 : memref<16x1024xf32, #tpu.memory_space<vmem>>)
    %dma_wait3A_130 = arith.constant 1 : i32
    %dma_wait3A_131 = arith.constant 1 : i32
    %dma_wait3A_132 = arith.constant 0 : i32
    %dma_wait3A_133 = arith.constant 0 : i32
    %dma_wait3A_134 = tpu.memref_slice %arg10[%dma_wait3A_131, %dma_wait3A_132, %dma_wait3A_133] : memref<2x16x1024xf32, #tpu.memory_space<vmem>> -> memref<1x16x1024xf32, #tpu.memory_space<vmem>>
    %dma_wait3A_135 = tpu.memref_squeeze %dma_wait3A_134 : memref<1x16x1024xf32, #tpu.memory_space<vmem>> -> memref<16x1024xf32, #tpu.memory_space<vmem>>
    %dma_wait3A_136 = arith.constant 0 : i32
    %dma_wait3A_137 = tpu.memref_slice %arg8[%dma_wait3A_130, %dma_wait3A_136] : memref<2x16xi32, #tpu.memory_space<vmem>> -> memref<1x16xi32, #tpu.memory_space<vmem>>
    %dma_wait3A_138 = tpu.memref_squeeze %dma_wait3A_137 : memref<1x16xi32, #tpu.memory_space<vmem>> -> memref<16xi32, #tpu.memory_space<vmem>>
    %dma_wait3A_139 = arith.constant 0 : i32
    %dma_wait3A_140 = arith.constant 0 : i32
    %dma_wait3A_141 = tpu.memref_slice %arg2[%dma_wait3A_139, %dma_wait3A_140] : memref<4096x1024xf32, #tpu.memory_space<hbm>> -> memref<4096x1024xf32, #tpu.memory_space<hbm>>
    tpu.wait_indirect_dma semaphore(%arg12 : memref<!tpu.dma_semaphore, #tpu.memory_space<semaphore_mem>>) src(%dma_wait3A_141 : memref<4096x1024xf32, #tpu.memory_space<hbm>>) dst(%dma_wait3A_135 : memref<16x1024xf32, #tpu.memory_space<vmem>>)
    %mul3A_142 = arith.constant 64 : i32
    %mul3A_143 = arith.muli %add3A, %mul3A_142 : i32
    %add3A_144 = arith.constant 16 : i32
    %add3A_145 = arith.addi %mul3A_143, %add3A_144 : i32
    %run_scoped3A_146 = arith.constant 1 : i32
    "tpu.region"() ({
      %run_scoped3A_238 = tpu.sem_alloc : memref<!tpu.dma_semaphore, #tpu.memory_space<semaphore_mem>>
      %dma_start3A_239 = arith.constant 0 : i32
      %dma_start3A_240 = arith.constant 0 : i32
      %dma_start3A_241 = tpu.memref_slice %arg9[%run_scoped3A_146, %dma_start3A_239, %dma_start3A_240] : memref<2x16x1024xf32, #tpu.memory_space<vmem>> -> memref<1x16x1024xf32, #tpu.memory_space<vmem>>
      %dma_start3A_242 = tpu.memref_squeeze %dma_start3A_241 : memref<1x16x1024xf32, #tpu.memory_space<vmem>> -> memref<16x1024xf32, #tpu.memory_space<vmem>>
      %dma_start3A_243 = arith.constant 0 : i32
      %dma_start3A_244 = tpu.memref_slice %arg5[%add3A_145, %dma_start3A_243] : memref<2048x1024xf32, #tpu.memory_space<hbm>> -> memref<16x1024xf32, #tpu.memory_space<hbm>>
      %dma_start3A_245 = arith.constant 0 : i32
      %dma_start3A_246 = tpu.memref_slice %arg5[%add3A_145, %dma_start3A_245] : memref<2048x1024xf32, #tpu.memory_space<hbm>> -> memref<16x1024xf32, #tpu.memory_space<hbm>>
      %dma_start3A_247 = arith.constant 0 : i32
      %dma_start3A_248 = arith.constant 0 : i32
      %dma_start3A_249 = tpu.memref_slice %arg9[%run_scoped3A_146, %dma_start3A_247, %dma_start3A_248] : memref<2x16x1024xf32, #tpu.memory_space<vmem>> -> memref<1x16x1024xf32, #tpu.memory_space<vmem>>
      %dma_start3A_250 = tpu.memref_squeeze %dma_start3A_249 : memref<1x16x1024xf32, #tpu.memory_space<vmem>> -> memref<16x1024xf32, #tpu.memory_space<vmem>>
      tpu.enqueue_dma source(%dma_start3A_250 : memref<16x1024xf32, #tpu.memory_space<vmem>>) target(%dma_start3A_246 : memref<16x1024xf32, #tpu.memory_space<hbm>>) target_semaphore(%run_scoped3A_238 : memref<!tpu.dma_semaphore, #tpu.memory_space<semaphore_mem>>)
      %dma_wait3A_251 = arith.constant 0 : i32
      %dma_wait3A_252 = arith.constant 0 : i32
      %dma_wait3A_253 = tpu.memref_slice %arg9[%run_scoped3A_146, %dma_wait3A_251, %dma_wait3A_252] : memref<2x16x1024xf32, #tpu.memory_space<vmem>> -> memref<1x16x1024xf32, #tpu.memory_space<vmem>>
      %dma_wait3A_254 = tpu.memref_squeeze %dma_wait3A_253 : memref<1x16x1024xf32, #tpu.memory_space<vmem>> -> memref<16x1024xf32, #tpu.memory_space<vmem>>
      %dma_wait3A_255 = arith.constant 0 : i32
      %dma_wait3A_256 = tpu.memref_slice %arg5[%add3A_145, %dma_wait3A_255] : memref<2048x1024xf32, #tpu.memory_space<hbm>> -> memref<16x1024xf32, #tpu.memory_space<hbm>>
      %dma_wait3A_257 = arith.constant 0 : i32
      %dma_wait3A_258 = tpu.memref_slice %arg5[%add3A_145, %dma_wait3A_257] : memref<2048x1024xf32, #tpu.memory_space<hbm>> -> memref<16x1024xf32, #tpu.memory_space<hbm>>
      %dma_wait3A_259 = arith.constant 0 : i32
      %dma_wait3A_260 = arith.constant 0 : i32
      %dma_wait3A_261 = tpu.memref_slice %arg9[%run_scoped3A_146, %dma_wait3A_259, %dma_wait3A_260] : memref<2x16x1024xf32, #tpu.memory_space<vmem>> -> memref<1x16x1024xf32, #tpu.memory_space<vmem>>
      %dma_wait3A_262 = tpu.memref_squeeze %dma_wait3A_261 : memref<1x16x1024xf32, #tpu.memory_space<vmem>> -> memref<16x1024xf32, #tpu.memory_space<vmem>>
      tpu.wait_dma2 semaphore(%run_scoped3A_238 : memref<!tpu.dma_semaphore, #tpu.memory_space<semaphore_mem>>) src(%dma_wait3A_262 : memref<16x1024xf32, #tpu.memory_space<vmem>>) dst(%dma_wait3A_258 : memref<16x1024xf32, #tpu.memory_space<hbm>>)
      tpu.yield
    }) : () -> ()
    %run_scoped3A_147 = arith.constant 1 : i32
    "tpu.region"() ({
      %run_scoped3A_238 = tpu.sem_alloc : memref<!tpu.dma_semaphore, #tpu.memory_space<semaphore_mem>>
      %dma_start3A_239 = arith.constant 0 : i32
      %dma_start3A_240 = arith.constant 0 : i32
      %dma_start3A_241 = tpu.memref_slice %arg10[%run_scoped3A_147, %dma_start3A_239, %dma_start3A_240] : memref<2x16x1024xf32, #tpu.memory_space<vmem>> -> memref<1x16x1024xf32, #tpu.memory_space<vmem>>
      %dma_start3A_242 = tpu.memref_squeeze %dma_start3A_241 : memref<1x16x1024xf32, #tpu.memory_space<vmem>> -> memref<16x1024xf32, #tpu.memory_space<vmem>>
      %dma_start3A_243 = arith.constant 0 : i32
      %dma_start3A_244 = tpu.memref_slice %arg6[%add3A_145, %dma_start3A_243] : memref<2048x1024xf32, #tpu.memory_space<hbm>> -> memref<16x1024xf32, #tpu.memory_space<hbm>>
      %dma_start3A_245 = arith.constant 0 : i32
      %dma_start3A_246 = tpu.memref_slice %arg6[%add3A_145, %dma_start3A_245] : memref<2048x1024xf32, #tpu.memory_space<hbm>> -> memref<16x1024xf32, #tpu.memory_space<hbm>>
      %dma_start3A_247 = arith.constant 0 : i32
      %dma_start3A_248 = arith.constant 0 : i32
      %dma_start3A_249 = tpu.memref_slice %arg10[%run_scoped3A_147, %dma_start3A_247, %dma_start3A_248] : memref<2x16x1024xf32, #tpu.memory_space<vmem>> -> memref<1x16x1024xf32, #tpu.memory_space<vmem>>
      %dma_start3A_250 = tpu.memref_squeeze %dma_start3A_249 : memref<1x16x1024xf32, #tpu.memory_space<vmem>> -> memref<16x1024xf32, #tpu.memory_space<vmem>>
      tpu.enqueue_dma source(%dma_start3A_250 : memref<16x1024xf32, #tpu.memory_space<vmem>>) target(%dma_start3A_246 : memref<16x1024xf32, #tpu.memory_space<hbm>>) target_semaphore(%run_scoped3A_238 : memref<!tpu.dma_semaphore, #tpu.memory_space<semaphore_mem>>)
      %dma_wait3A_251 = arith.constant 0 : i32
      %dma_wait3A_252 = arith.constant 0 : i32
      %dma_wait3A_253 = tpu.memref_slice %arg10[%run_scoped3A_147, %dma_wait3A_251, %dma_wait3A_252] : memref<2x16x1024xf32, #tpu.memory_space<vmem>> -> memref<1x16x1024xf32, #tpu.memory_space<vmem>>
      %dma_wait3A_254 = tpu.memref_squeeze %dma_wait3A_253 : memref<1x16x1024xf32, #tpu.memory_space<vmem>> -> memref<16x1024xf32, #tpu.memory_space<vmem>>
      %dma_wait3A_255 = arith.constant 0 : i32
      %dma_wait3A_256 = tpu.memref_slice %arg6[%add3A_145, %dma_wait3A_255] : memref<2048x1024xf32, #tpu.memory_space<hbm>> -> memref<16x1024xf32, #tpu.memory_space<hbm>>
      %dma_wait3A_257 = arith.constant 0 : i32
      %dma_wait3A_258 = tpu.memref_slice %arg6[%add3A_145, %dma_wait3A_257] : memref<2048x1024xf32, #tpu.memory_space<hbm>> -> memref<16x1024xf32, #tpu.memory_space<hbm>>
      %dma_wait3A_259 = arith.constant 0 : i32
      %dma_wait3A_260 = arith.constant 0 : i32
      %dma_wait3A_261 = tpu.memref_slice %arg10[%run_scoped3A_147, %dma_wait3A_259, %dma_wait3A_260] : memref<2x16x1024xf32, #tpu.memory_space<vmem>> -> memref<1x16x1024xf32, #tpu.memory_space<vmem>>
      %dma_wait3A_262 = tpu.memref_squeeze %dma_wait3A_261 : memref<1x16x1024xf32, #tpu.memory_space<vmem>> -> memref<16x1024xf32, #tpu.memory_space<vmem>>
      tpu.wait_dma2 semaphore(%run_scoped3A_238 : memref<!tpu.dma_semaphore, #tpu.memory_space<semaphore_mem>>) src(%dma_wait3A_262 : memref<16x1024xf32, #tpu.memory_space<vmem>>) dst(%dma_wait3A_258 : memref<16x1024xf32, #tpu.memory_space<hbm>>)
      tpu.yield
    }) : () -> ()
    %mul3A_148 = arith.constant 64 : i32
    %mul3A_149 = arith.muli %add3A, %mul3A_148 : i32
    %add3A_150 = arith.constant 48 : i32
    %add3A_151 = arith.addi %mul3A_149, %add3A_150 : i32
    %run_scoped3A_152 = arith.constant 1 : i32
    "tpu.region"() ({
      %run_scoped3A_238 = tpu.sem_alloc : memref<!tpu.dma_semaphore, #tpu.memory_space<semaphore_mem>>
      %dma_start3A_239 = arith.constant 0 : i32
      %dma_start3A_240 = tpu.memref_slice %arg7[%run_scoped3A_152, %dma_start3A_239] : memref<2x16xi32, #tpu.memory_space<vmem>> -> memref<1x16xi32, #tpu.memory_space<vmem>>
      %dma_start3A_241 = tpu.memref_squeeze %dma_start3A_240 : memref<1x16xi32, #tpu.memory_space<vmem>> -> memref<16xi32, #tpu.memory_space<vmem>>
      %dma_start3A_242 = tpu.memref_slice %arg3[%add3A_151] : memref<2048xi32, #tpu.memory_space<hbm>> -> memref<16xi32, #tpu.memory_space<hbm>>
      %dma_start3A_243 = arith.constant 0 : i32
      %dma_start3A_244 = tpu.memref_slice %arg7[%run_scoped3A_152, %dma_start3A_243] : memref<2x16xi32, #tpu.memory_space<vmem>> -> memref<1x16xi32, #tpu.memory_space<vmem>>
      %dma_start3A_245 = tpu.memref_squeeze %dma_start3A_244 : memref<1x16xi32, #tpu.memory_space<vmem>> -> memref<16xi32, #tpu.memory_space<vmem>>
      %dma_start3A_246 = tpu.memref_slice %arg3[%add3A_151] : memref<2048xi32, #tpu.memory_space<hbm>> -> memref<16xi32, #tpu.memory_space<hbm>>
      tpu.enqueue_dma source(%dma_start3A_246 : memref<16xi32, #tpu.memory_space<hbm>>) target(%dma_start3A_245 : memref<16xi32, #tpu.memory_space<vmem>>) target_semaphore(%run_scoped3A_238 : memref<!tpu.dma_semaphore, #tpu.memory_space<semaphore_mem>>)
      %dma_wait3A_247 = arith.constant 0 : i32
      %dma_wait3A_248 = tpu.memref_slice %arg7[%run_scoped3A_152, %dma_wait3A_247] : memref<2x16xi32, #tpu.memory_space<vmem>> -> memref<1x16xi32, #tpu.memory_space<vmem>>
      %dma_wait3A_249 = tpu.memref_squeeze %dma_wait3A_248 : memref<1x16xi32, #tpu.memory_space<vmem>> -> memref<16xi32, #tpu.memory_space<vmem>>
      %dma_wait3A_250 = tpu.memref_slice %arg3[%add3A_151] : memref<2048xi32, #tpu.memory_space<hbm>> -> memref<16xi32, #tpu.memory_space<hbm>>
      %dma_wait3A_251 = arith.constant 0 : i32
      %dma_wait3A_252 = tpu.memref_slice %arg7[%run_scoped3A_152, %dma_wait3A_251] : memref<2x16xi32, #tpu.memory_space<vmem>> -> memref<1x16xi32, #tpu.memory_space<vmem>>
      %dma_wait3A_253 = tpu.memref_squeeze %dma_wait3A_252 : memref<1x16xi32, #tpu.memory_space<vmem>> -> memref<16xi32, #tpu.memory_space<vmem>>
      %dma_wait3A_254 = tpu.memref_slice %arg3[%add3A_151] : memref<2048xi32, #tpu.memory_space<hbm>> -> memref<16xi32, #tpu.memory_space<hbm>>
      tpu.wait_dma2 semaphore(%run_scoped3A_238 : memref<!tpu.dma_semaphore, #tpu.memory_space<semaphore_mem>>) src(%dma_wait3A_254 : memref<16xi32, #tpu.memory_space<hbm>>) dst(%dma_wait3A_253 : memref<16xi32, #tpu.memory_space<vmem>>)
      tpu.yield
    }) : () -> ()
    %run_scoped3A_153 = arith.constant 1 : i32
    "tpu.region"() ({
      %run_scoped3A_238 = tpu.sem_alloc : memref<!tpu.dma_semaphore, #tpu.memory_space<semaphore_mem>>
      %dma_start3A_239 = arith.constant 0 : i32
      %dma_start3A_240 = tpu.memref_slice %arg8[%run_scoped3A_153, %dma_start3A_239] : memref<2x16xi32, #tpu.memory_space<vmem>> -> memref<1x16xi32, #tpu.memory_space<vmem>>
      %dma_start3A_241 = tpu.memref_squeeze %dma_start3A_240 : memref<1x16xi32, #tpu.memory_space<vmem>> -> memref<16xi32, #tpu.memory_space<vmem>>
      %dma_start3A_242 = tpu.memref_slice %arg4[%add3A_151] : memref<2048xi32, #tpu.memory_space<hbm>> -> memref<16xi32, #tpu.memory_space<hbm>>
      %dma_start3A_243 = arith.constant 0 : i32
      %dma_start3A_244 = tpu.memref_slice %arg8[%run_scoped3A_153, %dma_start3A_243] : memref<2x16xi32, #tpu.memory_space<vmem>> -> memref<1x16xi32, #tpu.memory_space<vmem>>
      %dma_start3A_245 = tpu.memref_squeeze %dma_start3A_244 : memref<1x16xi32, #tpu.memory_space<vmem>> -> memref<16xi32, #tpu.memory_space<vmem>>
      %dma_start3A_246 = tpu.memref_slice %arg4[%add3A_151] : memref<2048xi32, #tpu.memory_space<hbm>> -> memref<16xi32, #tpu.memory_space<hbm>>
      tpu.enqueue_dma source(%dma_start3A_246 : memref<16xi32, #tpu.memory_space<hbm>>) target(%dma_start3A_245 : memref<16xi32, #tpu.memory_space<vmem>>) target_semaphore(%run_scoped3A_238 : memref<!tpu.dma_semaphore, #tpu.memory_space<semaphore_mem>>)
      %dma_wait3A_247 = arith.constant 0 : i32
      %dma_wait3A_248 = tpu.memref_slice %arg8[%run_scoped3A_153, %dma_wait3A_247] : memref<2x16xi32, #tpu.memory_space<vmem>> -> memref<1x16xi32, #tpu.memory_space<vmem>>
      %dma_wait3A_249 = tpu.memref_squeeze %dma_wait3A_248 : memref<1x16xi32, #tpu.memory_space<vmem>> -> memref<16xi32, #tpu.memory_space<vmem>>
      %dma_wait3A_250 = tpu.memref_slice %arg4[%add3A_151] : memref<2048xi32, #tpu.memory_space<hbm>> -> memref<16xi32, #tpu.memory_space<hbm>>
      %dma_wait3A_251 = arith.constant 0 : i32
      %dma_wait3A_252 = tpu.memref_slice %arg8[%run_scoped3A_153, %dma_wait3A_251] : memref<2x16xi32, #tpu.memory_space<vmem>> -> memref<1x16xi32, #tpu.memory_space<vmem>>
      %dma_wait3A_253 = tpu.memref_squeeze %dma_wait3A_252 : memref<1x16xi32, #tpu.memory_space<vmem>> -> memref<16xi32, #tpu.memory_space<vmem>>
      %dma_wait3A_254 = tpu.memref_slice %arg4[%add3A_151] : memref<2048xi32, #tpu.memory_space<hbm>> -> memref<16xi32, #tpu.memory_space<hbm>>
      tpu.wait_dma2 semaphore(%run_scoped3A_238 : memref<!tpu.dma_semaphore, #tpu.memory_space<semaphore_mem>>) src(%dma_wait3A_254 : memref<16xi32, #tpu.memory_space<hbm>>) dst(%dma_wait3A_253 : memref<16xi32, #tpu.memory_space<vmem>>)
      tpu.yield
    }) : () -> ()
    %dma_start3A_154 = arith.constant 1 : i32
    %dma_start3A_155 = arith.constant 1 : i32
    %dma_start3A_156 = arith.constant 0 : i32
    %dma_start3A_157 = arith.constant 0 : i32
    %dma_start3A_158 = tpu.memref_slice %arg9[%dma_start3A_155, %dma_start3A_156, %dma_start3A_157] : memref<2x16x1024xf32, #tpu.memory_space<vmem>> -> memref<1x16x1024xf32, #tpu.memory_space<vmem>>
    %dma_start3A_159 = tpu.memref_squeeze %dma_start3A_158 : memref<1x16x1024xf32, #tpu.memory_space<vmem>> -> memref<16x1024xf32, #tpu.memory_space<vmem>>
    %dma_start3A_160 = arith.constant 0 : i32
    %dma_start3A_161 = tpu.memref_slice %arg7[%dma_start3A_154, %dma_start3A_160] : memref<2x16xi32, #tpu.memory_space<vmem>> -> memref<1x16xi32, #tpu.memory_space<vmem>>
    %dma_start3A_162 = tpu.memref_squeeze %dma_start3A_161 : memref<1x16xi32, #tpu.memory_space<vmem>> -> memref<16xi32, #tpu.memory_space<vmem>>
    %dma_start3A_163 = arith.constant 0 : i32
    %dma_start3A_164 = arith.constant 0 : i32
    %dma_start3A_165 = tpu.memref_slice %arg2[%dma_start3A_163, %dma_start3A_164] : memref<4096x1024xf32, #tpu.memory_space<hbm>> -> memref<4096x1024xf32, #tpu.memory_space<hbm>>
    tpu.enqueue_indirect_dma source(%dma_start3A_165 : memref<4096x1024xf32, #tpu.memory_space<hbm>>) target(%dma_start3A_159 : memref<16x1024xf32, #tpu.memory_space<vmem>>) offsets(%dma_start3A_162 : memref<16xi32, #tpu.memory_space<vmem>>) semaphore(%arg12 : memref<!tpu.dma_semaphore, #tpu.memory_space<semaphore_mem>>)
    %dma_start3A_166 = arith.constant 1 : i32
    %dma_start3A_167 = arith.constant 1 : i32
    %dma_start3A_168 = arith.constant 0 : i32
    %dma_start3A_169 = arith.constant 0 : i32
    %dma_start3A_170 = tpu.memref_slice %arg10[%dma_start3A_167, %dma_start3A_168, %dma_start3A_169] : memref<2x16x1024xf32, #tpu.memory_space<vmem>> -> memref<1x16x1024xf32, #tpu.memory_space<vmem>>
    %dma_start3A_171 = tpu.memref_squeeze %dma_start3A_170 : memref<1x16x1024xf32, #tpu.memory_space<vmem>> -> memref<16x1024xf32, #tpu.memory_space<vmem>>
    %dma_start3A_172 = arith.constant 0 : i32
    %dma_start3A_173 = tpu.memref_slice %arg8[%dma_start3A_166, %dma_start3A_172] : memref<2x16xi32, #tpu.memory_space<vmem>> -> memref<1x16xi32, #tpu.memory_space<vmem>>
    %dma_start3A_174 = tpu.memref_squeeze %dma_start3A_173 : memref<1x16xi32, #tpu.memory_space<vmem>> -> memref<16xi32, #tpu.memory_space<vmem>>
    %dma_start3A_175 = arith.constant 0 : i32
    %dma_start3A_176 = arith.constant 0 : i32
    %dma_start3A_177 = tpu.memref_slice %arg2[%dma_start3A_175, %dma_start3A_176] : memref<4096x1024xf32, #tpu.memory_space<hbm>> -> memref<4096x1024xf32, #tpu.memory_space<hbm>>
    tpu.enqueue_indirect_dma source(%dma_start3A_177 : memref<4096x1024xf32, #tpu.memory_space<hbm>>) target(%dma_start3A_171 : memref<16x1024xf32, #tpu.memory_space<vmem>>) offsets(%dma_start3A_174 : memref<16xi32, #tpu.memory_space<vmem>>) semaphore(%arg12 : memref<!tpu.dma_semaphore, #tpu.memory_space<semaphore_mem>>)
    %dma_wait3A_178 = arith.constant 0 : i32
    %dma_wait3A_179 = arith.constant 0 : i32
    %dma_wait3A_180 = arith.constant 0 : i32
    %dma_wait3A_181 = arith.constant 0 : i32
    %dma_wait3A_182 = tpu.memref_slice %arg9[%dma_wait3A_179, %dma_wait3A_180, %dma_wait3A_181] : memref<2x16x1024xf32, #tpu.memory_space<vmem>> -> memref<1x16x1024xf32, #tpu.memory_space<vmem>>
    %dma_wait3A_183 = tpu.memref_squeeze %dma_wait3A_182 : memref<1x16x1024xf32, #tpu.memory_space<vmem>> -> memref<16x1024xf32, #tpu.memory_space<vmem>>
    %dma_wait3A_184 = arith.constant 0 : i32
    %dma_wait3A_185 = tpu.memref_slice %arg7[%dma_wait3A_178, %dma_wait3A_184] : memref<2x16xi32, #tpu.memory_space<vmem>> -> memref<1x16xi32, #tpu.memory_space<vmem>>
    %dma_wait3A_186 = tpu.memref_squeeze %dma_wait3A_185 : memref<1x16xi32, #tpu.memory_space<vmem>> -> memref<16xi32, #tpu.memory_space<vmem>>
    %dma_wait3A_187 = arith.constant 0 : i32
    %dma_wait3A_188 = arith.constant 0 : i32
    %dma_wait3A_189 = tpu.memref_slice %arg2[%dma_wait3A_187, %dma_wait3A_188] : memref<4096x1024xf32, #tpu.memory_space<hbm>> -> memref<4096x1024xf32, #tpu.memory_space<hbm>>
    tpu.wait_indirect_dma semaphore(%arg11 : memref<!tpu.dma_semaphore, #tpu.memory_space<semaphore_mem>>) src(%dma_wait3A_189 : memref<4096x1024xf32, #tpu.memory_space<hbm>>) dst(%dma_wait3A_183 : memref<16x1024xf32, #tpu.memory_space<vmem>>)
    %dma_wait3A_190 = arith.constant 0 : i32
    %dma_wait3A_191 = arith.constant 0 : i32
    %dma_wait3A_192 = arith.constant 0 : i32
    %dma_wait3A_193 = arith.constant 0 : i32
    %dma_wait3A_194 = tpu.memref_slice %arg10[%dma_wait3A_191, %dma_wait3A_192, %dma_wait3A_193] : memref<2x16x1024xf32, #tpu.memory_space<vmem>> -> memref<1x16x1024xf32, #tpu.memory_space<vmem>>
    %dma_wait3A_195 = tpu.memref_squeeze %dma_wait3A_194 : memref<1x16x1024xf32, #tpu.memory_space<vmem>> -> memref<16x1024xf32, #tpu.memory_space<vmem>>
    %dma_wait3A_196 = arith.constant 0 : i32
    %dma_wait3A_197 = tpu.memref_slice %arg8[%dma_wait3A_190, %dma_wait3A_196] : memref<2x16xi32, #tpu.memory_space<vmem>> -> memref<1x16xi32, #tpu.memory_space<vmem>>
    %dma_wait3A_198 = tpu.memref_squeeze %dma_wait3A_197 : memref<1x16xi32, #tpu.memory_space<vmem>> -> memref<16xi32, #tpu.memory_space<vmem>>
    %dma_wait3A_199 = arith.constant 0 : i32
    %dma_wait3A_200 = arith.constant 0 : i32
    %dma_wait3A_201 = tpu.memref_slice %arg2[%dma_wait3A_199, %dma_wait3A_200] : memref<4096x1024xf32, #tpu.memory_space<hbm>> -> memref<4096x1024xf32, #tpu.memory_space<hbm>>
    tpu.wait_indirect_dma semaphore(%arg11 : memref<!tpu.dma_semaphore, #tpu.memory_space<semaphore_mem>>) src(%dma_wait3A_201 : memref<4096x1024xf32, #tpu.memory_space<hbm>>) dst(%dma_wait3A_195 : memref<16x1024xf32, #tpu.memory_space<vmem>>)
    %mul3A_202 = arith.constant 64 : i32
    %mul3A_203 = arith.muli %add3A, %mul3A_202 : i32
    %add3A_204 = arith.constant 32 : i32
    %add3A_205 = arith.addi %mul3A_203, %add3A_204 : i32
    %run_scoped3A_206 = arith.constant 0 : i32
    "tpu.region"() ({
      %run_scoped3A_238 = tpu.sem_alloc : memref<!tpu.dma_semaphore, #tpu.memory_space<semaphore_mem>>
      %dma_start3A_239 = arith.constant 0 : i32
      %dma_start3A_240 = arith.constant 0 : i32
      %dma_start3A_241 = tpu.memref_slice %arg9[%run_scoped3A_206, %dma_start3A_239, %dma_start3A_240] : memref<2x16x1024xf32, #tpu.memory_space<vmem>> -> memref<1x16x1024xf32, #tpu.memory_space<vmem>>
      %dma_start3A_242 = tpu.memref_squeeze %dma_start3A_241 : memref<1x16x1024xf32, #tpu.memory_space<vmem>> -> memref<16x1024xf32, #tpu.memory_space<vmem>>
      %dma_start3A_243 = arith.constant 0 : i32
      %dma_start3A_244 = tpu.memref_slice %arg5[%add3A_205, %dma_start3A_243] : memref<2048x1024xf32, #tpu.memory_space<hbm>> -> memref<16x1024xf32, #tpu.memory_space<hbm>>
      %dma_start3A_245 = arith.constant 0 : i32
      %dma_start3A_246 = tpu.memref_slice %arg5[%add3A_205, %dma_start3A_245] : memref<2048x1024xf32, #tpu.memory_space<hbm>> -> memref<16x1024xf32, #tpu.memory_space<hbm>>
      %dma_start3A_247 = arith.constant 0 : i32
      %dma_start3A_248 = arith.constant 0 : i32
      %dma_start3A_249 = tpu.memref_slice %arg9[%run_scoped3A_206, %dma_start3A_247, %dma_start3A_248] : memref<2x16x1024xf32, #tpu.memory_space<vmem>> -> memref<1x16x1024xf32, #tpu.memory_space<vmem>>
      %dma_start3A_250 = tpu.memref_squeeze %dma_start3A_249 : memref<1x16x1024xf32, #tpu.memory_space<vmem>> -> memref<16x1024xf32, #tpu.memory_space<vmem>>
      tpu.enqueue_dma source(%dma_start3A_250 : memref<16x1024xf32, #tpu.memory_space<vmem>>) target(%dma_start3A_246 : memref<16x1024xf32, #tpu.memory_space<hbm>>) target_semaphore(%run_scoped3A_238 : memref<!tpu.dma_semaphore, #tpu.memory_space<semaphore_mem>>)
      %dma_wait3A_251 = arith.constant 0 : i32
      %dma_wait3A_252 = arith.constant 0 : i32
      %dma_wait3A_253 = tpu.memref_slice %arg9[%run_scoped3A_206, %dma_wait3A_251, %dma_wait3A_252] : memref<2x16x1024xf32, #tpu.memory_space<vmem>> -> memref<1x16x1024xf32, #tpu.memory_space<vmem>>
      %dma_wait3A_254 = tpu.memref_squeeze %dma_wait3A_253 : memref<1x16x1024xf32, #tpu.memory_space<vmem>> -> memref<16x1024xf32, #tpu.memory_space<vmem>>
      %dma_wait3A_255 = arith.constant 0 : i32
      %dma_wait3A_256 = tpu.memref_slice %arg5[%add3A_205, %dma_wait3A_255] : memref<2048x1024xf32, #tpu.memory_space<hbm>> -> memref<16x1024xf32, #tpu.memory_space<hbm>>
      %dma_wait3A_257 = arith.constant 0 : i32
      %dma_wait3A_258 = tpu.memref_slice %arg5[%add3A_205, %dma_wait3A_257] : memref<2048x1024xf32, #tpu.memory_space<hbm>> -> memref<16x1024xf32, #tpu.memory_space<hbm>>
      %dma_wait3A_259 = arith.constant 0 : i32
      %dma_wait3A_260 = arith.constant 0 : i32
      %dma_wait3A_261 = tpu.memref_slice %arg9[%run_scoped3A_206, %dma_wait3A_259, %dma_wait3A_260] : memref<2x16x1024xf32, #tpu.memory_space<vmem>> -> memref<1x16x1024xf32, #tpu.memory_space<vmem>>
      %dma_wait3A_262 = tpu.memref_squeeze %dma_wait3A_261 : memref<1x16x1024xf32, #tpu.memory_space<vmem>> -> memref<16x1024xf32, #tpu.memory_space<vmem>>
      tpu.wait_dma2 semaphore(%run_scoped3A_238 : memref<!tpu.dma_semaphore, #tpu.memory_space<semaphore_mem>>) src(%dma_wait3A_262 : memref<16x1024xf32, #tpu.memory_space<vmem>>) dst(%dma_wait3A_258 : memref<16x1024xf32, #tpu.memory_space<hbm>>)
      tpu.yield
    }) : () -> ()
    %run_scoped3A_207 = arith.constant 0 : i32
    "tpu.region"() ({
      %run_scoped3A_238 = tpu.sem_alloc : memref<!tpu.dma_semaphore, #tpu.memory_space<semaphore_mem>>
      %dma_start3A_239 = arith.constant 0 : i32
      %dma_start3A_240 = arith.constant 0 : i32
      %dma_start3A_241 = tpu.memref_slice %arg10[%run_scoped3A_207, %dma_start3A_239, %dma_start3A_240] : memref<2x16x1024xf32, #tpu.memory_space<vmem>> -> memref<1x16x1024xf32, #tpu.memory_space<vmem>>
      %dma_start3A_242 = tpu.memref_squeeze %dma_start3A_241 : memref<1x16x1024xf32, #tpu.memory_space<vmem>> -> memref<16x1024xf32, #tpu.memory_space<vmem>>
      %dma_start3A_243 = arith.constant 0 : i32
      %dma_start3A_244 = tpu.memref_slice %arg6[%add3A_205, %dma_start3A_243] : memref<2048x1024xf32, #tpu.memory_space<hbm>> -> memref<16x1024xf32, #tpu.memory_space<hbm>>
      %dma_start3A_245 = arith.constant 0 : i32
      %dma_start3A_246 = tpu.memref_slice %arg6[%add3A_205, %dma_start3A_245] : memref<2048x1024xf32, #tpu.memory_space<hbm>> -> memref<16x1024xf32, #tpu.memory_space<hbm>>
      %dma_start3A_247 = arith.constant 0 : i32
      %dma_start3A_248 = arith.constant 0 : i32
      %dma_start3A_249 = tpu.memref_slice %arg10[%run_scoped3A_207, %dma_start3A_247, %dma_start3A_248] : memref<2x16x1024xf32, #tpu.memory_space<vmem>> -> memref<1x16x1024xf32, #tpu.memory_space<vmem>>
      %dma_start3A_250 = tpu.memref_squeeze %dma_start3A_249 : memref<1x16x1024xf32, #tpu.memory_space<vmem>> -> memref<16x1024xf32, #tpu.memory_space<vmem>>
      tpu.enqueue_dma source(%dma_start3A_250 : memref<16x1024xf32, #tpu.memory_space<vmem>>) target(%dma_start3A_246 : memref<16x1024xf32, #tpu.memory_space<hbm>>) target_semaphore(%run_scoped3A_238 : memref<!tpu.dma_semaphore, #tpu.memory_space<semaphore_mem>>)
      %dma_wait3A_251 = arith.constant 0 : i32
      %dma_wait3A_252 = arith.constant 0 : i32
      %dma_wait3A_253 = tpu.memref_slice %arg10[%run_scoped3A_207, %dma_wait3A_251, %dma_wait3A_252] : memref<2x16x1024xf32, #tpu.memory_space<vmem>> -> memref<1x16x1024xf32, #tpu.memory_space<vmem>>
      %dma_wait3A_254 = tpu.memref_squeeze %dma_wait3A_253 : memref<1x16x1024xf32, #tpu.memory_space<vmem>> -> memref<16x1024xf32, #tpu.memory_space<vmem>>
      %dma_wait3A_255 = arith.constant 0 : i32
      %dma_wait3A_256 = tpu.memref_slice %arg6[%add3A_205, %dma_wait3A_255] : memref<2048x1024xf32, #tpu.memory_space<hbm>> -> memref<16x1024xf32, #tpu.memory_space<hbm>>
      %dma_wait3A_257 = arith.constant 0 : i32
      %dma_wait3A_258 = tpu.memref_slice %arg6[%add3A_205, %dma_wait3A_257] : memref<2048x1024xf32, #tpu.memory_space<hbm>> -> memref<16x1024xf32, #tpu.memory_space<hbm>>
      %dma_wait3A_259 = arith.constant 0 : i32
      %dma_wait3A_260 = arith.constant 0 : i32
      %dma_wait3A_261 = tpu.memref_slice %arg10[%run_scoped3A_207, %dma_wait3A_259, %dma_wait3A_260] : memref<2x16x1024xf32, #tpu.memory_space<vmem>> -> memref<1x16x1024xf32, #tpu.memory_space<vmem>>
      %dma_wait3A_262 = tpu.memref_squeeze %dma_wait3A_261 : memref<1x16x1024xf32, #tpu.memory_space<vmem>> -> memref<16x1024xf32, #tpu.memory_space<vmem>>
      tpu.wait_dma2 semaphore(%run_scoped3A_238 : memref<!tpu.dma_semaphore, #tpu.memory_space<semaphore_mem>>) src(%dma_wait3A_262 : memref<16x1024xf32, #tpu.memory_space<vmem>>) dst(%dma_wait3A_258 : memref<16x1024xf32, #tpu.memory_space<hbm>>)
      tpu.yield
    }) : () -> ()
    %dma_wait3A_208 = arith.constant 1 : i32
    %dma_wait3A_209 = arith.constant 1 : i32
    %dma_wait3A_210 = arith.constant 0 : i32
    %dma_wait3A_211 = arith.constant 0 : i32
    %dma_wait3A_212 = tpu.memref_slice %arg9[%dma_wait3A_209, %dma_wait3A_210, %dma_wait3A_211] : memref<2x16x1024xf32, #tpu.memory_space<vmem>> -> memref<1x16x1024xf32, #tpu.memory_space<vmem>>
    %dma_wait3A_213 = tpu.memref_squeeze %dma_wait3A_212 : memref<1x16x1024xf32, #tpu.memory_space<vmem>> -> memref<16x1024xf32, #tpu.memory_space<vmem>>
    %dma_wait3A_214 = arith.constant 0 : i32
    %dma_wait3A_215 = tpu.memref_slice %arg7[%dma_wait3A_208, %dma_wait3A_214] : memref<2x16xi32, #tpu.memory_space<vmem>> -> memref<1x16xi32, #tpu.memory_space<vmem>>
    %dma_wait3A_216 = tpu.memref_squeeze %dma_wait3A_215 : memref<1x16xi32, #tpu.memory_space<vmem>> -> memref<16xi32, #tpu.memory_space<vmem>>
    %dma_wait3A_217 = arith.constant 0 : i32
    %dma_wait3A_218 = arith.constant 0 : i32
    %dma_wait3A_219 = tpu.memref_slice %arg2[%dma_wait3A_217, %dma_wait3A_218] : memref<4096x1024xf32, #tpu.memory_space<hbm>> -> memref<4096x1024xf32, #tpu.memory_space<hbm>>
    tpu.wait_indirect_dma semaphore(%arg12 : memref<!tpu.dma_semaphore, #tpu.memory_space<semaphore_mem>>) src(%dma_wait3A_219 : memref<4096x1024xf32, #tpu.memory_space<hbm>>) dst(%dma_wait3A_213 : memref<16x1024xf32, #tpu.memory_space<vmem>>)
    %dma_wait3A_220 = arith.constant 1 : i32
    %dma_wait3A_221 = arith.constant 1 : i32
    %dma_wait3A_222 = arith.constant 0 : i32
    %dma_wait3A_223 = arith.constant 0 : i32
    %dma_wait3A_224 = tpu.memref_slice %arg10[%dma_wait3A_221, %dma_wait3A_222, %dma_wait3A_223] : memref<2x16x1024xf32, #tpu.memory_space<vmem>> -> memref<1x16x1024xf32, #tpu.memory_space<vmem>>
    %dma_wait3A_225 = tpu.memref_squeeze %dma_wait3A_224 : memref<1x16x1024xf32, #tpu.memory_space<vmem>> -> memref<16x1024xf32, #tpu.memory_space<vmem>>
    %dma_wait3A_226 = arith.constant 0 : i32
    %dma_wait3A_227 = tpu.memref_slice %arg8[%dma_wait3A_220, %dma_wait3A_226] : memref<2x16xi32, #tpu.memory_space<vmem>> -> memref<1x16xi32, #tpu.memory_space<vmem>>
    %dma_wait3A_228 = tpu.memref_squeeze %dma_wait3A_227 : memref<1x16xi32, #tpu.memory_space<vmem>> -> memref<16xi32, #tpu.memory_space<vmem>>
    %dma_wait3A_229 = arith.constant 0 : i32
    %dma_wait3A_230 = arith.constant 0 : i32
    %dma_wait3A_231 = tpu.memref_slice %arg2[%dma_wait3A_229, %dma_wait3A_230] : memref<4096x1024xf32, #tpu.memory_space<hbm>> -> memref<4096x1024xf32, #tpu.memory_space<hbm>>
    tpu.wait_indirect_dma semaphore(%arg12 : memref<!tpu.dma_semaphore, #tpu.memory_space<semaphore_mem>>) src(%dma_wait3A_231 : memref<4096x1024xf32, #tpu.memory_space<hbm>>) dst(%dma_wait3A_225 : memref<16x1024xf32, #tpu.memory_space<vmem>>)
    %mul3A_232 = arith.constant 64 : i32
    %mul3A_233 = arith.muli %add3A, %mul3A_232 : i32
    %add3A_234 = arith.constant 48 : i32
    %add3A_235 = arith.addi %mul3A_233, %add3A_234 : i32
    %run_scoped3A_236 = arith.constant 1 : i32
    "tpu.region"() ({
      %run_scoped3A_238 = tpu.sem_alloc : memref<!tpu.dma_semaphore, #tpu.memory_space<semaphore_mem>>
      %dma_start3A_239 = arith.constant 0 : i32
      %dma_start3A_240 = arith.constant 0 : i32
      %dma_start3A_241 = tpu.memref_slice %arg9[%run_scoped3A_236, %dma_start3A_239, %dma_start3A_240] : memref<2x16x1024xf32, #tpu.memory_space<vmem>> -> memref<1x16x1024xf32, #tpu.memory_space<vmem>>
      %dma_start3A_242 = tpu.memref_squeeze %dma_start3A_241 : memref<1x16x1024xf32, #tpu.memory_space<vmem>> -> memref<16x1024xf32, #tpu.memory_space<vmem>>
      %dma_start3A_243 = arith.constant 0 : i32
      %dma_start3A_244 = tpu.memref_slice %arg5[%add3A_235, %dma_start3A_243] : memref<2048x1024xf32, #tpu.memory_space<hbm>> -> memref<16x1024xf32, #tpu.memory_space<hbm>>
      %dma_start3A_245 = arith.constant 0 : i32
      %dma_start3A_246 = tpu.memref_slice %arg5[%add3A_235, %dma_start3A_245] : memref<2048x1024xf32, #tpu.memory_space<hbm>> -> memref<16x1024xf32, #tpu.memory_space<hbm>>
      %dma_start3A_247 = arith.constant 0 : i32
      %dma_start3A_248 = arith.constant 0 : i32
      %dma_start3A_249 = tpu.memref_slice %arg9[%run_scoped3A_236, %dma_start3A_247, %dma_start3A_248] : memref<2x16x1024xf32, #tpu.memory_space<vmem>> -> memref<1x16x1024xf32, #tpu.memory_space<vmem>>
      %dma_start3A_250 = tpu.memref_squeeze %dma_start3A_249 : memref<1x16x1024xf32, #tpu.memory_space<vmem>> -> memref<16x1024xf32, #tpu.memory_space<vmem>>
      tpu.enqueue_dma source(%dma_start3A_250 : memref<16x1024xf32, #tpu.memory_space<vmem>>) target(%dma_start3A_246 : memref<16x1024xf32, #tpu.memory_space<hbm>>) target_semaphore(%run_scoped3A_238 : memref<!tpu.dma_semaphore, #tpu.memory_space<semaphore_mem>>)
      %dma_wait3A_251 = arith.constant 0 : i32
      %dma_wait3A_252 = arith.constant 0 : i32
      %dma_wait3A_253 = tpu.memref_slice %arg9[%run_scoped3A_236, %dma_wait3A_251, %dma_wait3A_252] : memref<2x16x1024xf32, #tpu.memory_space<vmem>> -> memref<1x16x1024xf32, #tpu.memory_space<vmem>>
      %dma_wait3A_254 = tpu.memref_squeeze %dma_wait3A_253 : memref<1x16x1024xf32, #tpu.memory_space<vmem>> -> memref<16x1024xf32, #tpu.memory_space<vmem>>
      %dma_wait3A_255 = arith.constant 0 : i32
      %dma_wait3A_256 = tpu.memref_slice %arg5[%add3A_235, %dma_wait3A_255] : memref<2048x1024xf32, #tpu.memory_space<hbm>> -> memref<16x1024xf32, #tpu.memory_space<hbm>>
      %dma_wait3A_257 = arith.constant 0 : i32
      %dma_wait3A_258 = tpu.memref_slice %arg5[%add3A_235, %dma_wait3A_257] : memref<2048x1024xf32, #tpu.memory_space<hbm>> -> memref<16x1024xf32, #tpu.memory_space<hbm>>
      %dma_wait3A_259 = arith.constant 0 : i32
      %dma_wait3A_260 = arith.constant 0 : i32
      %dma_wait3A_261 = tpu.memref_slice %arg9[%run_scoped3A_236, %dma_wait3A_259, %dma_wait3A_260] : memref<2x16x1024xf32, #tpu.memory_space<vmem>> -> memref<1x16x1024xf32, #tpu.memory_space<vmem>>
      %dma_wait3A_262 = tpu.memref_squeeze %dma_wait3A_261 : memref<1x16x1024xf32, #tpu.memory_space<vmem>> -> memref<16x1024xf32, #tpu.memory_space<vmem>>
      tpu.wait_dma2 semaphore(%run_scoped3A_238 : memref<!tpu.dma_semaphore, #tpu.memory_space<semaphore_mem>>) src(%dma_wait3A_262 : memref<16x1024xf32, #tpu.memory_space<vmem>>) dst(%dma_wait3A_258 : memref<16x1024xf32, #tpu.memory_space<hbm>>)
      tpu.yield
    }) : () -> ()
    %run_scoped3A_237 = arith.constant 1 : i32
    "tpu.region"() ({
      %run_scoped3A_238 = tpu.sem_alloc : memref<!tpu.dma_semaphore, #tpu.memory_space<semaphore_mem>>
      %dma_start3A_239 = arith.constant 0 : i32
      %dma_start3A_240 = arith.constant 0 : i32
      %dma_start3A_241 = tpu.memref_slice %arg10[%run_scoped3A_237, %dma_start3A_239, %dma_start3A_240] : memref<2x16x1024xf32, #tpu.memory_space<vmem>> -> memref<1x16x1024xf32, #tpu.memory_space<vmem>>
      %dma_start3A_242 = tpu.memref_squeeze %dma_start3A_241 : memref<1x16x1024xf32, #tpu.memory_space<vmem>> -> memref<16x1024xf32, #tpu.memory_space<vmem>>
      %dma_start3A_243 = arith.constant 0 : i32
      %dma_start3A_244 = tpu.memref_slice %arg6[%add3A_235, %dma_start3A_243] : memref<2048x1024xf32, #tpu.memory_space<hbm>> -> memref<16x1024xf32, #tpu.memory_space<hbm>>
      %dma_start3A_245 = arith.constant 0 : i32
      %dma_start3A_246 = tpu.memref_slice %arg6[%add3A_235, %dma_start3A_245] : memref<2048x1024xf32, #tpu.memory_space<hbm>> -> memref<16x1024xf32, #tpu.memory_space<hbm>>
      %dma_start3A_247 = arith.constant 0 : i32
      %dma_start3A_248 = arith.constant 0 : i32
      %dma_start3A_249 = tpu.memref_slice %arg10[%run_scoped3A_237, %dma_start3A_247, %dma_start3A_248] : memref<2x16x1024xf32, #tpu.memory_space<vmem>> -> memref<1x16x1024xf32, #tpu.memory_space<vmem>>
      %dma_start3A_250 = tpu.memref_squeeze %dma_start3A_249 : memref<1x16x1024xf32, #tpu.memory_space<vmem>> -> memref<16x1024xf32, #tpu.memory_space<vmem>>
      tpu.enqueue_dma source(%dma_start3A_250 : memref<16x1024xf32, #tpu.memory_space<vmem>>) target(%dma_start3A_246 : memref<16x1024xf32, #tpu.memory_space<hbm>>) target_semaphore(%run_scoped3A_238 : memref<!tpu.dma_semaphore, #tpu.memory_space<semaphore_mem>>)
      %dma_wait3A_251 = arith.constant 0 : i32
      %dma_wait3A_252 = arith.constant 0 : i32
      %dma_wait3A_253 = tpu.memref_slice %arg10[%run_scoped3A_237, %dma_wait3A_251, %dma_wait3A_252] : memref<2x16x1024xf32, #tpu.memory_space<vmem>> -> memref<1x16x1024xf32, #tpu.memory_space<vmem>>
      %dma_wait3A_254 = tpu.memref_squeeze %dma_wait3A_253 : memref<1x16x1024xf32, #tpu.memory_space<vmem>> -> memref<16x1024xf32, #tpu.memory_space<vmem>>
      %dma_wait3A_255 = arith.constant 0 : i32
      %dma_wait3A_256 = tpu.memref_slice %arg6[%add3A_235, %dma_wait3A_255] : memref<2048x1024xf32, #tpu.memory_space<hbm>> -> memref<16x1024xf32, #tpu.memory_space<hbm>>
      %dma_wait3A_257 = arith.constant 0 : i32
      %dma_wait3A_258 = tpu.memref_slice %arg6[%add3A_235, %dma_wait3A_257] : memref<2048x1024xf32, #tpu.memory_space<hbm>> -> memref<16x1024xf32, #tpu.memory_space<hbm>>
      %dma_wait3A_259 = arith.constant 0 : i32
      %dma_wait3A_260 = arith.constant 0 : i32
      %dma_wait3A_261 = tpu.memref_slice %arg10[%run_scoped3A_237, %dma_wait3A_259, %dma_wait3A_260] : memref<2x16x1024xf32, #tpu.memory_space<vmem>> -> memref<1x16x1024xf32, #tpu.memory_space<vmem>>
      %dma_wait3A_262 = tpu.memref_squeeze %dma_wait3A_261 : memref<1x16x1024xf32, #tpu.memory_space<vmem>> -> memref<16x1024xf32, #tpu.memory_space<vmem>>
      tpu.wait_dma2 semaphore(%run_scoped3A_238 : memref<!tpu.dma_semaphore, #tpu.memory_space<semaphore_mem>>) src(%dma_wait3A_262 : memref<16x1024xf32, #tpu.memory_space<vmem>>) dst(%dma_wait3A_258 : memref<16x1024xf32, #tpu.memory_space<hbm>>)
      tpu.yield
    }) : () -> ()
    return
  }
}

module attributes {stable_mosaic.version = 14 : i64} {
  func.func @_router_kernel(%arg0: memref<2048x8xf32, #tpu.memory_space<vmem>>, %arg1: memref<1x8xf32, #tpu.memory_space<vmem>>, %arg2: memref<2048x1xi32, #tpu.memory_space<vmem>>, %arg3: memref<2048x1xi32, #tpu.memory_space<vmem>>, %arg4: memref<2048x128xf32, #tpu.memory_space<vmem>>, %arg5: memref<2048x128xf32, #tpu.memory_space<vmem>>, %arg6: memref<1x8xi32, #tpu.memory_space<vmem>>) attributes {dimension_semantics = [], scalar_prefetch = 0 : i64, scratch_operands = 0 : i64, tpu.core_type = #tpu.core_type<tc>} {
    %get3A = arith.constant 0 : index
    %get3A_0 = arith.constant 0 : index
    %get3A_1 = vector.load %arg0[%get3A, %get3A_0] : memref<2048x8xf32, #tpu.memory_space<vmem>>, vector<2048x8xf32>
    %get3A_2 = arith.constant 0 : index
    %get3A_3 = arith.constant 0 : index
    %get3A_4 = vector.load %arg1[%get3A_2, %get3A_3] : memref<1x8xf32, #tpu.memory_space<vmem>>, vector<1x8xf32>
    %add3A = vector.broadcast %get3A_4 : vector<1x8xf32> to vector<2048x8xf32>
    %add3A_5 = arith.addf %get3A_1, %add3A : vector<2048x8xf32>
    %iota3A = tpu.iota {dimensions = array<i32: 1>} : vector<2048x8xi32>
    %jit3A = arith.constant 2 : i32
    %div3A = vector.broadcast %jit3A : i32 to vector<2048x8xi32>
    %div3A_6 = arith.divsi %iota3A, %div3A : vector<2048x8xi32>
    %sign3A = arith.constant 0 : i32
    %sign3A_7 = vector.broadcast %sign3A : i32 to vector<2048x8xi32>
    %sign3A_8 = arith.cmpi sgt, %iota3A, %sign3A_7 : vector<2048x8xi32>
    %sign3A_9 = arith.extui %sign3A_8 : vector<2048x8xi1> to vector<2048x8xi32>
    %sign3A_10 = arith.constant 0 : i32
    %sign3A_11 = vector.broadcast %sign3A_10 : i32 to vector<2048x8xi32>
    %sign3A_12 = arith.cmpi slt, %iota3A, %sign3A_11 : vector<2048x8xi32>
    %sign3A_13 = arith.extui %sign3A_12 : vector<2048x8xi1> to vector<2048x8xi32>
    %sign3A_14 = arith.subi %sign3A_9, %sign3A_13 : vector<2048x8xi32>
    %sign3A_15 = arith.constant 0 : i32
    %sign3A_16 = arith.cmpi sgt, %jit3A, %sign3A_15 : i32
    %sign3A_17 = arith.extui %sign3A_16 : i1 to i32
    %sign3A_18 = arith.constant 0 : i32
    %sign3A_19 = arith.cmpi slt, %jit3A, %sign3A_18 : i32
    %sign3A_20 = arith.extui %sign3A_19 : i1 to i32
    %sign3A_21 = arith.subi %sign3A_17, %sign3A_20 : i32
    %ne3A = vector.broadcast %sign3A_21 : i32 to vector<2048x8xi32>
    %ne3A_22 = arith.cmpi ne, %sign3A_14, %ne3A : vector<2048x8xi32>
    %rem3A = vector.broadcast %jit3A : i32 to vector<2048x8xi32>
    %rem3A_23 = arith.remsi %iota3A, %rem3A : vector<2048x8xi32>
    %ne3A_24 = arith.constant 0 : i32
    %ne3A_25 = vector.broadcast %ne3A_24 : i32 to vector<2048x8xi32>
    %ne3A_26 = arith.cmpi ne, %rem3A_23, %ne3A_25 : vector<2048x8xi32>
    %and3A = arith.andi %ne3A_22, %ne3A_26 : vector<2048x8xi1>
    %sub3A = arith.constant 1 : i32
    %sub3A_27 = vector.broadcast %sub3A : i32 to vector<2048x8xi32>
    %sub3A_28 = arith.subi %div3A_6, %sub3A_27 : vector<2048x8xi32>
    %select_n3A = arith.select %and3A, %sub3A_28, %div3A_6 : vector<2048x8xi1>, vector<2048x8xi32>
    %broadcast_in_dim3A = arith.constant 0.000000e+00 : f32
    %broadcast_in_dim3A_29 = vector.broadcast %broadcast_in_dim3A : f32 to vector<2048x8xf32>
    %eq3A = arith.constant 0 : i32
    %eq3A_30 = vector.broadcast %eq3A : i32 to vector<2048x8xi32>
    %eq3A_31 = arith.cmpi eq, %select_n3A, %eq3A_30 : vector<2048x8xi32>
    %jit3A_32 = arith.constant 0.000000e+00 : f32
    %broadcast_in_dim3A_33 = vector.broadcast %jit3A_32 : f32 to vector<2048x8xf32>
    %select_n3A_34 = arith.select %eq3A_31, %add3A_5, %broadcast_in_dim3A_33 : vector<2048x8xi1>, vector<2048x8xf32>
    %reduce_sum3A = arith.constant dense<0.000000e+00> : vector<2048xf32>
    %reduce_sum3A_35 = vector.multi_reduction <add>, %select_n3A_34, %reduce_sum3A [1] : vector<2048x8xf32> to vector<2048xf32>
    %broadcast_in_dim3A_36 = vector.shape_cast %reduce_sum3A_35 : vector<2048xf32> to vector<2048x1xf32>
    %broadcast_in_dim3A_37 = vector.shape_cast %broadcast_in_dim3A_36 : vector<2048x1xf32> to vector<2048x1xf32>
    %broadcast_in_dim3A_38 = vector.broadcast %broadcast_in_dim3A_37 : vector<2048x1xf32> to vector<2048x8xf32>
    %select_n3A_39 = arith.select %eq3A_31, %broadcast_in_dim3A_38, %broadcast_in_dim3A_29 : vector<2048x8xi1>, vector<2048x8xf32>
    %eq3A_40 = arith.constant 1 : i32
    %eq3A_41 = vector.broadcast %eq3A_40 : i32 to vector<2048x8xi32>
    %eq3A_42 = arith.cmpi eq, %select_n3A, %eq3A_41 : vector<2048x8xi32>
    %jit3A_43 = arith.constant 0.000000e+00 : f32
    %broadcast_in_dim3A_44 = vector.broadcast %jit3A_43 : f32 to vector<2048x8xf32>
    %select_n3A_45 = arith.select %eq3A_42, %add3A_5, %broadcast_in_dim3A_44 : vector<2048x8xi1>, vector<2048x8xf32>
    %reduce_sum3A_46 = arith.constant dense<0.000000e+00> : vector<2048xf32>
    %reduce_sum3A_47 = vector.multi_reduction <add>, %select_n3A_45, %reduce_sum3A_46 [1] : vector<2048x8xf32> to vector<2048xf32>
    %broadcast_in_dim3A_48 = vector.shape_cast %reduce_sum3A_47 : vector<2048xf32> to vector<2048x1xf32>
    %broadcast_in_dim3A_49 = vector.shape_cast %broadcast_in_dim3A_48 : vector<2048x1xf32> to vector<2048x1xf32>
    %broadcast_in_dim3A_50 = vector.broadcast %broadcast_in_dim3A_49 : vector<2048x1xf32> to vector<2048x8xf32>
    %select_n3A_51 = arith.select %eq3A_42, %broadcast_in_dim3A_50, %select_n3A_39 : vector<2048x8xi1>, vector<2048x8xf32>
    %eq3A_52 = arith.constant 2 : i32
    %eq3A_53 = vector.broadcast %eq3A_52 : i32 to vector<2048x8xi32>
    %eq3A_54 = arith.cmpi eq, %select_n3A, %eq3A_53 : vector<2048x8xi32>
    %jit3A_55 = arith.constant 0.000000e+00 : f32
    %broadcast_in_dim3A_56 = vector.broadcast %jit3A_55 : f32 to vector<2048x8xf32>
    %select_n3A_57 = arith.select %eq3A_54, %add3A_5, %broadcast_in_dim3A_56 : vector<2048x8xi1>, vector<2048x8xf32>
    %reduce_sum3A_58 = arith.constant dense<0.000000e+00> : vector<2048xf32>
    %reduce_sum3A_59 = vector.multi_reduction <add>, %select_n3A_57, %reduce_sum3A_58 [1] : vector<2048x8xf32> to vector<2048xf32>
    %broadcast_in_dim3A_60 = vector.shape_cast %reduce_sum3A_59 : vector<2048xf32> to vector<2048x1xf32>
    %broadcast_in_dim3A_61 = vector.shape_cast %broadcast_in_dim3A_60 : vector<2048x1xf32> to vector<2048x1xf32>
    %broadcast_in_dim3A_62 = vector.broadcast %broadcast_in_dim3A_61 : vector<2048x1xf32> to vector<2048x8xf32>
    %select_n3A_63 = arith.select %eq3A_54, %broadcast_in_dim3A_62, %select_n3A_51 : vector<2048x8xi1>, vector<2048x8xf32>
    %eq3A_64 = arith.constant 3 : i32
    %eq3A_65 = vector.broadcast %eq3A_64 : i32 to vector<2048x8xi32>
    %eq3A_66 = arith.cmpi eq, %select_n3A, %eq3A_65 : vector<2048x8xi32>
    %jit3A_67 = arith.constant 0.000000e+00 : f32
    %broadcast_in_dim3A_68 = vector.broadcast %jit3A_67 : f32 to vector<2048x8xf32>
    %select_n3A_69 = arith.select %eq3A_66, %add3A_5, %broadcast_in_dim3A_68 : vector<2048x8xi1>, vector<2048x8xf32>
    %reduce_sum3A_70 = arith.constant dense<0.000000e+00> : vector<2048xf32>
    %reduce_sum3A_71 = vector.multi_reduction <add>, %select_n3A_69, %reduce_sum3A_70 [1] : vector<2048x8xf32> to vector<2048xf32>
    %broadcast_in_dim3A_72 = vector.shape_cast %reduce_sum3A_71 : vector<2048xf32> to vector<2048x1xf32>
    %broadcast_in_dim3A_73 = vector.shape_cast %broadcast_in_dim3A_72 : vector<2048x1xf32> to vector<2048x1xf32>
    %broadcast_in_dim3A_74 = vector.broadcast %broadcast_in_dim3A_73 : vector<2048x1xf32> to vector<2048x8xf32>
    %select_n3A_75 = arith.select %eq3A_66, %broadcast_in_dim3A_74, %select_n3A_63 : vector<2048x8xi1>, vector<2048x8xf32>
    %reduce_max3A = arith.constant dense<0xFF800000> : vector<2048xf32>
    %reduce_max3A_76 = vector.multi_reduction <maximumf>, %select_n3A_75, %reduce_max3A [1] : vector<2048x8xf32> to vector<2048xf32>
    %broadcast_in_dim3A_77 = vector.shape_cast %reduce_max3A_76 : vector<2048xf32> to vector<2048x1xf32>
    %eq3A_78 = vector.broadcast %broadcast_in_dim3A_77 : vector<2048x1xf32> to vector<2048x8xf32>
    %eq3A_79 = arith.cmpf oeq, %select_n3A_75, %eq3A_78 : vector<2048x8xf32>
    %jit3A_80 = arith.constant 4 : i32
    %broadcast_in_dim3A_81 = vector.broadcast %jit3A_80 : i32 to vector<2048x8xi32>
    %select_n3A_82 = arith.select %eq3A_79, %select_n3A, %broadcast_in_dim3A_81 : vector<2048x8xi1>, vector<2048x8xi32>
    %reduce_min3A = arith.constant dense<2147483647> : vector<2048xi32>
    %reduce_min3A_83 = vector.multi_reduction <minsi>, %select_n3A_82, %reduce_min3A [1] : vector<2048x8xi32> to vector<2048xi32>
    %broadcast_in_dim3A_84 = vector.shape_cast %reduce_min3A_83 : vector<2048xi32> to vector<2048x1xi32>
    %eq3A_85 = vector.broadcast %broadcast_in_dim3A_84 : vector<2048x1xi32> to vector<2048x8xi32>
    %eq3A_86 = arith.cmpi eq, %select_n3A, %eq3A_85 : vector<2048x8xi32>
    %jit3A_87 = arith.constant -1.000000e+30 : f32
    %broadcast_in_dim3A_88 = vector.broadcast %jit3A_87 : f32 to vector<2048x8xf32>
    %select_n3A_89 = arith.select %eq3A_86, %broadcast_in_dim3A_88, %select_n3A_75 : vector<2048x8xi1>, vector<2048x8xf32>
    %reduce_max3A_90 = arith.constant dense<0xFF800000> : vector<2048xf32>
    %reduce_max3A_91 = vector.multi_reduction <maximumf>, %select_n3A_89, %reduce_max3A_90 [1] : vector<2048x8xf32> to vector<2048xf32>
    %broadcast_in_dim3A_92 = vector.shape_cast %reduce_max3A_91 : vector<2048xf32> to vector<2048x1xf32>
    %eq3A_93 = vector.broadcast %broadcast_in_dim3A_92 : vector<2048x1xf32> to vector<2048x8xf32>
    %eq3A_94 = arith.cmpf oeq, %select_n3A_89, %eq3A_93 : vector<2048x8xf32>
    %jit3A_95 = arith.constant 4 : i32
    %broadcast_in_dim3A_96 = vector.broadcast %jit3A_95 : i32 to vector<2048x8xi32>
    %select_n3A_97 = arith.select %eq3A_94, %select_n3A, %broadcast_in_dim3A_96 : vector<2048x8xi1>, vector<2048x8xi32>
    %reduce_min3A_98 = arith.constant dense<2147483647> : vector<2048xi32>
    %reduce_min3A_99 = vector.multi_reduction <minsi>, %select_n3A_97, %reduce_min3A_98 [1] : vector<2048x8xi32> to vector<2048xi32>
    %broadcast_in_dim3A_100 = vector.shape_cast %reduce_min3A_99 : vector<2048xi32> to vector<2048x1xi32>
    %eq3A_101 = vector.broadcast %broadcast_in_dim3A_84 : vector<2048x1xi32> to vector<2048x8xi32>
    %eq3A_102 = arith.cmpi eq, %select_n3A, %eq3A_101 : vector<2048x8xi32>
    %eq3A_103 = vector.broadcast %broadcast_in_dim3A_100 : vector<2048x1xi32> to vector<2048x8xi32>
    %eq3A_104 = arith.cmpi eq, %select_n3A, %eq3A_103 : vector<2048x8xi32>
    %or3A = arith.ori %eq3A_102, %eq3A_104 : vector<2048x8xi1>
    %jit3A_105 = arith.constant -1.000000e+30 : f32
    %broadcast_in_dim3A_106 = vector.broadcast %jit3A_105 : f32 to vector<2048x8xf32>
    %select_n3A_107 = arith.select %or3A, %add3A_5, %broadcast_in_dim3A_106 : vector<2048x8xi1>, vector<2048x8xf32>
    %reduce_max3A_108 = arith.constant dense<0xFF800000> : vector<2048xf32>
    %reduce_max3A_109 = vector.multi_reduction <maximumf>, %select_n3A_107, %reduce_max3A_108 [1] : vector<2048x8xf32> to vector<2048xf32>
    %broadcast_in_dim3A_110 = vector.shape_cast %reduce_max3A_109 : vector<2048xf32> to vector<2048x1xf32>
    %eq3A_111 = vector.broadcast %broadcast_in_dim3A_110 : vector<2048x1xf32> to vector<2048x8xf32>
    %eq3A_112 = arith.cmpf oeq, %select_n3A_107, %eq3A_111 : vector<2048x8xf32>
    %jit3A_113 = arith.constant 8 : i32
    %broadcast_in_dim3A_114 = vector.broadcast %jit3A_113 : i32 to vector<2048x8xi32>
    %select_n3A_115 = arith.select %eq3A_112, %iota3A, %broadcast_in_dim3A_114 : vector<2048x8xi1>, vector<2048x8xi32>
    %reduce_min3A_116 = arith.constant dense<2147483647> : vector<2048xi32>
    %reduce_min3A_117 = vector.multi_reduction <minsi>, %select_n3A_115, %reduce_min3A_116 [1] : vector<2048x8xi32> to vector<2048xi32>
    %broadcast_in_dim3A_118 = vector.shape_cast %reduce_min3A_117 : vector<2048xi32> to vector<2048x1xi32>
    %eq3A_119 = vector.broadcast %broadcast_in_dim3A_118 : vector<2048x1xi32> to vector<2048x8xi32>
    %eq3A_120 = arith.cmpi eq, %iota3A, %eq3A_119 : vector<2048x8xi32>
    %jit3A_121 = arith.constant -1.000000e+30 : f32
    %broadcast_in_dim3A_122 = vector.broadcast %jit3A_121 : f32 to vector<2048x8xf32>
    %select_n3A_123 = arith.select %eq3A_120, %broadcast_in_dim3A_122, %select_n3A_107 : vector<2048x8xi1>, vector<2048x8xf32>
    %reduce_max3A_124 = arith.constant dense<0xFF800000> : vector<2048xf32>
    %reduce_max3A_125 = vector.multi_reduction <maximumf>, %select_n3A_123, %reduce_max3A_124 [1] : vector<2048x8xf32> to vector<2048xf32>
    %broadcast_in_dim3A_126 = vector.shape_cast %reduce_max3A_125 : vector<2048xf32> to vector<2048x1xf32>
    %eq3A_127 = vector.broadcast %broadcast_in_dim3A_126 : vector<2048x1xf32> to vector<2048x8xf32>
    %eq3A_128 = arith.cmpf oeq, %select_n3A_123, %eq3A_127 : vector<2048x8xf32>
    %jit3A_129 = arith.constant 8 : i32
    %broadcast_in_dim3A_130 = vector.broadcast %jit3A_129 : i32 to vector<2048x8xi32>
    %select_n3A_131 = arith.select %eq3A_128, %iota3A, %broadcast_in_dim3A_130 : vector<2048x8xi1>, vector<2048x8xi32>
    %reduce_min3A_132 = arith.constant dense<2147483647> : vector<2048xi32>
    %reduce_min3A_133 = vector.multi_reduction <minsi>, %select_n3A_131, %reduce_min3A_132 [1] : vector<2048x8xi32> to vector<2048xi32>
    %broadcast_in_dim3A_134 = vector.shape_cast %reduce_min3A_133 : vector<2048xi32> to vector<2048x1xi32>
    %eq3A_135 = vector.broadcast %broadcast_in_dim3A_118 : vector<2048x1xi32> to vector<2048x8xi32>
    %eq3A_136 = arith.cmpi eq, %iota3A, %eq3A_135 : vector<2048x8xi32>
    %eq3A_137 = vector.broadcast %broadcast_in_dim3A_134 : vector<2048x1xi32> to vector<2048x8xi32>
    %eq3A_138 = arith.cmpi eq, %iota3A, %eq3A_137 : vector<2048x8xi32>
    %jit3A_139 = arith.constant 0.000000e+00 : f32
    %broadcast_in_dim3A_140 = vector.broadcast %jit3A_139 : f32 to vector<2048x8xf32>
    %select_n3A_141 = arith.select %eq3A_136, %get3A_1, %broadcast_in_dim3A_140 : vector<2048x8xi1>, vector<2048x8xf32>
    %reduce_sum3A_142 = arith.constant dense<0.000000e+00> : vector<2048xf32>
    %reduce_sum3A_143 = vector.multi_reduction <add>, %select_n3A_141, %reduce_sum3A_142 [1] : vector<2048x8xf32> to vector<2048xf32>
    %broadcast_in_dim3A_144 = vector.shape_cast %reduce_sum3A_143 : vector<2048xf32> to vector<2048x1xf32>
    %jit3A_145 = arith.constant 0.000000e+00 : f32
    %broadcast_in_dim3A_146 = vector.broadcast %jit3A_145 : f32 to vector<2048x8xf32>
    %select_n3A_147 = arith.select %eq3A_138, %get3A_1, %broadcast_in_dim3A_146 : vector<2048x8xi1>, vector<2048x8xf32>
    %reduce_sum3A_148 = arith.constant dense<0.000000e+00> : vector<2048xf32>
    %reduce_sum3A_149 = vector.multi_reduction <add>, %select_n3A_147, %reduce_sum3A_148 [1] : vector<2048x8xf32> to vector<2048xf32>
    %broadcast_in_dim3A_150 = vector.shape_cast %reduce_sum3A_149 : vector<2048xf32> to vector<2048x1xf32>
    %add3A_151 = arith.addf %broadcast_in_dim3A_144, %broadcast_in_dim3A_150 : vector<2048x1xf32>
    %add3A_152 = arith.constant 9.99999968E-21 : f32
    %add3A_153 = vector.broadcast %add3A_152 : f32 to vector<2048x1xf32>
    %add3A_154 = arith.addf %add3A_151, %add3A_153 : vector<2048x1xf32>
    %div3A_155 = arith.divf %broadcast_in_dim3A_144, %add3A_154 : vector<2048x1xf32>
    %broadcast_in_dim3A_156 = vector.shape_cast %div3A_155 : vector<2048x1xf32> to vector<2048x1xf32>
    %broadcast_in_dim3A_157 = vector.broadcast %broadcast_in_dim3A_156 : vector<2048x1xf32> to vector<2048x128xf32>
    %swap3A = arith.constant 0 : index
    %swap3A_158 = arith.constant 0 : index
    %swap3A_159 = vector.load %arg4[%swap3A, %swap3A_158] : memref<2048x128xf32, #tpu.memory_space<vmem>>, vector<2048x128xf32>
    tpu.vector_store %arg4[%swap3A, %swap3A_158], %broadcast_in_dim3A_157 {strides = array<i32>} : memref<2048x128xf32, #tpu.memory_space<vmem>>, vector<2048x128xf32>,
    %div3A_160 = arith.divf %broadcast_in_dim3A_150, %add3A_154 : vector<2048x1xf32>
    %broadcast_in_dim3A_161 = vector.shape_cast %div3A_160 : vector<2048x1xf32> to vector<2048x1xf32>
    %broadcast_in_dim3A_162 = vector.broadcast %broadcast_in_dim3A_161 : vector<2048x1xf32> to vector<2048x128xf32>
    %swap3A_163 = arith.constant 0 : index
    %swap3A_164 = arith.constant 0 : index
    %swap3A_165 = vector.load %arg5[%swap3A_163, %swap3A_164] : memref<2048x128xf32, #tpu.memory_space<vmem>>, vector<2048x128xf32>
    tpu.vector_store %arg5[%swap3A_163, %swap3A_164], %broadcast_in_dim3A_162 {strides = array<i32>} : memref<2048x128xf32, #tpu.memory_space<vmem>>, vector<2048x128xf32>,
    %or3A_166 = arith.ori %eq3A_136, %eq3A_138 : vector<2048x8xi1>
    %convert_element_type3A = arith.extui %or3A_166 : vector<2048x8xi1> to vector<2048x8xi32>
    %convert_element_type3A_167 = arith.sitofp %convert_element_type3A : vector<2048x8xi32> to vector<2048x8xf32>
    %iota3A_168 = tpu.iota {dimensions = array<i32: 0>} : vector<2048x2048xi32>
    %iota3A_169 = tpu.iota {dimensions = array<i32: 1>} : vector<2048x2048xi32>
    %lt3A = arith.cmpi slt, %iota3A_169, %iota3A_168 : vector<2048x2048xi32>
    %convert_element_type3A_170 = arith.extui %lt3A : vector<2048x2048xi1> to vector<2048x2048xi32>
    %convert_element_type3A_171 = arith.sitofp %convert_element_type3A_170 : vector<2048x2048xi32> to vector<2048x2048xf32>
    %dot_general3A = arith.constant dense<0.000000e+00> : vector<2048x8xf32>
    %dot_general3A_172 = tpu.matmul %convert_element_type3A_171, %convert_element_type3A_167, %dot_general3A {dimension_numbers = #tpu.dot_dimension_numbers<[1], [0], [0], [1], [0, 0, 1, 1], [], []>, transpose_lhs_hint = false} : vector<2048x2048xf32>, vector<2048x8xf32>, vector<2048x8xf32> -> vector<2048x8xf32>
    %reduce_sum3A_173 = arith.constant dense<0.000000e+00> : vector<8xf32>
    %reduce_sum3A_174 = vector.multi_reduction <add>, %convert_element_type3A_167, %reduce_sum3A_173 [0] : vector<2048x8xf32> to vector<8xf32>
    %broadcast_in_dim3A_175 = vector.shape_cast %reduce_sum3A_174 : vector<8xf32> to vector<1x8xf32>
    %iota3A_176 = tpu.iota {dimensions = array<i32: 1>} : vector<1x8xi32>
    %broadcast_in_dim3A_177 = arith.constant 0.000000e+00 : f32
    %broadcast_in_dim3A_178 = vector.broadcast %broadcast_in_dim3A_177 : f32 to vector<1x8xf32>
    %lt3A_179 = arith.constant 1 : i32
    %lt3A_180 = vector.broadcast %lt3A_179 : i32 to vector<1x8xi32>
    %lt3A_181 = arith.cmpi slt, %iota3A_176, %lt3A_180 : vector<1x8xi32>
    %jit3A_182 = arith.constant 0.000000e+00 : f32
    %broadcast_in_dim3A_183 = vector.broadcast %jit3A_182 : f32 to vector<1x8xf32>
    %select_n3A_184 = arith.select %lt3A_181, %broadcast_in_dim3A_175, %broadcast_in_dim3A_183 : vector<1x8xi1>, vector<1x8xf32>
    %reduce_sum3A_185 = arith.constant dense<0.000000e+00> : vector<1xf32>
    %reduce_sum3A_186 = vector.multi_reduction <add>, %select_n3A_184, %reduce_sum3A_185 [1] : vector<1x8xf32> to vector<1xf32>
    %broadcast_in_dim3A_187 = vector.shape_cast %reduce_sum3A_186 : vector<1xf32> to vector<1x1xf32>
    %eq3A_188 = arith.constant 1 : i32
    %eq3A_189 = vector.broadcast %eq3A_188 : i32 to vector<1x8xi32>
    %eq3A_190 = arith.cmpi eq, %iota3A_176, %eq3A_189 : vector<1x8xi32>
    %broadcast_in_dim3A_191 = vector.shape_cast %broadcast_in_dim3A_187 : vector<1x1xf32> to vector<1x1xf32>
    %broadcast_in_dim3A_192 = vector.broadcast %broadcast_in_dim3A_191 : vector<1x1xf32> to vector<1x8xf32>
    %select_n3A_193 = arith.select %eq3A_190, %broadcast_in_dim3A_192, %broadcast_in_dim3A_178 : vector<1x8xi1>, vector<1x8xf32>
    %lt3A_194 = arith.constant 2 : i32
    %lt3A_195 = vector.broadcast %lt3A_194 : i32 to vector<1x8xi32>
    %lt3A_196 = arith.cmpi slt, %iota3A_176, %lt3A_195 : vector<1x8xi32>
    %jit3A_197 = arith.constant 0.000000e+00 : f32
    %broadcast_in_dim3A_198 = vector.broadcast %jit3A_197 : f32 to vector<1x8xf32>
    %select_n3A_199 = arith.select %lt3A_196, %broadcast_in_dim3A_175, %broadcast_in_dim3A_198 : vector<1x8xi1>, vector<1x8xf32>
    %reduce_sum3A_200 = arith.constant dense<0.000000e+00> : vector<1xf32>
    %reduce_sum3A_201 = vector.multi_reduction <add>, %select_n3A_199, %reduce_sum3A_200 [1] : vector<1x8xf32> to vector<1xf32>
    %broadcast_in_dim3A_202 = vector.shape_cast %reduce_sum3A_201 : vector<1xf32> to vector<1x1xf32>
    %eq3A_203 = arith.constant 2 : i32
    %eq3A_204 = vector.broadcast %eq3A_203 : i32 to vector<1x8xi32>
    %eq3A_205 = arith.cmpi eq, %iota3A_176, %eq3A_204 : vector<1x8xi32>
    %broadcast_in_dim3A_206 = vector.shape_cast %broadcast_in_dim3A_202 : vector<1x1xf32> to vector<1x1xf32>
    %broadcast_in_dim3A_207 = vector.broadcast %broadcast_in_dim3A_206 : vector<1x1xf32> to vector<1x8xf32>
    %select_n3A_208 = arith.select %eq3A_205, %broadcast_in_dim3A_207, %select_n3A_193 : vector<1x8xi1>, vector<1x8xf32>
    %lt3A_209 = arith.constant 3 : i32
    %lt3A_210 = vector.broadcast %lt3A_209 : i32 to vector<1x8xi32>
    %lt3A_211 = arith.cmpi slt, %iota3A_176, %lt3A_210 : vector<1x8xi32>
    %jit3A_212 = arith.constant 0.000000e+00 : f32
    %broadcast_in_dim3A_213 = vector.broadcast %jit3A_212 : f32 to vector<1x8xf32>
    %select_n3A_214 = arith.select %lt3A_211, %broadcast_in_dim3A_175, %broadcast_in_dim3A_213 : vector<1x8xi1>, vector<1x8xf32>
    %reduce_sum3A_215 = arith.constant dense<0.000000e+00> : vector<1xf32>
    %reduce_sum3A_216 = vector.multi_reduction <add>, %select_n3A_214, %reduce_sum3A_215 [1] : vector<1x8xf32> to vector<1xf32>
    %broadcast_in_dim3A_217 = vector.shape_cast %reduce_sum3A_216 : vector<1xf32> to vector<1x1xf32>
    %eq3A_218 = arith.constant 3 : i32
    %eq3A_219 = vector.broadcast %eq3A_218 : i32 to vector<1x8xi32>
    %eq3A_220 = arith.cmpi eq, %iota3A_176, %eq3A_219 : vector<1x8xi32>
    %broadcast_in_dim3A_221 = vector.shape_cast %broadcast_in_dim3A_217 : vector<1x1xf32> to vector<1x1xf32>
    %broadcast_in_dim3A_222 = vector.broadcast %broadcast_in_dim3A_221 : vector<1x1xf32> to vector<1x8xf32>
    %select_n3A_223 = arith.select %eq3A_220, %broadcast_in_dim3A_222, %select_n3A_208 : vector<1x8xi1>, vector<1x8xf32>
    %lt3A_224 = arith.constant 4 : i32
    %lt3A_225 = vector.broadcast %lt3A_224 : i32 to vector<1x8xi32>
    %lt3A_226 = arith.cmpi slt, %iota3A_176, %lt3A_225 : vector<1x8xi32>
    %jit3A_227 = arith.constant 0.000000e+00 : f32
    %broadcast_in_dim3A_228 = vector.broadcast %jit3A_227 : f32 to vector<1x8xf32>
    %select_n3A_229 = arith.select %lt3A_226, %broadcast_in_dim3A_175, %broadcast_in_dim3A_228 : vector<1x8xi1>, vector<1x8xf32>
    %reduce_sum3A_230 = arith.constant dense<0.000000e+00> : vector<1xf32>
    %reduce_sum3A_231 = vector.multi_reduction <add>, %select_n3A_229, %reduce_sum3A_230 [1] : vector<1x8xf32> to vector<1xf32>
    %broadcast_in_dim3A_232 = vector.shape_cast %reduce_sum3A_231 : vector<1xf32> to vector<1x1xf32>
    %eq3A_233 = arith.constant 4 : i32
    %eq3A_234 = vector.broadcast %eq3A_233 : i32 to vector<1x8xi32>
    %eq3A_235 = arith.cmpi eq, %iota3A_176, %eq3A_234 : vector<1x8xi32>
    %broadcast_in_dim3A_236 = vector.shape_cast %broadcast_in_dim3A_232 : vector<1x1xf32> to vector<1x1xf32>
    %broadcast_in_dim3A_237 = vector.broadcast %broadcast_in_dim3A_236 : vector<1x1xf32> to vector<1x8xf32>
    %select_n3A_238 = arith.select %eq3A_235, %broadcast_in_dim3A_237, %select_n3A_223 : vector<1x8xi1>, vector<1x8xf32>
    %lt3A_239 = arith.constant 5 : i32
    %lt3A_240 = vector.broadcast %lt3A_239 : i32 to vector<1x8xi32>
    %lt3A_241 = arith.cmpi slt, %iota3A_176, %lt3A_240 : vector<1x8xi32>
    %jit3A_242 = arith.constant 0.000000e+00 : f32
    %broadcast_in_dim3A_243 = vector.broadcast %jit3A_242 : f32 to vector<1x8xf32>
    %select_n3A_244 = arith.select %lt3A_241, %broadcast_in_dim3A_175, %broadcast_in_dim3A_243 : vector<1x8xi1>, vector<1x8xf32>
    %reduce_sum3A_245 = arith.constant dense<0.000000e+00> : vector<1xf32>
    %reduce_sum3A_246 = vector.multi_reduction <add>, %select_n3A_244, %reduce_sum3A_245 [1] : vector<1x8xf32> to vector<1xf32>
    %broadcast_in_dim3A_247 = vector.shape_cast %reduce_sum3A_246 : vector<1xf32> to vector<1x1xf32>
    %eq3A_248 = arith.constant 5 : i32
    %eq3A_249 = vector.broadcast %eq3A_248 : i32 to vector<1x8xi32>
    %eq3A_250 = arith.cmpi eq, %iota3A_176, %eq3A_249 : vector<1x8xi32>
    %broadcast_in_dim3A_251 = vector.shape_cast %broadcast_in_dim3A_247 : vector<1x1xf32> to vector<1x1xf32>
    %broadcast_in_dim3A_252 = vector.broadcast %broadcast_in_dim3A_251 : vector<1x1xf32> to vector<1x8xf32>
    %select_n3A_253 = arith.select %eq3A_250, %broadcast_in_dim3A_252, %select_n3A_238 : vector<1x8xi1>, vector<1x8xf32>
    %lt3A_254 = arith.constant 6 : i32
    %lt3A_255 = vector.broadcast %lt3A_254 : i32 to vector<1x8xi32>
    %lt3A_256 = arith.cmpi slt, %iota3A_176, %lt3A_255 : vector<1x8xi32>
    %jit3A_257 = arith.constant 0.000000e+00 : f32
    %broadcast_in_dim3A_258 = vector.broadcast %jit3A_257 : f32 to vector<1x8xf32>
    %select_n3A_259 = arith.select %lt3A_256, %broadcast_in_dim3A_175, %broadcast_in_dim3A_258 : vector<1x8xi1>, vector<1x8xf32>
    %reduce_sum3A_260 = arith.constant dense<0.000000e+00> : vector<1xf32>
    %reduce_sum3A_261 = vector.multi_reduction <add>, %select_n3A_259, %reduce_sum3A_260 [1] : vector<1x8xf32> to vector<1xf32>
    %broadcast_in_dim3A_262 = vector.shape_cast %reduce_sum3A_261 : vector<1xf32> to vector<1x1xf32>
    %eq3A_263 = arith.constant 6 : i32
    %eq3A_264 = vector.broadcast %eq3A_263 : i32 to vector<1x8xi32>
    %eq3A_265 = arith.cmpi eq, %iota3A_176, %eq3A_264 : vector<1x8xi32>
    %broadcast_in_dim3A_266 = vector.shape_cast %broadcast_in_dim3A_262 : vector<1x1xf32> to vector<1x1xf32>
    %broadcast_in_dim3A_267 = vector.broadcast %broadcast_in_dim3A_266 : vector<1x1xf32> to vector<1x8xf32>
    %select_n3A_268 = arith.select %eq3A_265, %broadcast_in_dim3A_267, %select_n3A_253 : vector<1x8xi1>, vector<1x8xf32>
    %lt3A_269 = arith.constant 7 : i32
    %lt3A_270 = vector.broadcast %lt3A_269 : i32 to vector<1x8xi32>
    %lt3A_271 = arith.cmpi slt, %iota3A_176, %lt3A_270 : vector<1x8xi32>
    %jit3A_272 = arith.constant 0.000000e+00 : f32
    %broadcast_in_dim3A_273 = vector.broadcast %jit3A_272 : f32 to vector<1x8xf32>
    %select_n3A_274 = arith.select %lt3A_271, %broadcast_in_dim3A_175, %broadcast_in_dim3A_273 : vector<1x8xi1>, vector<1x8xf32>
    %reduce_sum3A_275 = arith.constant dense<0.000000e+00> : vector<1xf32>
    %reduce_sum3A_276 = vector.multi_reduction <add>, %select_n3A_274, %reduce_sum3A_275 [1] : vector<1x8xf32> to vector<1xf32>
    %broadcast_in_dim3A_277 = vector.shape_cast %reduce_sum3A_276 : vector<1xf32> to vector<1x1xf32>
    %eq3A_278 = arith.constant 7 : i32
    %eq3A_279 = vector.broadcast %eq3A_278 : i32 to vector<1x8xi32>
    %eq3A_280 = arith.cmpi eq, %iota3A_176, %eq3A_279 : vector<1x8xi32>
    %broadcast_in_dim3A_281 = vector.shape_cast %broadcast_in_dim3A_277 : vector<1x1xf32> to vector<1x1xf32>
    %broadcast_in_dim3A_282 = vector.broadcast %broadcast_in_dim3A_281 : vector<1x1xf32> to vector<1x8xf32>
    %select_n3A_283 = arith.select %eq3A_280, %broadcast_in_dim3A_282, %select_n3A_268 : vector<1x8xi1>, vector<1x8xf32>
    %add3A_284 = vector.broadcast %select_n3A_283 : vector<1x8xf32> to vector<2048x8xf32>
    %add3A_285 = arith.addf %add3A_284, %dot_general3A_172 : vector<2048x8xf32>
    %jit3A_286 = arith.constant 0.000000e+00 : f32
    %broadcast_in_dim3A_287 = vector.broadcast %jit3A_286 : f32 to vector<2048x8xf32>
    %select_n3A_288 = arith.select %eq3A_136, %add3A_285, %broadcast_in_dim3A_287 : vector<2048x8xi1>, vector<2048x8xf32>
    %reduce_sum3A_289 = arith.constant dense<0.000000e+00> : vector<2048xf32>
    %reduce_sum3A_290 = vector.multi_reduction <add>, %select_n3A_288, %reduce_sum3A_289 [1] : vector<2048x8xf32> to vector<2048xf32>
    %broadcast_in_dim3A_291 = vector.shape_cast %reduce_sum3A_290 : vector<2048xf32> to vector<2048x1xf32>
    %convert_element_type3A_292 = arith.fptosi %broadcast_in_dim3A_291 : vector<2048x1xf32> to vector<2048x1xi32>
    %swap3A_293 = arith.constant 0 : index
    %swap3A_294 = arith.constant 0 : index
    %swap3A_295 = vector.load %arg2[%swap3A_293, %swap3A_294] : memref<2048x1xi32, #tpu.memory_space<vmem>>, vector<2048x1xi32>
    tpu.vector_store %arg2[%swap3A_293, %swap3A_294], %convert_element_type3A_292 {strides = array<i32>} : memref<2048x1xi32, #tpu.memory_space<vmem>>, vector<2048x1xi32>,
    %jit3A_296 = arith.constant 0.000000e+00 : f32
    %broadcast_in_dim3A_297 = vector.broadcast %jit3A_296 : f32 to vector<2048x8xf32>
    %select_n3A_298 = arith.select %eq3A_138, %add3A_285, %broadcast_in_dim3A_297 : vector<2048x8xi1>, vector<2048x8xf32>
    %reduce_sum3A_299 = arith.constant dense<0.000000e+00> : vector<2048xf32>
    %reduce_sum3A_300 = vector.multi_reduction <add>, %select_n3A_298, %reduce_sum3A_299 [1] : vector<2048x8xf32> to vector<2048xf32>
    %broadcast_in_dim3A_301 = vector.shape_cast %reduce_sum3A_300 : vector<2048xf32> to vector<2048x1xf32>
    %convert_element_type3A_302 = arith.fptosi %broadcast_in_dim3A_301 : vector<2048x1xf32> to vector<2048x1xi32>
    %swap3A_303 = arith.constant 0 : index
    %swap3A_304 = arith.constant 0 : index
    %swap3A_305 = vector.load %arg3[%swap3A_303, %swap3A_304] : memref<2048x1xi32, #tpu.memory_space<vmem>>, vector<2048x1xi32>
    tpu.vector_store %arg3[%swap3A_303, %swap3A_304], %convert_element_type3A_302 {strides = array<i32>} : memref<2048x1xi32, #tpu.memory_space<vmem>>, vector<2048x1xi32>,
    %convert_element_type3A_306 = arith.fptosi %broadcast_in_dim3A_175 : vector<1x8xf32> to vector<1x8xi32>
    %swap3A_307 = arith.constant 0 : index
    %swap3A_308 = arith.constant 0 : index
    %swap3A_309 = vector.load %arg6[%swap3A_307, %swap3A_308] : memref<1x8xi32, #tpu.memory_space<vmem>>, vector<1x8xi32>
    tpu.vector_store %arg6[%swap3A_307, %swap3A_308], %convert_element_type3A_306 {strides = array<i32>} : memref<1x8xi32, #tpu.memory_space<vmem>>, vector<1x8xi32>,
    return
  }
}

module attributes {stable_mosaic.version = 14 : i64} {
  func.func @_gmm_kernel(%arg0: i32, %arg1: memref<2048xi32, #tpu.memory_space<smem>>, %arg2: memref<2048xi32, #tpu.memory_space<smem>>, %arg3: memref<2048xi32, #tpu.memory_space<smem>>, %arg4: memref<2048xi32, #tpu.memory_space<smem>>, %arg5: memref<2048xi32, #tpu.memory_space<smem>>, %arg6: memref<256x1024xf32, #tpu.memory_space<vmem>>, %arg7: memref<256x128xf32, #tpu.memory_space<vmem>>, %arg8: memref<1x512x1024xf32, #tpu.memory_space<vmem>>, %arg9: memref<1x512x1024xf32, #tpu.memory_space<vmem>>, %arg10: memref<1x1024x512xf32, #tpu.memory_space<vmem>>, %arg11: memref<256x1024xf32, #tpu.memory_space<vmem>>) attributes {dimension_semantics = [#tpu.dimension_semantics<arbitrary>], iteration_bounds = array<i64: 2048>, scalar_prefetch = 5 : i64, scratch_operands = 0 : i64, tpu.core_type = #tpu.core_type<tc>, window_params = [{transform_indices = @transform_0, window_bounds = array<i64: 256, 1024>}, {transform_indices = @transform_1, window_bounds = array<i64: 256, 128>}, {transform_indices = @transform_2, window_bounds = array<i64: 1, 512, 1024>}, {transform_indices = @transform_3, window_bounds = array<i64: 1, 512, 1024>}, {transform_indices = @transform_4, window_bounds = array<i64: 1, 1024, 512>}, {transform_indices = @transform_5, window_bounds = array<i64: 256, 1024>}]} {
    %get3A = arith.constant 0 : index
    %get3A_0 = arith.constant 0 : index
    %get3A_1 = vector.load %arg6[%get3A, %get3A_0] : memref<256x1024xf32, #tpu.memory_space<vmem>>, vector<256x1024xf32>
    %convert_element_type3A = arith.truncf %get3A_1 : vector<256x1024xf32> to vector<256x1024xbf16>
    %get3A_2 = arith.constant 0 : index
    %get3A_3 = arith.constant 0 : index
    %get3A_4 = arith.constant 0 : index
    %get3A_5 = vector.load %arg8[%get3A_2, %get3A_3, %get3A_4] : memref<1x512x1024xf32, #tpu.memory_space<vmem>>, vector<1x512x1024xf32>
    %get3A_6 = vector.shape_cast %get3A_5 : vector<1x512x1024xf32> to vector<512x1024xf32>
    %convert_element_type3A_7 = arith.truncf %get3A_6 : vector<512x1024xf32> to vector<512x1024xbf16>
    %get3A_8 = arith.constant 0 : index
    %get3A_9 = arith.constant 0 : index
    %get3A_10 = arith.constant 0 : index
    %get3A_11 = vector.load %arg9[%get3A_8, %get3A_9, %get3A_10] : memref<1x512x1024xf32, #tpu.memory_space<vmem>>, vector<1x512x1024xf32>
    %get3A_12 = vector.shape_cast %get3A_11 : vector<1x512x1024xf32> to vector<512x1024xf32>
    %convert_element_type3A_13 = arith.truncf %get3A_12 : vector<512x1024xf32> to vector<512x1024xbf16>
    %get3A_14 = arith.constant 0 : index
    %get3A_15 = arith.constant 0 : index
    %get3A_16 = arith.constant 0 : index
    %get3A_17 = vector.load %arg10[%get3A_14, %get3A_15, %get3A_16] : memref<1x1024x512xf32, #tpu.memory_space<vmem>>, vector<1x1024x512xf32>
    %get3A_18 = vector.shape_cast %get3A_17 : vector<1x1024x512xf32> to vector<1024x512xf32>
    %convert_element_type3A_19 = arith.truncf %get3A_18 : vector<1024x512xf32> to vector<1024x512xbf16>
    %dot_general3A = arith.constant dense<0.000000e+00> : vector<256x512xf32>
    %dot_general3A_20 = tpu.matmul %convert_element_type3A, %convert_element_type3A_7, %dot_general3A {dimension_numbers = #tpu.dot_dimension_numbers<[1], [1], [0], [0], [0, 0, 1, 0], [], []>, transpose_lhs_hint = false} : vector<256x1024xbf16>, vector<512x1024xbf16>, vector<256x512xf32> -> vector<256x512xf32>
    %dot_general3A_21 = arith.constant dense<0.000000e+00> : vector<256x512xf32>
    %dot_general3A_22 = tpu.matmul %convert_element_type3A, %convert_element_type3A_13, %dot_general3A_21 {dimension_numbers = #tpu.dot_dimension_numbers<[1], [1], [0], [0], [0, 0, 1, 0], [], []>, transpose_lhs_hint = false} : vector<256x1024xbf16>, vector<512x1024xbf16>, vector<256x512xf32> -> vector<256x512xf32>
    %get3A_23 = arith.constant 0 : index
    %get3A_24 = arith.constant 0 : index
    %get3A_25 = vector.load %arg7[%get3A_23, %get3A_24] : memref<256x128xf32, #tpu.memory_space<vmem>>, vector<256x128xf32>
    %reduce_max3A = arith.constant dense<0xFF800000> : vector<256xf32>
    %reduce_max3A_26 = vector.multi_reduction <maximumf>, %get3A_25, %reduce_max3A [1] : vector<256x128xf32> to vector<256xf32>
    %broadcast_in_dim3A = vector.shape_cast %reduce_max3A_26 : vector<256xf32> to vector<256x1xf32>
    %iota3A = tpu.iota {dimensions = array<i32: 0>} : vector<256x512xi32>
    %get3A_27 = arith.index_cast %arg0 : i32 to index
    %get3A_28 = memref.load %arg3[%get3A_27] : memref<2048xi32, #tpu.memory_space<smem>>
    %ge3A = vector.broadcast %get3A_28 : i32 to vector<256x512xi32>
    %ge3A_29 = arith.cmpi sge, %iota3A, %ge3A : vector<256x512xi32>
    %get3A_30 = arith.index_cast %arg0 : i32 to index
    %get3A_31 = memref.load %arg4[%get3A_30] : memref<2048xi32, #tpu.memory_space<smem>>
    %lt3A = vector.broadcast %get3A_31 : i32 to vector<256x512xi32>
    %lt3A_32 = arith.cmpi slt, %iota3A, %lt3A : vector<256x512xi32>
    %and3A = arith.andi %ge3A_29, %lt3A_32 : vector<256x512xi1>
    %logistic3A = arith.negf %dot_general3A_20 : vector<256x512xf32>
    %logistic3A_33 = math.exp %logistic3A : vector<256x512xf32>
    %logistic3A_34 = arith.constant 1.000000e+00 : f32
    %logistic3A_35 = vector.broadcast %logistic3A_34 : f32 to vector<256x512xf32>
    %logistic3A_36 = arith.addf %logistic3A_35, %logistic3A_33 : vector<256x512xf32>
    %logistic3A_37 = arith.divf %logistic3A_35, %logistic3A_36 : vector<256x512xf32>
    %mul3A = arith.mulf %dot_general3A_20, %logistic3A_37 : vector<256x512xf32>
    %mul3A_38 = arith.mulf %mul3A, %dot_general3A_22 : vector<256x512xf32>
    %mul3A_39 = vector.broadcast %broadcast_in_dim3A : vector<256x1xf32> to vector<256x512xf32>
    %mul3A_40 = arith.mulf %mul3A_38, %mul3A_39 : vector<256x512xf32>
    %jit3A = arith.constant 0.000000e+00 : f32
    %broadcast_in_dim3A_41 = vector.broadcast %jit3A : f32 to vector<256x512xf32>
    %select_n3A = arith.select %and3A, %mul3A_40, %broadcast_in_dim3A_41 : vector<256x512xi1>, vector<256x512xf32>
    %convert_element_type3A_42 = arith.truncf %select_n3A : vector<256x512xf32> to vector<256x512xbf16>
    %dot_general3A_43 = arith.constant dense<0.000000e+00> : vector<256x1024xf32>
    %dot_general3A_44 = tpu.matmul %convert_element_type3A_42, %convert_element_type3A_19, %dot_general3A_43 {dimension_numbers = #tpu.dot_dimension_numbers<[1], [1], [0], [0], [0, 0, 1, 0], [], []>, transpose_lhs_hint = false} : vector<256x512xbf16>, vector<1024x512xbf16>, vector<256x1024xf32> -> vector<256x1024xf32>
    %get3A_45 = arith.index_cast %arg0 : i32 to index
    %get3A_46 = memref.load %arg5[%get3A_45] : memref<2048xi32, #tpu.memory_space<smem>>
    %ne3A = arith.constant 0 : i32
    %ne3A_47 = arith.cmpi ne, %get3A_46, %ne3A : i32
    %convert_element_type3A_48 = arith.extui %ne3A_47 : i1 to i32
    %cond3A = arith.constant 0 : i32
    %cond3A_49 = arith.cmpi ne, %convert_element_type3A_48, %cond3A : i32
    scf.if %cond3A_49 {
      %swap3A = arith.constant 0 : index
      %swap3A_56 = arith.constant 0 : index
      %swap3A_57 = vector.load %arg11[%swap3A, %swap3A_56] : memref<256x1024xf32, #tpu.memory_space<vmem>>, vector<256x1024xf32>
      tpu.vector_store %arg11[%swap3A, %swap3A_56], %dot_general3A_44 {strides = array<i32>} : memref<256x1024xf32, #tpu.memory_space<vmem>>, vector<256x1024xf32>,
    } else {
    }
    %get3A_50 = arith.index_cast %arg0 : i32 to index
    %get3A_51 = memref.load %arg5[%get3A_50] : memref<2048xi32, #tpu.memory_space<smem>>
    %eq3A = arith.constant 0 : i32
    %eq3A_52 = arith.cmpi eq, %get3A_51, %eq3A : i32
    %convert_element_type3A_53 = arith.extui %eq3A_52 : i1 to i32
    %cond3A_54 = arith.constant 0 : i32
    %cond3A_55 = arith.cmpi ne, %convert_element_type3A_53, %cond3A_54 : i32
    scf.if %cond3A_55 {
      %get3A_56 = arith.constant 0 : index
      %get3A_57 = arith.constant 0 : index
      %get3A_58 = vector.load %arg11[%get3A_56, %get3A_57] : memref<256x1024xf32, #tpu.memory_space<vmem>>, vector<256x1024xf32>
      %add3A = arith.addf %get3A_58, %dot_general3A_44 : vector<256x1024xf32>
      %swap3A = arith.constant 0 : index
      %swap3A_59 = arith.constant 0 : index
      %swap3A_60 = vector.load %arg11[%swap3A, %swap3A_59] : memref<256x1024xf32, #tpu.memory_space<vmem>>, vector<256x1024xf32>
      tpu.vector_store %arg11[%swap3A, %swap3A_59], %add3A {strides = array<i32>} : memref<256x1024xf32, #tpu.memory_space<vmem>>, vector<256x1024xf32>,
    } else {
    }
    return
  }
  func.func @transform_0(%arg0: i32, %arg1: memref<2048xi32, #tpu.memory_space<smem>>, %arg2: memref<2048xi32, #tpu.memory_space<smem>>, %arg3: memref<2048xi32, #tpu.memory_space<smem>>, %arg4: memref<2048xi32, #tpu.memory_space<smem>>, %arg5: memref<2048xi32, #tpu.memory_space<smem>>) -> (i32, i32) {
    %get3A = arith.index_cast %arg0 : i32 to index
    %get3A_0 = memref.load %arg1[%get3A] : memref<2048xi32, #tpu.memory_space<smem>>
    %c0_i32 = arith.constant 0 : i32
    %c0_i32_1 = arith.constant 0 : i32
    return %get3A_0, %c0_i32 : i32, i32
  }
  func.func @transform_1(%arg0: i32, %arg1: memref<2048xi32, #tpu.memory_space<smem>>, %arg2: memref<2048xi32, #tpu.memory_space<smem>>, %arg3: memref<2048xi32, #tpu.memory_space<smem>>, %arg4: memref<2048xi32, #tpu.memory_space<smem>>, %arg5: memref<2048xi32, #tpu.memory_space<smem>>) -> (i32, i32) {
    %get3A = arith.index_cast %arg0 : i32 to index
    %get3A_0 = memref.load %arg1[%get3A] : memref<2048xi32, #tpu.memory_space<smem>>
    %c0_i32 = arith.constant 0 : i32
    %c0_i32_1 = arith.constant 0 : i32
    return %get3A_0, %c0_i32 : i32, i32
  }
  func.func @transform_2(%arg0: i32, %arg1: memref<2048xi32, #tpu.memory_space<smem>>, %arg2: memref<2048xi32, #tpu.memory_space<smem>>, %arg3: memref<2048xi32, #tpu.memory_space<smem>>, %arg4: memref<2048xi32, #tpu.memory_space<smem>>, %arg5: memref<2048xi32, #tpu.memory_space<smem>>) -> (i32, i32, i32) {
    %get3A = arith.index_cast %arg0 : i32 to index
    %get3A_0 = memref.load %arg2[%get3A] : memref<2048xi32, #tpu.memory_space<smem>>
    %c0_i32 = arith.constant 0 : i32
    %c0_i32_1 = arith.constant 0 : i32
    %c0_i32_2 = arith.constant 0 : i32
    return %get3A_0, %c0_i32, %c0_i32_1 : i32, i32, i32
  }
  func.func @transform_3(%arg0: i32, %arg1: memref<2048xi32, #tpu.memory_space<smem>>, %arg2: memref<2048xi32, #tpu.memory_space<smem>>, %arg3: memref<2048xi32, #tpu.memory_space<smem>>, %arg4: memref<2048xi32, #tpu.memory_space<smem>>, %arg5: memref<2048xi32, #tpu.memory_space<smem>>) -> (i32, i32, i32) {
    %get3A = arith.index_cast %arg0 : i32 to index
    %get3A_0 = memref.load %arg2[%get3A] : memref<2048xi32, #tpu.memory_space<smem>>
    %c0_i32 = arith.constant 0 : i32
    %c0_i32_1 = arith.constant 0 : i32
    %c0_i32_2 = arith.constant 0 : i32
    return %get3A_0, %c0_i32, %c0_i32_1 : i32, i32, i32
  }
  func.func @transform_4(%arg0: i32, %arg1: memref<2048xi32, #tpu.memory_space<smem>>, %arg2: memref<2048xi32, #tpu.memory_space<smem>>, %arg3: memref<2048xi32, #tpu.memory_space<smem>>, %arg4: memref<2048xi32, #tpu.memory_space<smem>>, %arg5: memref<2048xi32, #tpu.memory_space<smem>>) -> (i32, i32, i32) {
    %get3A = arith.index_cast %arg0 : i32 to index
    %get3A_0 = memref.load %arg2[%get3A] : memref<2048xi32, #tpu.memory_space<smem>>
    %c0_i32 = arith.constant 0 : i32
    %c0_i32_1 = arith.constant 0 : i32
    %c0_i32_2 = arith.constant 0 : i32
    return %get3A_0, %c0_i32, %c0_i32_1 : i32, i32, i32
  }
  func.func @transform_5(%arg0: i32, %arg1: memref<2048xi32, #tpu.memory_space<smem>>, %arg2: memref<2048xi32, #tpu.memory_space<smem>>, %arg3: memref<2048xi32, #tpu.memory_space<smem>>, %arg4: memref<2048xi32, #tpu.memory_space<smem>>, %arg5: memref<2048xi32, #tpu.memory_space<smem>>) -> (i32, i32) {
    %get3A = arith.index_cast %arg0 : i32 to index
    %get3A_0 = memref.load %arg1[%get3A] : memref<2048xi32, #tpu.memory_space<smem>>
    %c0_i32 = arith.constant 0 : i32
    %c0_i32_1 = arith.constant 0 : i32
    return %get3A_0, %c0_i32 : i32, i32
  }
}

module attributes {stable_mosaic.version = 14 : i64} {
  func.func @_shared_kernel(%arg0: i32, %arg1: memref<2048x1024xbf16, #tpu.memory_space<vmem>>, %arg2: memref<2048x1024xf32, #tpu.memory_space<vmem>>, %arg3: memref<2048x1024xf32, #tpu.memory_space<vmem>>, %arg4: memref<512x1024xf32, #tpu.memory_space<vmem>>, %arg5: memref<512x1024xf32, #tpu.memory_space<vmem>>, %arg6: memref<1024x512xf32, #tpu.memory_space<vmem>>, %arg7: memref<2048x1024xf32, #tpu.memory_space<vmem>>) attributes {dimension_semantics = [#tpu.dimension_semantics<arbitrary>], iteration_bounds = array<i64: 4>, scalar_prefetch = 0 : i64, scratch_operands = 0 : i64, tpu.core_type = #tpu.core_type<tc>, window_params = [{pipeline_mode = #tpu.pipeline_mode<synchronous>, transform_indices = @transform_0, window_bounds = array<i64: 2048, 1024>}, {pipeline_mode = #tpu.pipeline_mode<synchronous>, transform_indices = @transform_1, window_bounds = array<i64: 2048, 1024>}, {pipeline_mode = #tpu.pipeline_mode<synchronous>, transform_indices = @transform_2, window_bounds = array<i64: 2048, 1024>}, {transform_indices = @transform_3, window_bounds = array<i64: 512, 1024>}, {transform_indices = @transform_4, window_bounds = array<i64: 512, 1024>}, {transform_indices = @transform_5, window_bounds = array<i64: 1024, 512>}, {pipeline_mode = #tpu.pipeline_mode<synchronous>, transform_indices = @transform_6, window_bounds = array<i64: 2048, 1024>}]} {
    %get3A = arith.constant 0 : index
    %get3A_0 = arith.constant 0 : index
    %get3A_1 = vector.load %arg1[%get3A, %get3A_0] : memref<2048x1024xbf16, #tpu.memory_space<vmem>>, vector<2048x1024xbf16>
    %get3A_2 = arith.constant 0 : index
    %get3A_3 = arith.constant 0 : index
    %get3A_4 = vector.load %arg4[%get3A_2, %get3A_3] : memref<512x1024xf32, #tpu.memory_space<vmem>>, vector<512x1024xf32>
    %convert_element_type3A = arith.truncf %get3A_4 : vector<512x1024xf32> to vector<512x1024xbf16>
    %get3A_5 = arith.constant 0 : index
    %get3A_6 = arith.constant 0 : index
    %get3A_7 = vector.load %arg5[%get3A_5, %get3A_6] : memref<512x1024xf32, #tpu.memory_space<vmem>>, vector<512x1024xf32>
    %convert_element_type3A_8 = arith.truncf %get3A_7 : vector<512x1024xf32> to vector<512x1024xbf16>
    %get3A_9 = arith.constant 0 : index
    %get3A_10 = arith.constant 0 : index
    %get3A_11 = vector.load %arg6[%get3A_9, %get3A_10] : memref<1024x512xf32, #tpu.memory_space<vmem>>, vector<1024x512xf32>
    %convert_element_type3A_12 = arith.truncf %get3A_11 : vector<1024x512xf32> to vector<1024x512xbf16>
    %dot_general3A = arith.constant dense<0.000000e+00> : vector<2048x512xf32>
    %dot_general3A_13 = tpu.matmul %get3A_1, %convert_element_type3A, %dot_general3A {dimension_numbers = #tpu.dot_dimension_numbers<[1], [1], [0], [0], [0, 0, 1, 0], [], []>, transpose_lhs_hint = false} : vector<2048x1024xbf16>, vector<512x1024xbf16>, vector<2048x512xf32> -> vector<2048x512xf32>
    %dot_general3A_14 = arith.constant dense<0.000000e+00> : vector<2048x512xf32>
    %dot_general3A_15 = tpu.matmul %get3A_1, %convert_element_type3A_8, %dot_general3A_14 {dimension_numbers = #tpu.dot_dimension_numbers<[1], [1], [0], [0], [0, 0, 1, 0], [], []>, transpose_lhs_hint = false} : vector<2048x1024xbf16>, vector<512x1024xbf16>, vector<2048x512xf32> -> vector<2048x512xf32>
    %logistic3A = arith.negf %dot_general3A_13 : vector<2048x512xf32>
    %logistic3A_16 = math.exp %logistic3A : vector<2048x512xf32>
    %logistic3A_17 = arith.constant 1.000000e+00 : f32
    %logistic3A_18 = vector.broadcast %logistic3A_17 : f32 to vector<2048x512xf32>
    %logistic3A_19 = arith.addf %logistic3A_18, %logistic3A_16 : vector<2048x512xf32>
    %logistic3A_20 = arith.divf %logistic3A_18, %logistic3A_19 : vector<2048x512xf32>
    %mul3A = arith.mulf %dot_general3A_13, %logistic3A_20 : vector<2048x512xf32>
    %mul3A_21 = arith.mulf %mul3A, %dot_general3A_15 : vector<2048x512xf32>
    %convert_element_type3A_22 = arith.truncf %mul3A_21 : vector<2048x512xf32> to vector<2048x512xbf16>
    %dot_general3A_23 = arith.constant dense<0.000000e+00> : vector<2048x1024xf32>
    %dot_general3A_24 = tpu.matmul %convert_element_type3A_22, %convert_element_type3A_12, %dot_general3A_23 {dimension_numbers = #tpu.dot_dimension_numbers<[1], [1], [0], [0], [0, 0, 1, 0], [], []>, transpose_lhs_hint = false} : vector<2048x512xbf16>, vector<1024x512xbf16>, vector<2048x1024xf32> -> vector<2048x1024xf32>
    %eq3A = arith.constant 0 : i32
    %eq3A_25 = arith.cmpi eq, %arg0, %eq3A : i32
    %convert_element_type3A_26 = arith.extui %eq3A_25 : i1 to i32
    %cond3A = arith.constant 0 : i32
    %cond3A_27 = arith.cmpi ne, %convert_element_type3A_26, %cond3A : i32
    scf.if %cond3A_27 {
      %get3A_32 = arith.constant 0 : index
      %get3A_33 = arith.constant 0 : index
      %get3A_34 = vector.load %arg2[%get3A_32, %get3A_33] : memref<2048x1024xf32, #tpu.memory_space<vmem>>, vector<2048x1024xf32>
      %add3A = arith.addf %dot_general3A_24, %get3A_34 : vector<2048x1024xf32>
      %get3A_35 = arith.constant 0 : index
      %get3A_36 = arith.constant 0 : index
      %get3A_37 = vector.load %arg3[%get3A_35, %get3A_36] : memref<2048x1024xf32, #tpu.memory_space<vmem>>, vector<2048x1024xf32>
      %add3A_38 = arith.addf %add3A, %get3A_37 : vector<2048x1024xf32>
      %swap3A = arith.constant 0 : index
      %swap3A_39 = arith.constant 0 : index
      %swap3A_40 = vector.load %arg7[%swap3A, %swap3A_39] : memref<2048x1024xf32, #tpu.memory_space<vmem>>, vector<2048x1024xf32>
      tpu.vector_store %arg7[%swap3A, %swap3A_39], %add3A_38 {strides = array<i32>} : memref<2048x1024xf32, #tpu.memory_space<vmem>>, vector<2048x1024xf32>,
    } else {
    }
    %gt3A = arith.constant 0 : i32
    %gt3A_28 = arith.cmpi sgt, %arg0, %gt3A : i32
    %convert_element_type3A_29 = arith.extui %gt3A_28 : i1 to i32
    %cond3A_30 = arith.constant 0 : i32
    %cond3A_31 = arith.cmpi ne, %convert_element_type3A_29, %cond3A_30 : i32
    scf.if %cond3A_31 {
      %get3A_32 = arith.constant 0 : index
      %get3A_33 = arith.constant 0 : index
      %get3A_34 = vector.load %arg7[%get3A_32, %get3A_33] : memref<2048x1024xf32, #tpu.memory_space<vmem>>, vector<2048x1024xf32>
      %add3A = arith.addf %get3A_34, %dot_general3A_24 : vector<2048x1024xf32>
      %swap3A = arith.constant 0 : index
      %swap3A_35 = arith.constant 0 : index
      %swap3A_36 = vector.load %arg7[%swap3A, %swap3A_35] : memref<2048x1024xf32, #tpu.memory_space<vmem>>, vector<2048x1024xf32>
      tpu.vector_store %arg7[%swap3A, %swap3A_35], %add3A {strides = array<i32>} : memref<2048x1024xf32, #tpu.memory_space<vmem>>, vector<2048x1024xf32>,
    } else {
    }
    return
  }
  func.func @transform_0(%arg0: i32) -> (i32, i32) {
    %c0_i32 = arith.constant 0 : i32
    %c0_i32_0 = arith.constant 0 : i32
    %c0_i32_1 = arith.constant 0 : i32
    return %c0_i32, %c0_i32_0 : i32, i32
  }
  func.func @transform_1(%arg0: i32) -> (i32, i32) {
    %c0_i32 = arith.constant 0 : i32
    %c0_i32_0 = arith.constant 0 : i32
    %c0_i32_1 = arith.constant 0 : i32
    return %c0_i32, %c0_i32_0 : i32, i32
  }
  func.func @transform_2(%arg0: i32) -> (i32, i32) {
    %c0_i32 = arith.constant 0 : i32
    %c0_i32_0 = arith.constant 0 : i32
    %c0_i32_1 = arith.constant 0 : i32
    return %c0_i32, %c0_i32_0 : i32, i32
  }
  func.func @transform_3(%arg0: i32) -> (i32, i32) {
    %c0_i32 = arith.constant 0 : i32
    %c0_i32_0 = arith.constant 0 : i32
    return %arg0, %c0_i32 : i32, i32
  }
  func.func @transform_4(%arg0: i32) -> (i32, i32) {
    %c0_i32 = arith.constant 0 : i32
    %c0_i32_0 = arith.constant 0 : i32
    return %arg0, %c0_i32 : i32, i32
  }
  func.func @transform_5(%arg0: i32) -> (i32, i32) {
    %c0_i32 = arith.constant 0 : i32
    %c0_i32_0 = arith.constant 0 : i32
    return %c0_i32, %arg0 : i32, i32
  }
  func.func @transform_6(%arg0: i32) -> (i32, i32) {
    %c0_i32 = arith.constant 0 : i32
    %c0_i32_0 = arith.constant 0 : i32
    %c0_i32_1 = arith.constant 0 : i32
    return %c0_i32, %c0_i32_0 : i32, i32
  }
}

</mosaic_0001>

<sc_bundles>
// kernel: kernel.10.cloned.1.call-start
scs
__scs_entry_jumppad:
0x0: {  	(pc) =	sbr.rel $0x88, $3  }
0x1: {  	(tag) =	ssettag $0x0;
	lr =	simm.s32 $0x1  }
0x2: {  	[smem:$0x3F98] =	sst lr;
	_ =	strace $0xD0000000  }
0x3: {  	_ = 	snop  }
0x4: {  	_ = 	snop  }
0x5: {  	_ = 	snop  }
0x6: {  	_ = 	snop  }
0x7: {  	_ = 	snop  }
__scs_overlays_trampoline_lowered:
0x8: {  	[smem:$0x3FA7] =	sst s0  }
0x9: {  	[smem:$0x3FA8] =	sst s1  }
0xa: {  	[smem:$0x3FA9] =	sst s2  }
0xb: {  	[smem:$0x3FAA] =	sst s3  }
0xc: {  	[smem:$0x3FAB] =	sst s4  }
0xd: {  	[smem:$0x3FAC] =	sst s5  }
0xe: {  	[smem:$0x3FAD] =	sst s6  }
0xf: {  	[smem:$0x3FAE] =	sst s7  }
0x10: {  	[smem:$0x3FAF] =	sst s8  }
0x11: {  	[smem:$0x3FB0] =	sst s9;
	s0 =	simm.s32 @!p0 $0x0  }
0x12: {  	s1 =	sld [smem:$0x3F96];
	s0 =	simm.s32 @p0 $0x1  }
0x13: {  	[smem:$0x3FB1] =	sst s0;
	s0 =	simm.s32 @!p1 $0x0  }
0x14: {  	s2 =	sld [smem:$0x3F95];
	s0 =	simm.s32 @p1 $0x1  }
0x15: {  	[smem:$0x3FB2] =	sst s0;
	s0 =	simm.s32 @!p2 $0x0  }
0x16: {  	s3 =	sld [smem:$0x3FDB];
	s0 =	simm.s32 @p2 $0x1  }
0x17: {  	s4 =	simm.s32 $0x1BF5;
	[smem:$0x3FB4] =	sst s0  }
0x18: {  	s0 =	sld [smem:$0x3F97];
	_ =	swait.ge [sflag:s4], $0x0  }
0x19: {  	s7 =	sld [smem:$0x3F98]  }
0x1a: {  	s8 =	sadd.s32 $0xFFFFE003, lr  }
0x1b: {  	s9 =	sadd.s32 $0xFFFFFEF7, lr;
	s5 =	simm.s32 $0xFFFFFFFF;
	p2 =	slt.u32 s8, $0xFFFFF086  }
0x1c: {  	p1 =	slt.u32 s9, $0xF7A;
	s5 =	simm.s32 @!p2 $0x0  }
0x1d: {  	s5 =	simm.s32 @p1 $0x1;
	p0 =	seq.s32 s7, s2  }
0x1e: {  	s7 =	smul.u32 @!p0 $0xF7A, s2;
	p2 =	seq.s32 @!p0 s5, $0x0  }
0x1f: {  	s9 =	smul.u32 $0xF7A, s1;
	s8 =	simm.s32 @!p0 $0x1BF5;
	p2 =	por !p2, p0  }
0x20: {  	[sflag:s8] =	ssyncset.s32 @!p0 $0xFFFFF086;
	s6 =	sadd.s32 @!p0 s3, s7;
	s7 =	simm.s32 @!p0 $0x108  }
0x21: {  	s3 =	sadd.s32 s3, s9;
	s6 =	sadd.s32 @!p0 $0x88, s6;
	s7 =	simm.s32 @p2 $0x1082  }
0x22: {  	[simem:s7], [sflag:s8] =	dma.local @!p0 [hbm:s6], $0xF7A  }
0x23: {  	s9 =	sor.u32 $0xD0000000, s2;
	s6 =	simm.s32 $0x108;
	_ =	swait.ge @!p0 [sflag:s8], $0x0  }
0x24: {  	s3 =	sadd.s32 $0x88, s3;
	s6 =	simm.s32 @!p1 $0x1082;
	[sflag:s4] =	ssyncset.s32 $0xFFFFF086  }
0x25: {  	[simem:s6], [sflag:s4] =	dma.local [hbm:s3], $0xF7A  }
0x26: {  	[smem:$0x3F98] =	sst s1;
	(tag) =	ssettag s2;
	_ =	strace s9  }
0x27: {  	s1 =	sld [smem:$0x3FA8]  }
0x28: {  	s2 =	sld [smem:$0x3FA9]  }
0x29: {  	s4 =	sld [smem:$0x3FAB]  }
0x2a: {  	p0 =	seq.s32 s5, $0x0;
	s5 =	sld [smem:$0x3FAC]  }
0x2b: {  	s6 =	sld [smem:$0x3FAD]  }
0x2c: {  	s7 =	sld [smem:$0x3FAE]  }
0x2d: {  	s3 =	simm.s32 $0x108;
	s8 =	sld [smem:$0x3FAF]  }
0x2e: {  	s3 =	simm.s32 @!p0 $0x1082;
	s9 =	sld [smem:$0x3FB0]  }
0x2f: {  	lr =	sadd.s32 s0, s3;
	s0 =	sld [smem:$0x3FA7]  }
0x30: {  	s3 =	sld [smem:$0x3FAA]  }
0x31: {  	[smem:$0x3FB3] =	sst s10  }
0x32: {  	s10 =	sld [smem:$0x3FB1];
	_ =	sdelay $0x3  }
0x33: {  	p0 =	seq.s32 s10, $0x1;
	s10 =	sld [smem:$0x3FB3];
	_ =	sdelay $0x3  }
0x34: {  	[smem:$0x3FB3] =	sst s10  }
0x35: {  	s10 =	sld [smem:$0x3FB2];
	_ =	sdelay $0x3  }
0x36: {  	p1 =	seq.s32 s10, $0x1;
	s10 =	sld [smem:$0x3FB3];
	_ =	sdelay $0x3  }
0x37: {  	[smem:$0x3FB3] =	sst s10  }
0x38: {  	s10 =	sld [smem:$0x3FB4]  }
0x39: {  	_ = 	snop;
	(pc) =	sbr.ind lr, $3  }
0x3a: {  	_ = 	snop  }
0x3b: {  	_ = 	snop  }
0x3c: {  	p2 =	seq.s32 s10, $0x1;
	s10 =	sld [smem:$0x3FB3]  }
0x3d: {  	_ =	shalt  }
0x3e: {  	_ =	shalt  }
0x3f: {  	_ =	shalt  }
0x40: {  	_ =	shalt  }
0x41: {  	_ =	shalt  }
0x42: {  	_ =	shalt  }
0x43: {  	_ =	shalt  }
0x44: {  	_ =	shalt  }
0x45: {  	_ =	shalt  }
0x46: {  	_ =	shalt  }
0x47: {  	_ =	shalt  }
0x48: {  	_ =	shalt  }
0x49: {  	_ =	shalt  }
0x4a: {  	_ =	shalt  }
0x4b: {  	_ =	shalt  }
0x4c: {  	_ =	shalt  }
0x4d: {  	_ =	shalt  }
0x4e: {  	_ =	shalt  }
0x4f: {  	_ =	shalt  }
0x50: {  	_ =	shalt  }
0x51: {  	_ =	shalt  }
0x52: {  	_ =	shalt  }
0x53: {  	_ =	shalt  }
0x54: {  	_ =	shalt  }
0x55: {  	_ =	shalt  }
0x56: {  	_ =	shalt  }
0x57: {  	_ =	shalt  }
0x58: {  	_ =	shalt  }
0x59: {  	_ =	shalt  }
0x5a: {  	_ =	shalt  }
0x5b: {  	_ =	shalt  }
0x5c: {  	_ =	shalt  }
0x5d: {  	_ =	shalt  }
0x5e: {  	_ =	shalt  }
0x5f: {  	_ =	shalt  }
0x60: {  	_ =	shalt  }
0x61: {  	_ =	shalt  }
0x62: {  	_ =	shalt  }
0x63: {  	_ =	shalt  }
0x64: {  	_ =	shalt  }
0x65: {  	_ =	shalt  }
0x66: {  	_ =	shalt  }
0x67: {  	_ =	shalt  }
0x68: {  	_ =	shalt  }
0x69: {  	_ =	shalt  }
0x6a: {  	_ =	shalt  }
0x6b: {  	_ =	shalt  }
0x6c: {  	_ =	shalt  }
0x6d: {  	_ =	shalt  }
0x6e: {  	_ =	shalt  }
0x6f: {  	_ =	shalt  }
0x70: {  	_ =	shalt  }
0x71: {  	_ =	shalt  }
0x72: {  	_ =	shalt  }
0x73: {  	_ =	shalt  }
0x74: {  	_ =	shalt  }
0x75: {  	_ =	shalt  }
0x76: {  	_ =	shalt  }
0x77: {  	_ =	shalt  }
0x78: {  	_ =	shalt  }
0x79: {  	_ =	shalt  }
0x7a: {  	_ =	shalt  }
0x7b: {  	_ =	shalt  }
0x7c: {  	_ =	shalt  }
0x7d: {  	_ =	shalt  }
0x7e: {  	_ =	shalt  }
0x7f: {  	_ =	shalt  }
0x80: {  	_ =	shalt  }
0x81: {  	_ =	shalt  }
0x82: {  	_ =	shalt  }
0x83: {  	_ =	shalt  }
0x84: {  	_ =	shalt  }
0x85: {  	_ =	shalt  }
0x86: {  	_ =	shalt  }
0x87: {  	_ =	shalt  }
.Lfunc_end0:
.L_simem_size_0:
called_computation.1_lowered:
.L_overlay_start_0:
0x88: {  	s2 =	sld [smem:$0x3FD9]  }
0x89: {  	s3 =	sld [smem:$0x3FFE];
	_ =	sdelay $0x1  }
0x8a: {  	s1 =	srdreg.scid  }
0x8b: {  	s0 =	sand.u32 $0x1, s1  }
0x8c: {  	s17 =	sshll.u32 s0, $0xA;
	s2 =	sadd.s32 s3, s2  }
0x8d: {  	s2 =	sadd.s32 s2, s17  }
0x8e: {  	[smem:$0x3FBF] =	sst s2  }
0x8f: {  	_ = 	snop  }
0x90: {  	s2 =	sld [smem:$0x3FD0];
	(tm) =	ssettm $0x1  }
0x91: {  	s18 =	sld [smem:$0x3FFB];
	_ =	sdelay $0x3  }
0x92: {  	_ =	strace s18  }
0x93: {  	s3 =	sld [smem:$0x3FFC];
	_ =	sdelay $0x3  }
0x94: {  	_ =	strace s3  }
0x95: {  	s3 =	sld [smem:$0x3FFD];
	_ =	sdelay $0x3  }
0x96: {  	_ =	strace s3  }
0x97: {  	_ =	strace $0x8FFFFFFF  }
0x98: {  	s19 =	sld [smem:$0x3FDB];
	_ =	sdelay $0x1  }
0x99: {  	s4 =	simm.s32 $_scs_section_size  }
0x9a: {  	s5 =	simm.s32 $_size__tile_overlayer_lowered;
	s6 =	simm.s32 $_tile_overlayer_lowered  }
0x9b: {  	s22 =	simm.s32 $0x1BFF;
	s21 =	sshll.u32 s6, $0x1;
	s3 =	sadd.s32 s4, s19  }
0x9c: {  	s7 =	simm.s32 $0x0;
	s20 =	sshll.u32 s5, $0x1;
	s5 =	sadd.s32 s21, s3  }
0x9d: {  	[timem:s7], [sflag:s22] =	dma.local [hbm:s5], s20  }
0x9e: {  	_ =	swait.ge [sflag:s22], s20  }
0x9f: {  	s4 =	ssub.s32 $0x0, s20;
	[sflag:s22] =	ssyncset.done $0x0  }
0xa0: {  	[sflag:s22] =	ssyncadd.s32 s4;
	_ =	sdelay $0x1  }
0xa1: {  	s23 =	simm.s32 $0x1B8B  }
0xa2: {  	_ =	swait.ge [sflag:s23], $0x1  }
0xa3: {  	[sflag:s23] =	ssyncset.done $0x0  }
0xa4: {  	s25 =	simm.s32 $0x1B8E;
	s24 =	sld [smem:$0x3FFE];
	[sflag:s23] =	ssyncadd.s32 $0xFFFFFFFF  }
0xa5: {  	s26 =	simm.s32 $execute0_lowered;
	[smem:$0x3FD2] =	sst s25  }
0xa6: {  	s5 =	sshll.u32 s26, $0x1;
	_ =	strace $0x80000049;
	[dreg:$0x1] =	wrdreg $0xFFFFFFFF  }
0xa7: {  	s28 =	simm.s32 $_size_execute0_lowered;
	s3 =	sadd.s32 s3, s5;
	[dreg:$0x0] =	wrdreg $0x0  }
0xa8: {  	s5 =	sshll.u32 s28, $0x1;
	[dreg:$0x2] =	wrdreg s3  }
0xa9: {  	[dreg:$0x3] =	wrdreg s5  }
0xaa: {  	[dreg:$0x4] =	wrdreg $0xC0  }
0xab: {  	_ =	task [dreg:s7], $0x5FFFF  }
0xac: {  	[dreg:$0x1] =	wrdreg $0xFFFFFFFF  }
0xad: {  	[dreg:$0x0] =	wrdreg $0x60  }
0xae: {  	[dreg:$0x2] =	wrdreg s24  }
0xaf: {  	[dreg:$0x3] =	wrdreg s2  }
0xb0: {  	[dreg:$0x4] =	wrdreg $0x9  }
0xb1: {  	_ =	task.clear_ibuf [dreg:s7], $0x5FFFF;
	_ =	strace $0x90000049  }
0xb2: {  	s29 =	simm.s32 $0x9;
	_ =	strace $0x8000004B  }
0xb3: {  	_ =	swait.ge [sflag:s29], $0x1  }
0xb4: {  	[sflag:s29] =	ssyncadd.s32 $0xFFFFFFFF  }
0xb5: {  	_ =	strace $0x9000004B  }
0xb6: {  	_ =	sfence  }
0xb7: {  	s30 =	sld [smem:$0x0];
	_ =	sdelay $0x2  }
0xb8: {  	s31 =	sshll.u32 s1, $0xD;
	s1 =	sshrl.u32 s1, $0x2  }
0xb9: {  	s3 =	sand.u32 $0x4000, s31;
	s1 =	sadd.s32 s1, s30  }
0xba: {  	s0 =	sor.u32 s3, s0;
	s1 =	sshll.u32 s1, $0x11  }
0xbb: {  	s0 =	sor.u32 s1, s0  }
0xbc: {  	s0 =	sadd.s32 $0x8F2B, s0  }
0xbd: {  	[sflag:s0] =	ssyncadd.remote.s32 $0x1  }
0xbe: {  	_ =	sfence.sel $0xFFFF  }
0xbf: {  	[dreg:$0x0] =	wrdreg $0xFFFFFFFF;
	(pc) =	sbr.abs _section_cstart, $3  }
0xc0: {  	[dreg:$0x1] =	wrdreg $0xFFFFFFFF  }
0xc1: {  	_ =	task.clear_ibuf [dreg:s7], $0x2FFFF;
	_ =	strace $0x9FFFFFFF  }
0xc2: {  	(tm) =	ssettm $0x7FFFFFFF  }
0xc3: {  	_ =	shalt  }
tec
execute0_lowered:
.L_overlay_start_1:
0x0: {  	(tag) =	ssettag $0x1  }
0x1: {  	s0 =	rddreg [dreg:$0x0]  }
0x2: {  	s1 =	rddreg [dreg:$0x1];
	s2 =	srdreg.scid  }
0x3: {  	s3 =	stileid.u32;
	s28 =	simm.s32 $0x1200;
	s30 =	simm.s32 $0x1A00  }
0x4: {  	s31 =	simm.s32 $0x2200;
	s29 =	simm.s32 $0x8200;
	s4 =	sand.u32 $0x1, s2  }
0x5: {  	s2 =	simm.s32 $0x0;
	s3 =	sshll.u32 s3, $0x7;
	s6 =	sadd.s32 $0x10000, s0  }
0x6: {  	s7 =	sadd.s32 $0x10200, s0;
	s10 =	sadd.s32 $0x90400, s0;
	s5 =	sshll.u32 s4, $0x6  }
0x7: {  	[smem:$0x7FF] =	sst s2;
	s4 =	ssub.s32 $0x2, s4;
	s5 =	sor.u32 s5, s3  }
0x8: {  	_ =	strace $0x8000004A;
	s22 =	sshrl.u32 s4, $0x1;
	s3 =	sshrl.u32 s5, $0x3  }
0x9: {  	s9 =	sor.u32 $0x10, s5;
	s13 =	sshll.u32 s5, $0x7;
	s25 =	ssub.s32 s4, s22  }
0xa: {  	s4 =	sadd.s32 $0x10500, s0;
	s22 =	simm.s32 $0x1;
	s8 =	sadd.s32 s6, s3  }
0xb: {  	s3 =	sadd.s32 s7, s3;
	s26 =	sshrl.u32 s9, $0x3;
	[dreg:$0x3] =	wrdreg s8  }
0xc: {  	s14 =	sadd.s32 s1, s13;
	s9 =	sshll.u32 s9, $0x7;
	[dreg:$0x4] =	wrdreg s3  }
0xd: {  	s11 =	sadd.s32 s6, s26;
	s12 =	sadd.s32 s7, s26;
	[dreg:$0x7] =	wrdreg s14  }
0xe: {  	s8 =	sadd.s32 s10, s13;
	s3 =	sadd.s32 $0x10400, s0;
	[dreg:$0x5] =	wrdreg s11  }
0xf: {  	s17 =	sadd.s32 s1, s9;
	s18 =	sadd.s32 s10, s9;
	[dreg:$0x6] =	wrdreg s12  }
0x10: {  	s9 =	simm.s32 $0x3A00;
	s14 =	simm.s32 $0x9A00;
	[dreg:$0x8] =	wrdreg s8  }
0x11: {  	s13 =	simm.s32 $0x4200;
	s11 =	sor.u32 $0x20, s5;
	[dreg:$0xb] =	wrdreg s17  }
0x12: {  	s5 =	sor.u32 $0x30, s5;
	[dreg:$0xc] =	wrdreg s18;
	s8 =	simm.s32 $0x3  }
0x13: {  	s18 =	simm.s32 $0x200;
	s17 =	simm.s32 $0xB200;
	s12 =	sshrl.u32 s11, $0x3  }
0x14: {  	s19 =	sshrl.u32 s5, $0x3;
	s21 =	sshll.u32 s11, $0x7;
	s5 =	sshll.u32 s5, $0x7  }
0x15: {  	s11 =	simm.s32 $0x8A00;
	s15 =	sadd.s32 s6, s12;
	s16 =	sadd.s32 s7, s12  }
0x16: {  	s6 =	sadd.s32 s6, s19;
	s20 =	sadd.s32 s7, s19;
	[dreg:$0x9] =	wrdreg s15  }
0x17: {  	s23 =	sadd.s32 s1, s21;
	s24 =	sadd.s32 s10, s21;
	[dreg:$0xa] =	wrdreg s16  }
0x18: {  	s1 =	sadd.s32 s1, s5;
	s26 =	sadd.s32 s10, s5;
	[dreg:$0xd] =	wrdreg s6  }
0x19: {  	s5 =	sadd.s32 $0x10600, s0;
	s7 =	smax.u32 s25, $0x1;
	[dreg:$0xe] =	wrdreg s20  }
0x1a: {  	s25 =	simm.s32 $0x100;
	s10 =	simm.s32 $0x2A00;
	[dreg:$0xf] =	wrdreg s23  }
0x1b: {  	s12 =	simm.s32 $0x9200;
	s19 =	simm.s32 $0xBA00;
	[dreg:$0x10] =	wrdreg s24  }
0x1c: {  	v2 =	vlaneseq.u32;
	s21 =	simm.s32 $0x180;
	[dreg:$0x11] =	wrdreg s1;
	s6 =	sadd.s32 $0x10700, s0  }
0x1d: {  	vm0 =	vmmov $0xffff;
	v1 =	vshrl.u32 v2, $0x3;
	[dreg:$0x12] =	wrdreg s26;
	s23 =	simm.s32 $0x2;
	s26 =	simm.s32 $0xA00  }
0x1e: {  	v0 =	vand.u32 $0x7, v2;
	v2 =	vor.u32 $0x8, v2;
	v1 =	vmul.u32 $0x8, v1;
	s15 =	simm.s32 $0xA200;
	s16 =	simm.s32 $0xAA00;
	s20 =	simm.s32 $0x80  }
.LBB2_1:
0x1f: {  	s24 =	rddreg [dreg:$0x3]  }
0x20: {  	[tilespmem:s2], [sflag:$0x3] =	stream.linear.gather [hbm4b:s24+s2], $0x10, $0x38;
	[tilespmem:$0x10200] =	vst v63  }
0x21: {  	_ =	swait.ge [sflag:s8], $0x10  }
0x22: {  	[sflag:s8] =	ssyncset.done $0x0  }
0x23: {  	s1 =	rddreg [dreg:$0x4];
	[sflag:s8] =	ssyncadd.s32 $0xFFFFFFF0  }
0x24: {  	[tilespmem:s25], [sflag:$0x3] =	stream.linear.gather [hbm4b:s1+s2], $0x10, $0x38;
	[tilespmem:$0x10200] =	vst v63  }
0x25: {  	_ =	swait.ge [sflag:s8], $0x10  }
0x26: {  	[sflag:s8] =	ssyncset.done $0x0  }
0x27: {  	[sflag:s8] =	ssyncadd.s32 $0xFFFFFFF0  }
0x28: {  	v3 =	vld [tilespmem:$0x0];
	_ =	sdelay $0x4  }
0x29: {  	v4 =	vshll.u32 v3, $0x3  }
0x2a: {  	v3 =	vand.u32 $0x7, v3;
	v4 =	vand.u32 $0xFFFFFFC0, v4  }
0x2b: {  	v3 =	vor.u32 v3, v4  }
0x2c: {  	v4 =	vperm.xlane v3, v0;
	_ =	sdelay $0x1  }
0x2d: {  	v4 =	vadd.s32 v1, v4;
	_ =	sdelay $0x4  }
0x2e: {  	[tilespmem:s18], [sflag:$0x1] =	stream.indirect_vreg.gather [hbm4b:s3+s2], $0x80, v4, vm0, $0xb8;
	[tilespmem:$0x10200] =	vst v63  }
0x2f: {  	v3 =	vperm.xlane v3, v2  }
0x30: {  	[tilespmem:s26], [sflag:$0x1] =	stream.indirect_vreg.gather [hbm4b:s4+s2], $0x80, v4, vm0, $0xb8;
	[tilespmem:$0x10200] =	vst v63  }
0x31: {  	v3 =	vadd.s32 v1, v3  }
0x32: {  	[tilespmem:s28], [sflag:$0x1] =	stream.indirect_vreg.gather [hbm4b:s5+s2], $0x80, v4, vm0, $0xb8;
	[tilespmem:$0x10200] =	vst v63  }
0x33: {  	_ = 	snop  }
0x34: {  	[tilespmem:s30], [sflag:$0x1] =	stream.indirect_vreg.gather [hbm4b:s6+s2], $0x80, v4, vm0, $0xb8;
	[tilespmem:$0x10200] =	vst v63  }
0x35: {  	_ = 	snop  }
0x36: {  	[tilespmem:s31], [sflag:$0x1] =	stream.indirect_vreg.gather [hbm4b:s3+s2], $0x80, v3, vm0, $0xb8;
	[tilespmem:$0x10200] =	vst v63  }
0x37: {  	_ = 	snop  }
0x38: {  	[tilespmem:s10], [sflag:$0x1] =	stream.indirect_vreg.gather [hbm4b:s4+s2], $0x80, v3, vm0, $0xb8;
	[tilespmem:$0x10200] =	vst v63  }
0x39: {  	s1 =	simm.s32 $0x3200  }
0x3a: {  	[tilespmem:s1], [sflag:$0x1] =	stream.indirect_vreg.gather [hbm4b:s5+s2], $0x80, v3, vm0, $0xb8;
	[tilespmem:$0x10200] =	vst v63  }
0x3b: {  	_ = 	snop  }
0x3c: {  	[tilespmem:s9], [sflag:$0x1] =	stream.indirect_vreg.gather [hbm4b:s6+s2], $0x80, v3, vm0, $0xb8;
	[tilespmem:$0x10200] =	vst v63  }
0x3d: {  	v3 =	vld [tilespmem:$0x100];
	_ =	sdelay $0x4  }
0x3e: {  	v57 =	vshll.u32 v3, $0x3  }
0x3f: {  	v3 =	vand.u32 $0x7, v3;
	v4 =	vand.u32 $0xFFFFFFC0, v57  }
0x40: {  	v3 =	vor.u32 v3, v4  }
0x41: {  	v4 =	vperm.xlane v3, v0;
	_ =	sdelay $0x1  }
0x42: {  	v4 =	vadd.s32 v1, v4;
	_ =	sdelay $0x4  }
0x43: {  	[tilespmem:s29], [sflag:$0x1] =	stream.indirect_vreg.gather [hbm4b:s3+s2], $0x80, v4, vm0, $0xb8;
	[tilespmem:$0x10200] =	vst v63  }
0x44: {  	v3 =	vperm.xlane v3, v2  }
0x45: {  	[tilespmem:s11], [sflag:$0x1] =	stream.indirect_vreg.gather [hbm4b:s4+s2], $0x80, v4, vm0, $0xb8;
	[tilespmem:$0x10200] =	vst v63  }
0x46: {  	v3 =	vadd.s32 v1, v3  }
0x47: {  	[tilespmem:s12], [sflag:$0x1] =	stream.indirect_vreg.gather [hbm4b:s5+s2], $0x80, v4, vm0, $0xb8;
	[tilespmem:$0x10200] =	vst v63  }
0x48: {  	_ = 	snop  }
0x49: {  	[tilespmem:s14], [sflag:$0x1] =	stream.indirect_vreg.gather [hbm4b:s6+s2], $0x80, v4, vm0, $0xb8;
	[tilespmem:$0x10200] =	vst v63  }
0x4a: {  	_ = 	snop  }
0x4b: {  	[tilespmem:s15], [sflag:$0x1] =	stream.indirect_vreg.gather [hbm4b:s3+s2], $0x80, v3, vm0, $0xb8;
	[tilespmem:$0x10200] =	vst v63  }
0x4c: {  	_ = 	snop  }
0x4d: {  	[tilespmem:s16], [sflag:$0x1] =	stream.indirect_vreg.gather [hbm4b:s4+s2], $0x80, v3, vm0, $0xb8;
	[tilespmem:$0x10200] =	vst v63  }
0x4e: {  	_ = 	snop  }
0x4f: {  	[tilespmem:s17], [sflag:$0x1] =	stream.indirect_vreg.gather [hbm4b:s5+s2], $0x80, v3, vm0, $0xb8;
	[tilespmem:$0x10200] =	vst v63  }
0x50: {  	_ = 	snop  }
0x51: {  	[tilespmem:s19], [sflag:$0x1] =	stream.indirect_vreg.gather [hbm4b:s6+s2], $0x80, v3, vm0, $0xb8;
	[tilespmem:$0x10200] =	vst v63  }
0x52: {  	s0 =	rddreg [dreg:$0x5]  }
0x53: {  	[tilespmem:s20], [sflag:$0x3] =	stream.linear.gather [hbm4b:s0+s2], $0x10, $0x38;
	[tilespmem:$0x10200] =	vst v63  }
0x54: {  	_ =	swait.ge [sflag:s8], $0x10  }
0x55: {  	[sflag:s8] =	ssyncset.done $0x0  }
0x56: {  	s0 =	rddreg [dreg:$0x6];
	[sflag:s8] =	ssyncadd.s32 $0xFFFFFFF0  }
0x57: {  	[tilespmem:s21], [sflag:$0x3] =	stream.linear.gather [hbm4b:s0+s2], $0x10, $0x38;
	[tilespmem:$0x10200] =	vst v63  }
0x58: {  	_ =	swait.ge [sflag:s8], $0x10  }
0x59: {  	[sflag:s8] =	ssyncset.done $0x0  }
0x5a: {  	[sflag:s8] =	ssyncadd.s32 $0xFFFFFFF0  }
0x5b: {  	v3 =	vld [tilespmem:$0x80];
	_ =	sdelay $0x4  }
0x5c: {  	v58 =	vshll.u32 v3, $0x3  }
0x5d: {  	v3 =	vand.u32 $0x7, v3;
	v4 =	vand.u32 $0xFFFFFFC0, v58  }
0x5e: {  	v3 =	vor.u32 v3, v4  }
0x5f: {  	v4 =	vperm.xlane v3, v0;
	_ =	sdelay $0x1  }
0x60: {  	v4 =	vadd.s32 v1, v4;
	_ =	sdelay $0x4  }
0x61: {  	[tilespmem:s13], [sflag:$0x2] =	stream.indirect_vreg.gather [hbm4b:s3+s2], $0x80, v4, vm0, $0xb8;
	[tilespmem:$0x10200] =	vst v63  }
0x62: {  	s0 =	simm.s32 $0x4A00;
	v3 =	vperm.xlane v3, v2  }
0x63: {  	[tilespmem:s0], [sflag:$0x2] =	stream.indirect_vreg.gather [hbm4b:s4+s2], $0x80, v4, vm0, $0xb8;
	[tilespmem:$0x10200] =	vst v63  }
0x64: {  	s24 =	simm.s32 $0x5200;
	v3 =	vadd.s32 v1, v3  }
0x65: {  	[tilespmem:s24], [sflag:$0x2] =	stream.indirect_vreg.gather [hbm4b:s5+s2], $0x80, v4, vm0, $0xb8;
	[tilespmem:$0x10200] =	vst v63  }
0x66: {  	s24 =	simm.s32 $0x5A00  }
0x67: {  	[tilespmem:s24], [sflag:$0x2] =	stream.indirect_vreg.gather [hbm4b:s6+s2], $0x80, v4, vm0, $0xb8;
	[tilespmem:$0x10200] =	vst v63  }
0x68: {  	s24 =	simm.s32 $0x6200  }
0x69: {  	[tilespmem:s24], [sflag:$0x2] =	stream.indirect_vreg.gather [hbm4b:s3+s2], $0x80, v3, vm0, $0xb8;
	[tilespmem:$0x10200] =	vst v63  }
0x6a: {  	s24 =	simm.s32 $0x6A00  }
0x6b: {  	[tilespmem:s24], [sflag:$0x2] =	stream.indirect_vreg.gather [hbm4b:s4+s2], $0x80, v3, vm0, $0xb8;
	[tilespmem:$0x10200] =	vst v63  }
0x6c: {  	s24 =	simm.s32 $0x7200  }
0x6d: {  	[tilespmem:s24], [sflag:$0x2] =	stream.indirect_vreg.gather [hbm4b:s5+s2], $0x80, v3, vm0, $0xb8;
	[tilespmem:$0x10200] =	vst v63  }
0x6e: {  	s24 =	simm.s32 $0x7A00  }
0x6f: {  	[tilespmem:s24], [sflag:$0x2] =	stream.indirect_vreg.gather [hbm4b:s6+s2], $0x80, v3, vm0, $0xb8;
	[tilespmem:$0x10200] =	vst v63  }
0x70: {  	v3 =	vld [tilespmem:$0x180];
	_ =	sdelay $0x4  }
0x71: {  	v59 =	vshll.u32 v3, $0x3  }
0x72: {  	v3 =	vand.u32 $0x7, v3;
	v4 =	vand.u32 $0xFFFFFFC0, v59  }
0x73: {  	v3 =	vor.u32 v3, v4  }
0x74: {  	v4 =	vperm.xlane v3, v0;
	_ =	sdelay $0x1  }
0x75: {  	v4 =	vadd.s32 v1, v4;
	_ =	sdelay $0x3  }
0x76: {  	s0 =	simm.s32 $0xC200  }
0x77: {  	[tilespmem:s0], [sflag:$0x2] =	stream.indirect_vreg.gather [hbm4b:s3+s2], $0x80, v4, vm0, $0xb8;
	[tilespmem:$0x10200] =	vst v63  }
0x78: {  	s24 =	simm.s32 $0xCA00;
	v3 =	vperm.xlane v3, v2  }
0x79: {  	[tilespmem:s24], [sflag:$0x2] =	stream.indirect_vreg.gather [hbm4b:s4+s2], $0x80, v4, vm0, $0xb8;
	[tilespmem:$0x10200] =	vst v63  }
0x7a: {  	v3 =	vadd.s32 v1, v3;
	s24 =	simm.s32 $0xD200  }
0x7b: {  	[tilespmem:s24], [sflag:$0x2] =	stream.indirect_vreg.gather [hbm4b:s5+s2], $0x80, v4, vm0, $0xb8;
	[tilespmem:$0x10200] =	vst v63  }
0x7c: {  	s24 =	simm.s32 $0xDA00  }
0x7d: {  	[tilespmem:s24], [sflag:$0x2] =	stream.indirect_vreg.gather [hbm4b:s6+s2], $0x80, v4, vm0, $0xb8;
	[tilespmem:$0x10200] =	vst v63  }
0x7e: {  	s24 =	simm.s32 $0xE200  }
0x7f: {  	[tilespmem:s24], [sflag:$0x2] =	stream.indirect_vreg.gather [hbm4b:s3+s2], $0x80, v3, vm0, $0xb8;
	[tilespmem:$0x10200] =	vst v63  }
0x80: {  	s24 =	simm.s32 $0xEA00  }
0x81: {  	[tilespmem:s24], [sflag:$0x2] =	stream.indirect_vreg.gather [hbm4b:s4+s2], $0x80, v3, vm0, $0xb8;
	[tilespmem:$0x10200] =	vst v63  }
0x82: {  	s24 =	simm.s32 $0xF200  }
0x83: {  	[tilespmem:s24], [sflag:$0x2] =	stream.indirect_vreg.gather [hbm4b:s5+s2], $0x80, v3, vm0, $0xb8;
	[tilespmem:$0x10200] =	vst v63  }
0x84: {  	s24 =	simm.s32 $0xFA00  }
0x85: {  	[tilespmem:s24], [sflag:$0x2] =	stream.indirect_vreg.gather [hbm4b:s6+s2], $0x80, v3, vm0, $0xb8;
	[tilespmem:$0x10200] =	vst v63  }
0x86: {  	_ =	swait.ge [sflag:s22], $0x4000  }
0x87: {  	[sflag:s22] =	ssyncset.done $0x0  }
0x88: {  	[sflag:s22] =	ssyncadd.s32 $0xFFFFC000  }
0x89: {  	_ =	swait.ge [sflag:s22], $0x4000  }
0x8a: {  	[sflag:s22] =	ssyncset.done $0x0  }
0x8b: {  	s24 =	rddreg [dreg:$0x7];
	[sflag:s22] =	ssyncadd.s32 $0xFFFFC000  }
0x8c: {  	[hbm4b:s24+s2] =	stream.linear.scatter [tilespmem:s18], [sflag:$0x3], $0x4000, $0x38;
	[tilespmem:$0x10200] =	vst v63  }
0x8d: {  	_ =	swait.ge [sflag:s8], $0x4000  }
0x8e: {  	[sflag:s8] =	ssyncset.done $0x0  }
0x8f: {  	s24 =	rddreg [dreg:$0x8];
	[sflag:s8] =	ssyncadd.s32 $0xFFFFC000  }
0x90: {  	[hbm4b:s24+s2] =	stream.linear.scatter [tilespmem:s29], [sflag:$0x3], $0x4000, $0x38;
	[tilespmem:$0x10200] =	vst v63  }
0x91: {  	_ =	swait.ge [sflag:s8], $0x4000  }
0x92: {  	[sflag:s8] =	ssyncset.done $0x0  }
0x93: {  	s24 =	rddreg [dreg:$0x9];
	[sflag:s8] =	ssyncadd.s32 $0xFFFFC000  }
0x94: {  	[tilespmem:s2], [sflag:$0x3] =	stream.linear.gather [hbm4b:s24+s2], $0x10, $0x38;
	[tilespmem:$0x10200] =	vst v63  }
0x95: {  	_ =	swait.ge [sflag:s8], $0x10  }
0x96: {  	[sflag:s8] =	ssyncset.done $0x0  }
0x97: {  	s24 =	rddreg [dreg:$0xa];
	[sflag:s8] =	ssyncadd.s32 $0xFFFFFFF0  }
0x98: {  	[tilespmem:s25], [sflag:$0x3] =	stream.linear.gather [hbm4b:s24+s2], $0x10, $0x38;
	[tilespmem:$0x10200] =	vst v63  }
0x99: {  	_ =	swait.ge [sflag:s8], $0x10  }
0x9a: {  	[sflag:s8] =	ssyncset.done $0x0  }
0x9b: {  	[sflag:s8] =	ssyncadd.s32 $0xFFFFFFF0  }
0x9c: {  	v3 =	vld [tilespmem:$0x0];
	_ =	sdelay $0x4  }
0x9d: {  	v60 =	vshll.u32 v3, $0x3  }
0x9e: {  	v3 =	vand.u32 $0x7, v3;
	v4 =	vand.u32 $0xFFFFFFC0, v60  }
0x9f: {  	v3 =	vor.u32 v3, v4  }
0xa0: {  	v4 =	vperm.xlane v3, v0;
	_ =	sdelay $0x1  }
0xa1: {  	v4 =	vadd.s32 v1, v4;
	_ =	sdelay $0x4  }
0xa2: {  	[tilespmem:s18], [sflag:$0x1] =	stream.indirect_vreg.gather [hbm4b:s3+s2], $0x80, v4, vm0, $0xb8;
	[tilespmem:$0x10200] =	vst v63  }
0xa3: {  	v3 =	vperm.xlane v3, v2  }
0xa4: {  	[tilespmem:s26], [sflag:$0x1] =	stream.indirect_vreg.gather [hbm4b:s4+s2], $0x80, v4, vm0, $0xb8;
	[tilespmem:$0x10200] =	vst v63  }
0xa5: {  	v3 =	vadd.s32 v1, v3  }
0xa6: {  	[tilespmem:s28], [sflag:$0x1] =	stream.indirect_vreg.gather [hbm4b:s5+s2], $0x80, v4, vm0, $0xb8;
	[tilespmem:$0x10200] =	vst v63  }
0xa7: {  	_ = 	snop  }
0xa8: {  	[tilespmem:s30], [sflag:$0x1] =	stream.indirect_vreg.gather [hbm4b:s6+s2], $0x80, v4, vm0, $0xb8;
	[tilespmem:$0x10200] =	vst v63  }
0xa9: {  	_ = 	snop  }
0xaa: {  	[tilespmem:s31], [sflag:$0x1] =	stream.indirect_vreg.gather [hbm4b:s3+s2], $0x80, v3, vm0, $0xb8;
	[tilespmem:$0x10200] =	vst v63  }
0xab: {  	_ = 	snop  }
0xac: {  	[tilespmem:s10], [sflag:$0x1] =	stream.indirect_vreg.gather [hbm4b:s4+s2], $0x80, v3, vm0, $0xb8;
	[tilespmem:$0x10200] =	vst v63  }
0xad: {  	_ = 	snop  }
0xae: {  	[tilespmem:s1], [sflag:$0x1] =	stream.indirect_vreg.gather [hbm4b:s5+s2], $0x80, v3, vm0, $0xb8;
	[tilespmem:$0x10200] =	vst v63  }
0xaf: {  	_ = 	snop  }
0xb0: {  	[tilespmem:s9], [sflag:$0x1] =	stream.indirect_vreg.gather [hbm4b:s6+s2], $0x80, v3, vm0, $0xb8;
	[tilespmem:$0x10200] =	vst v63  }
0xb1: {  	v3 =	vld [tilespmem:$0x100];
	_ =	sdelay $0x4  }
0xb2: {  	v61 =	vshll.u32 v3, $0x3  }
0xb3: {  	v3 =	vand.u32 $0x7, v3;
	v4 =	vand.u32 $0xFFFFFFC0, v61  }
0xb4: {  	v3 =	vor.u32 v3, v4  }
0xb5: {  	v4 =	vperm.xlane v3, v0;
	_ =	sdelay $0x1  }
0xb6: {  	v4 =	vadd.s32 v1, v4;
	_ =	sdelay $0x4  }
0xb7: {  	[tilespmem:s29], [sflag:$0x1] =	stream.indirect_vreg.gather [hbm4b:s3+s2], $0x80, v4, vm0, $0xb8;
	[tilespmem:$0x10200] =	vst v63  }
0xb8: {  	v3 =	vperm.xlane v3, v2  }
0xb9: {  	[tilespmem:s11], [sflag:$0x1] =	stream.indirect_vreg.gather [hbm4b:s4+s2], $0x80, v4, vm0, $0xb8;
	[tilespmem:$0x10200] =	vst v63  }
0xba: {  	v3 =	vadd.s32 v1, v3  }
0xbb: {  	[tilespmem:s12], [sflag:$0x1] =	stream.indirect_vreg.gather [hbm4b:s5+s2], $0x80, v4, vm0, $0xb8;
	[tilespmem:$0x10200] =	vst v63  }
0xbc: {  	_ = 	snop  }
0xbd: {  	[tilespmem:s14], [sflag:$0x1] =	stream.indirect_vreg.gather [hbm4b:s6+s2], $0x80, v4, vm0, $0xb8;
	[tilespmem:$0x10200] =	vst v63  }
0xbe: {  	_ = 	snop  }
0xbf: {  	[tilespmem:s15], [sflag:$0x1] =	stream.indirect_vreg.gather [hbm4b:s3+s2], $0x80, v3, vm0, $0xb8;
	[tilespmem:$0x10200] =	vst v63  }
0xc0: {  	_ = 	snop  }
0xc1: {  	[tilespmem:s16], [sflag:$0x1] =	stream.indirect_vreg.gather [hbm4b:s4+s2], $0x80, v3, vm0, $0xb8;
	[tilespmem:$0x10200] =	vst v63  }
0xc2: {  	_ = 	snop  }
0xc3: {  	[tilespmem:s17], [sflag:$0x1] =	stream.indirect_vreg.gather [hbm4b:s5+s2], $0x80, v3, vm0, $0xb8;
	[tilespmem:$0x10200] =	vst v63  }
0xc4: {  	_ = 	snop  }
0xc5: {  	[tilespmem:s19], [sflag:$0x1] =	stream.indirect_vreg.gather [hbm4b:s6+s2], $0x80, v3, vm0, $0xb8;
	[tilespmem:$0x10200] =	vst v63  }
0xc6: {  	_ =	swait.ge [sflag:s23], $0x4000  }
0xc7: {  	[sflag:s23] =	ssyncset.done $0x0  }
0xc8: {  	[sflag:s23] =	ssyncadd.s32 $0xFFFFC000  }
0xc9: {  	_ =	swait.ge [sflag:s23], $0x4000  }
0xca: {  	[sflag:s23] =	ssyncset.done $0x0  }
0xcb: {  	s1 =	rddreg [dreg:$0xb];
	[sflag:s23] =	ssyncadd.s32 $0xFFFFC000  }
0xcc: {  	[hbm4b:s1+s2] =	stream.linear.scatter [tilespmem:s13], [sflag:$0x3], $0x4000, $0x38;
	[tilespmem:$0x10200] =	vst v63  }
0xcd: {  	_ =	swait.ge [sflag:s8], $0x4000  }
0xce: {  	[sflag:s8] =	ssyncset.done $0x0  }
0xcf: {  	s1 =	rddreg [dreg:$0xc];
	[sflag:s8] =	ssyncadd.s32 $0xFFFFC000  }
0xd0: {  	[hbm4b:s1+s2] =	stream.linear.scatter [tilespmem:s0], [sflag:$0x3], $0x4000, $0x38;
	[tilespmem:$0x10200] =	vst v63  }
0xd1: {  	_ =	swait.ge [sflag:s8], $0x4000  }
0xd2: {  	[sflag:s8] =	ssyncset.done $0x0  }
0xd3: {  	s1 =	rddreg [dreg:$0xd];
	[sflag:s8] =	ssyncadd.s32 $0xFFFFC000  }
0xd4: {  	[tilespmem:s20], [sflag:$0x3] =	stream.linear.gather [hbm4b:s1+s2], $0x10, $0x38;
	[tilespmem:$0x10200] =	vst v63  }
0xd5: {  	_ =	swait.ge [sflag:s8], $0x10  }
0xd6: {  	[sflag:s8] =	ssyncset.done $0x0  }
0xd7: {  	s1 =	rddreg [dreg:$0xe];
	[sflag:s8] =	ssyncadd.s32 $0xFFFFFFF0  }
0xd8: {  	[tilespmem:s21], [sflag:$0x3] =	stream.linear.gather [hbm4b:s1+s2], $0x10, $0x38;
	[tilespmem:$0x10200] =	vst v63  }
0xd9: {  	_ =	swait.ge [sflag:s8], $0x10  }
0xda: {  	[sflag:s8] =	ssyncset.done $0x0  }
0xdb: {  	[sflag:s8] =	ssyncadd.s32 $0xFFFFFFF0  }
0xdc: {  	v3 =	vld [tilespmem:$0x80];
	_ =	sdelay $0x4  }
0xdd: {  	v62 =	vshll.u32 v3, $0x3  }
0xde: {  	v3 =	vand.u32 $0x7, v3;
	v4 =	vand.u32 $0xFFFFFFC0, v62  }
0xdf: {  	v3 =	vor.u32 v3, v4  }
0xe0: {  	v4 =	vperm.xlane v3, v0;
	_ =	sdelay $0x1  }
0xe1: {  	v4 =	vadd.s32 v1, v4;
	_ =	sdelay $0x4  }
0xe2: {  	[tilespmem:s13], [sflag:$0x2] =	stream.indirect_vreg.gather [hbm4b:s3+s2], $0x80, v4, vm0, $0xb8;
	[tilespmem:$0x10200] =	vst v63  }
0xe3: {  	s24 =	simm.s32 $0x4A00;
	v3 =	vperm.xlane v3, v2  }
0xe4: {  	[tilespmem:s24], [sflag:$0x2] =	stream.indirect_vreg.gather [hbm4b:s4+s2], $0x80, v4, vm0, $0xb8;
	[tilespmem:$0x10200] =	vst v63  }
0xe5: {  	v3 =	vadd.s32 v1, v3;
	s24 =	simm.s32 $0x5200  }
0xe6: {  	[tilespmem:s24], [sflag:$0x2] =	stream.indirect_vreg.gather [hbm4b:s5+s2], $0x80, v4, vm0, $0xb8;
	[tilespmem:$0x10200] =	vst v63  }
0xe7: {  	s24 =	simm.s32 $0x5A00  }
0xe8: {  	[tilespmem:s24], [sflag:$0x2] =	stream.indirect_vreg.gather [hbm4b:s6+s2], $0x80, v4, vm0, $0xb8;
	[tilespmem:$0x10200] =	vst v63  }
0xe9: {  	s24 =	simm.s32 $0x6200  }
0xea: {  	[tilespmem:s24], [sflag:$0x2] =	stream.indirect_vreg.gather [hbm4b:s3+s2], $0x80, v3, vm0, $0xb8;
	[tilespmem:$0x10200] =	vst v63  }
0xeb: {  	s24 =	simm.s32 $0x6A00  }
0xec: {  	[tilespmem:s24], [sflag:$0x2] =	stream.indirect_vreg.gather [hbm4b:s4+s2], $0x80, v3, vm0, $0xb8;
	[tilespmem:$0x10200] =	vst v63  }
0xed: {  	s24 =	simm.s32 $0x7200  }
0xee: {  	[tilespmem:s24], [sflag:$0x2] =	stream.indirect_vreg.gather [hbm4b:s5+s2], $0x80, v3, vm0, $0xb8;
	[tilespmem:$0x10200] =	vst v63  }
0xef: {  	s24 =	simm.s32 $0x7A00  }
0xf0: {  	[tilespmem:s24], [sflag:$0x2] =	stream.indirect_vreg.gather [hbm4b:s6+s2], $0x80, v3, vm0, $0xb8;
	[tilespmem:$0x10200] =	vst v63  }
0xf1: {  	v3 =	vld [tilespmem:$0x180];
	_ =	sdelay $0x4  }
0xf2: {  	v63 =	vshll.u32 v3, $0x3  }
0xf3: {  	v3 =	vand.u32 $0x7, v3;
	v4 =	vand.u32 $0xFFFFFFC0, v63  }
0xf4: {  	v3 =	vor.u32 v3, v4  }
0xf5: {  	v4 =	vperm.xlane v3, v0;
	_ =	sdelay $0x1  }
0xf6: {  	v4 =	vadd.s32 v1, v4;
	_ =	sdelay $0x4  }
0xf7: {  	[tilespmem:s0], [sflag:$0x2] =	stream.indirect_vreg.gather [hbm4b:s3+s2], $0x80, v4, vm0, $0xb8;
	[tilespmem:$0x10200] =	vst v63  }
0xf8: {  	s24 =	simm.s32 $0xCA00;
	v3 =	vperm.xlane v3, v2  }
0xf9: {  	[tilespmem:s24], [sflag:$0x2] =	stream.indirect_vreg.gather [hbm4b:s4+s2], $0x80, v4, vm0, $0xb8;
	[tilespmem:$0x10200] =	vst v63  }
0xfa: {  	v3 =	vadd.s32 v1, v3;
	s24 =	simm.s32 $0xD200  }
0xfb: {  	[tilespmem:s24], [sflag:$0x2] =	stream.indirect_vreg.gather [hbm4b:s5+s2], $0x80, v4, vm0, $0xb8;
	[tilespmem:$0x10200] =	vst v63  }
0xfc: {  	s24 =	simm.s32 $0xDA00  }
0xfd: {  	[tilespmem:s24], [sflag:$0x2] =	stream.indirect_vreg.gather [hbm4b:s6+s2], $0x80, v4, vm0, $0xb8;
	[tilespmem:$0x10200] =	vst v63  }
0xfe: {  	s24 =	simm.s32 $0xE200  }
0xff: {  	[tilespmem:s24], [sflag:$0x2] =	stream.indirect_vreg.gather [hbm4b:s3+s2], $0x80, v3, vm0, $0xb8;
	[tilespmem:$0x10200] =	vst v63  }
0x100: {  	s24 =	simm.s32 $0xEA00  }
0x101: {  	[tilespmem:s24], [sflag:$0x2] =	stream.indirect_vreg.gather [hbm4b:s4+s2], $0x80, v3, vm0, $0xb8;
	[tilespmem:$0x10200] =	vst v63  }
0x102: {  	s24 =	simm.s32 $0xF200  }
0x103: {  	[tilespmem:s24], [sflag:$0x2] =	stream.indirect_vreg.gather [hbm4b:s5+s2], $0x80, v3, vm0, $0xb8;
	[tilespmem:$0x10200] =	vst v63  }
0x104: {  	s24 =	simm.s32 $0xFA00  }
0x105: {  	[tilespmem:s24], [sflag:$0x2] =	stream.indirect_vreg.gather [hbm4b:s6+s2], $0x80, v3, vm0, $0xb8;
	[tilespmem:$0x10200] =	vst v63  }
0x106: {  	_ =	swait.ge [sflag:s22], $0x4000  }
0x107: {  	[sflag:s22] =	ssyncset.done $0x0  }
0x108: {  	[sflag:s22] =	ssyncadd.s32 $0xFFFFC000  }
0x109: {  	_ =	swait.ge [sflag:s22], $0x4000  }
0x10a: {  	[sflag:s22] =	ssyncset.done $0x0  }
0x10b: {  	s1 =	rddreg [dreg:$0xf];
	[sflag:s22] =	ssyncadd.s32 $0xFFFFC000  }
0x10c: {  	[hbm4b:s1+s2] =	stream.linear.scatter [tilespmem:s18], [sflag:$0x3], $0x4000, $0x38;
	[tilespmem:$0x10200] =	vst v63  }
0x10d: {  	_ =	swait.ge [sflag:s8], $0x4000  }
0x10e: {  	[sflag:s8] =	ssyncset.done $0x0  }
0x10f: {  	s1 =	rddreg [dreg:$0x10];
	[sflag:s8] =	ssyncadd.s32 $0xFFFFC000  }
0x110: {  	[hbm4b:s1+s2] =	stream.linear.scatter [tilespmem:s29], [sflag:$0x3], $0x4000, $0x38;
	[tilespmem:$0x10200] =	vst v63  }
0x111: {  	_ =	swait.ge [sflag:s8], $0x4000  }
0x112: {  	[sflag:s8] =	ssyncset.done $0x0  }
0x113: {  	[sflag:s8] =	ssyncadd.s32 $0xFFFFC000  }
0x114: {  	_ =	swait.ge [sflag:s23], $0x4000  }
0x115: {  	[sflag:s23] =	ssyncset.done $0x0  }
0x116: {  	[sflag:s23] =	ssyncadd.s32 $0xFFFFC000  }
0x117: {  	_ =	swait.ge [sflag:s23], $0x4000  }
0x118: {  	[sflag:s23] =	ssyncset.done $0x0  }
0x119: {  	s1 =	rddreg [dreg:$0x11];
	[sflag:s23] =	ssyncadd.s32 $0xFFFFC000  }
0x11a: {  	[hbm4b:s1+s2] =	stream.linear.scatter [tilespmem:s13], [sflag:$0x3], $0x4000, $0x38;
	[tilespmem:$0x10200] =	vst v63  }
0x11b: {  	_ =	swait.ge [sflag:s8], $0x4000  }
0x11c: {  	p0 =	sne.s32 s7, $0x1;
	[sflag:s8] =	ssyncset.done $0x0  }
.Ltmp0:
0x11d: {  	s1 =	rddreg [dreg:$0x12];
	[sflag:s8] =	ssyncadd.s32 $0xFFFFC000;
	(pc) =	sbr.rel @p0 .LBB2_1-.Ltmp0, $4  }
0x11e: {  	[hbm4b:s1+s2] =	stream.linear.scatter [tilespmem:s0], [sflag:$0x3], $0x4000, $0x38;
	[tilespmem:$0x10200] =	vst v63  }
0x11f: {  	_ =	swait.ge [sflag:s8], $0x4000  }
0x120: {  	[sflag:s8] =	ssyncset.done $0x0  }
0x121: {  	s7 =	sadd.s32 $0xFFFFFFFF, s7;
	[sflag:s8] =	ssyncadd.s32 $0xFFFFC000  }
0x122: {  	_ =	sfence.sel $0x180000  }
0x123: {  	[bflag:$0x0] =	sbarrier.arrive $0xFFFF  }
0x124: {  	_ =	strace $0x9000004A  }
0x125: {  	s0 =	stileid.u32;
	[bflag:$0x2] =	sbarrier.arrive $0xFFFF  }
0x126: {  	p0 =	sne.s32 s0, $0x0;
	s0 =	rddreg [dreg:$0x2]  }
0x127: {  	s0 =	sadd.s32 @!p0 $0x100000, s0  }
0x128: {  	[sflag:s0] =	ssyncadd.tile.s32 @!p0 $0x1;
	_ =	shalt  }
.Lfunc_end2:
_tile_overlayer_lowered:
.L_overlay_start_2:
0x129: {  	(tag) =	ssettag $0x2  }
0x12a: {  	s0 =	rddreg [dreg:$0x0];
	s2 =	stileid.u32  }
0x12b: {  	s1 =	rddreg [dreg:$0x1];
	p0 =	sne.s32 s2, $0x0  }
0x12c: {  	s3 =	rddreg [dreg:$0x2];
	[bflag:$0x3] =	sbarrier.arrive $0xFFFF;
	s2 =	simm.s32 @!p0 $0x1C03  }
0x12d: {  	[timem:s3], [sflag:s2] =	dma.local @!p0 [hbm:s0], s1  }
0x12e: {  	s0 =	simm.s32 @!p0 $0x3  }
0x12f: {  	_ =	swait.ge @!p0 [sflag:s0], s1  }
0x130: {  	s1 =	ssub.s32 @!p0 $0x0, s1;
	[sflag:s0] =	ssyncset.done @!p0 $0x0  }
0x131: {  	[sflag:s0] =	ssyncadd.s32 @!p0 s1  }
0x132: {  	[bflag:$0x3] =	sbarrier.arrive $0xFFFF  }
0x133: {  	_ =	shalt  }

// kernel: kernel.7.cloned.1.call-start
scs
__scs_entry_jumppad:
0x0: {  	(pc) =	sbr.rel $0x88, $3  }
0x1: {  	(tag) =	ssettag $0x0;
	lr =	simm.s32 $0x1  }
0x2: {  	[smem:$0x3F98] =	sst lr;
	_ =	strace $0xD0000000  }
0x3: {  	_ = 	snop  }
0x4: {  	_ = 	snop  }
0x5: {  	_ = 	snop  }
0x6: {  	_ = 	snop  }
0x7: {  	_ = 	snop  }
__scs_overlays_trampoline_lowered:
0x8: {  	[smem:$0x3FA7] =	sst s0  }
0x9: {  	[smem:$0x3FA8] =	sst s1  }
0xa: {  	[smem:$0x3FA9] =	sst s2  }
0xb: {  	[smem:$0x3FAA] =	sst s3  }
0xc: {  	[smem:$0x3FAB] =	sst s4  }
0xd: {  	[smem:$0x3FAC] =	sst s5  }
0xe: {  	[smem:$0x3FAD] =	sst s6  }
0xf: {  	[smem:$0x3FAE] =	sst s7  }
0x10: {  	[smem:$0x3FAF] =	sst s8  }
0x11: {  	[smem:$0x3FB0] =	sst s9;
	s0 =	simm.s32 @!p0 $0x0  }
0x12: {  	s1 =	sld [smem:$0x3F96];
	s0 =	simm.s32 @p0 $0x1  }
0x13: {  	[smem:$0x3FB1] =	sst s0;
	s0 =	simm.s32 @!p1 $0x0  }
0x14: {  	s2 =	sld [smem:$0x3F95];
	s0 =	simm.s32 @p1 $0x1  }
0x15: {  	[smem:$0x3FB2] =	sst s0;
	s0 =	simm.s32 @!p2 $0x0  }
0x16: {  	s3 =	sld [smem:$0x3FDB];
	s0 =	simm.s32 @p2 $0x1  }
0x17: {  	s4 =	simm.s32 $0x1BF5;
	[smem:$0x3FB4] =	sst s0  }
0x18: {  	s0 =	sld [smem:$0x3F97];
	_ =	swait.ge [sflag:s4], $0x0  }
0x19: {  	s7 =	sld [smem:$0x3F98]  }
0x1a: {  	s8 =	sadd.s32 $0xFFFFE003, lr  }
0x1b: {  	s9 =	sadd.s32 $0xFFFFFEF7, lr;
	s5 =	simm.s32 $0xFFFFFFFF;
	p2 =	slt.u32 s8, $0xFFFFF086  }
0x1c: {  	p1 =	slt.u32 s9, $0xF7A;
	s5 =	simm.s32 @!p2 $0x0  }
0x1d: {  	s5 =	simm.s32 @p1 $0x1;
	p0 =	seq.s32 s7, s2  }
0x1e: {  	s7 =	smul.u32 @!p0 $0xF7A, s2;
	p2 =	seq.s32 @!p0 s5, $0x0  }
0x1f: {  	s9 =	smul.u32 $0xF7A, s1;
	s8 =	simm.s32 @!p0 $0x1BF5;
	p2 =	por !p2, p0  }
0x20: {  	[sflag:s8] =	ssyncset.s32 @!p0 $0xFFFFF086;
	s6 =	sadd.s32 @!p0 s3, s7;
	s7 =	simm.s32 @!p0 $0x108  }
0x21: {  	s3 =	sadd.s32 s3, s9;
	s6 =	sadd.s32 @!p0 $0x88, s6;
	s7 =	simm.s32 @p2 $0x1082  }
0x22: {  	[simem:s7], [sflag:s8] =	dma.local @!p0 [hbm:s6], $0xF7A  }
0x23: {  	s9 =	sor.u32 $0xD0000000, s2;
	s6 =	simm.s32 $0x108;
	_ =	swait.ge @!p0 [sflag:s8], $0x0  }
0x24: {  	s3 =	sadd.s32 $0x88, s3;
	s6 =	simm.s32 @!p1 $0x1082;
	[sflag:s4] =	ssyncset.s32 $0xFFFFF086  }
0x25: {  	[simem:s6], [sflag:s4] =	dma.local [hbm:s3], $0xF7A  }
0x26: {  	[smem:$0x3F98] =	sst s1;
	(tag) =	ssettag s2;
	_ =	strace s9  }
0x27: {  	s1 =	sld [smem:$0x3FA8]  }
0x28: {  	s2 =	sld [smem:$0x3FA9]  }
0x29: {  	s4 =	sld [smem:$0x3FAB]  }
0x2a: {  	p0 =	seq.s32 s5, $0x0;
	s5 =	sld [smem:$0x3FAC]  }
0x2b: {  	s6 =	sld [smem:$0x3FAD]  }
0x2c: {  	s7 =	sld [smem:$0x3FAE]  }
0x2d: {  	s3 =	simm.s32 $0x108;
	s8 =	sld [smem:$0x3FAF]  }
0x2e: {  	s3 =	simm.s32 @!p0 $0x1082;
	s9 =	sld [smem:$0x3FB0]  }
0x2f: {  	lr =	sadd.s32 s0, s3;
	s0 =	sld [smem:$0x3FA7]  }
0x30: {  	s3 =	sld [smem:$0x3FAA]  }
0x31: {  	[smem:$0x3FB3] =	sst s10  }
0x32: {  	s10 =	sld [smem:$0x3FB1];
	_ =	sdelay $0x3  }
0x33: {  	p0 =	seq.s32 s10, $0x1;
	s10 =	sld [smem:$0x3FB3];
	_ =	sdelay $0x3  }
0x34: {  	[smem:$0x3FB3] =	sst s10  }
0x35: {  	s10 =	sld [smem:$0x3FB2];
	_ =	sdelay $0x3  }
0x36: {  	p1 =	seq.s32 s10, $0x1;
	s10 =	sld [smem:$0x3FB3];
	_ =	sdelay $0x3  }
0x37: {  	[smem:$0x3FB3] =	sst s10  }
0x38: {  	s10 =	sld [smem:$0x3FB4]  }
0x39: {  	_ = 	snop;
	(pc) =	sbr.ind lr, $3  }
0x3a: {  	_ = 	snop  }
0x3b: {  	_ = 	snop  }
0x3c: {  	p2 =	seq.s32 s10, $0x1;
	s10 =	sld [smem:$0x3FB3]  }
0x3d: {  	_ =	shalt  }
0x3e: {  	_ =	shalt  }
0x3f: {  	_ =	shalt  }
0x40: {  	_ =	shalt  }
0x41: {  	_ =	shalt  }
0x42: {  	_ =	shalt  }
0x43: {  	_ =	shalt  }
0x44: {  	_ =	shalt  }
0x45: {  	_ =	shalt  }
0x46: {  	_ =	shalt  }
0x47: {  	_ =	shalt  }
0x48: {  	_ =	shalt  }
0x49: {  	_ =	shalt  }
0x4a: {  	_ =	shalt  }
0x4b: {  	_ =	shalt  }
0x4c: {  	_ =	shalt  }
0x4d: {  	_ =	shalt  }
0x4e: {  	_ =	shalt  }
0x4f: {  	_ =	shalt  }
0x50: {  	_ =	shalt  }
0x51: {  	_ =	shalt  }
0x52: {  	_ =	shalt  }
0x53: {  	_ =	shalt  }
0x54: {  	_ =	shalt  }
0x55: {  	_ =	shalt  }
0x56: {  	_ =	shalt  }
0x57: {  	_ =	shalt  }
0x58: {  	_ =	shalt  }
0x59: {  	_ =	shalt  }
0x5a: {  	_ =	shalt  }
0x5b: {  	_ =	shalt  }
0x5c: {  	_ =	shalt  }
0x5d: {  	_ =	shalt  }
0x5e: {  	_ =	shalt  }
0x5f: {  	_ =	shalt  }
0x60: {  	_ =	shalt  }
0x61: {  	_ =	shalt  }
0x62: {  	_ =	shalt  }
0x63: {  	_ =	shalt  }
0x64: {  	_ =	shalt  }
0x65: {  	_ =	shalt  }
0x66: {  	_ =	shalt  }
0x67: {  	_ =	shalt  }
0x68: {  	_ =	shalt  }
0x69: {  	_ =	shalt  }
0x6a: {  	_ =	shalt  }
0x6b: {  	_ =	shalt  }
0x6c: {  	_ =	shalt  }
0x6d: {  	_ =	shalt  }
0x6e: {  	_ =	shalt  }
0x6f: {  	_ =	shalt  }
0x70: {  	_ =	shalt  }
0x71: {  	_ =	shalt  }
0x72: {  	_ =	shalt  }
0x73: {  	_ =	shalt  }
0x74: {  	_ =	shalt  }
0x75: {  	_ =	shalt  }
0x76: {  	_ =	shalt  }
0x77: {  	_ =	shalt  }
0x78: {  	_ =	shalt  }
0x79: {  	_ =	shalt  }
0x7a: {  	_ =	shalt  }
0x7b: {  	_ =	shalt  }
0x7c: {  	_ =	shalt  }
0x7d: {  	_ =	shalt  }
0x7e: {  	_ =	shalt  }
0x7f: {  	_ =	shalt  }
0x80: {  	_ =	shalt  }
0x81: {  	_ =	shalt  }
0x82: {  	_ =	shalt  }
0x83: {  	_ =	shalt  }
0x84: {  	_ =	shalt  }
0x85: {  	_ =	shalt  }
0x86: {  	_ =	shalt  }
0x87: {  	_ =	shalt  }
.Lfunc_end0:
.L_simem_size_0:
called_computation_lowered:
.L_overlay_start_0:
0x88: {  	s2 =	sld [smem:$0x3FD9]  }
0x89: {  	s3 =	sld [smem:$0x3FFE];
	_ =	sdelay $0x1  }
0x8a: {  	s1 =	srdreg.scid  }
0x8b: {  	s0 =	sand.u32 $0x1, s1  }
0x8c: {  	s17 =	sshll.u32 s0, $0xA;
	s2 =	sadd.s32 s3, s2  }
0x8d: {  	s2 =	sadd.s32 s2, s17  }
0x8e: {  	[smem:$0x3FBF] =	sst s2  }
0x8f: {  	_ = 	snop  }
0x90: {  	s2 =	sld [smem:$0x3FC9]  }
0x91: {  	s18 =	sld [smem:$0x3FD0];
	(tm) =	ssettm $0x1  }
0x92: {  	s4 =	sld [smem:$0x3FFB];
	_ =	sdelay $0x3  }
0x93: {  	_ =	strace s4  }
0x94: {  	s4 =	sld [smem:$0x3FFC];
	_ =	sdelay $0x3  }
0x95: {  	_ =	strace s4  }
0x96: {  	s4 =	sld [smem:$0x3FFD];
	_ =	sdelay $0x3  }
0x97: {  	_ =	strace s4  }
0x98: {  	_ =	strace $0x8FFFFFFF  }
0x99: {  	s19 =	sld [smem:$0x3FDB];
	_ =	sdelay $0x1  }
0x9a: {  	s5 =	simm.s32 $_scs_section_size  }
0x9b: {  	s6 =	simm.s32 $_size__tile_overlayer_lowered;
	s7 =	simm.s32 $_tile_overlayer_lowered  }
0x9c: {  	s22 =	simm.s32 $0x1BFF;
	s21 =	sshll.u32 s7, $0x1;
	s4 =	sadd.s32 s5, s19  }
0x9d: {  	s8 =	simm.s32 $0x0;
	s20 =	sshll.u32 s6, $0x1;
	s6 =	sadd.s32 s21, s4  }
0x9e: {  	[timem:s8], [sflag:s22] =	dma.local [hbm:s6], s20  }
0x9f: {  	_ =	swait.ge [sflag:s22], s20  }
0xa0: {  	s5 =	ssub.s32 $0x0, s20;
	[sflag:s22] =	ssyncset.done $0x0  }
0xa1: {  	[sflag:s22] =	ssyncadd.s32 s5;
	_ =	sdelay $0x1  }
0xa2: {  	s23 =	simm.s32 $0x1B8B  }
0xa3: {  	_ =	swait.ge [sflag:s23], $0x1  }
0xa4: {  	[sflag:s23] =	ssyncset.done $0x0  }
0xa5: {  	s25 =	simm.s32 $0x1B8E;
	s24 =	sld [smem:$0x3FFE];
	[sflag:s23] =	ssyncadd.s32 $0xFFFFFFFF  }
0xa6: {  	s26 =	simm.s32 $execute0_lowered;
	[smem:$0x3FD2] =	sst s25  }
0xa7: {  	s6 =	sshll.u32 s26, $0x1;
	_ =	strace $0x80000046;
	[dreg:$0x1] =	wrdreg $0xFFFFFFFF  }
0xa8: {  	s28 =	simm.s32 $_size_execute0_lowered;
	s4 =	sadd.s32 s4, s6;
	[dreg:$0x0] =	wrdreg $0x0  }
0xa9: {  	s6 =	sshll.u32 s28, $0x1;
	[dreg:$0x2] =	wrdreg s4  }
0xaa: {  	[dreg:$0x3] =	wrdreg s6  }
0xab: {  	[dreg:$0x4] =	wrdreg $0xC0  }
0xac: {  	_ =	task [dreg:s8], $0x5FFFF  }
0xad: {  	[dreg:$0x1] =	wrdreg $0xFFFFFFFF  }
0xae: {  	[dreg:$0x0] =	wrdreg $0x60  }
0xaf: {  	[dreg:$0x2] =	wrdreg s2  }
0xb0: {  	[dreg:$0x3] =	wrdreg s24  }
0xb1: {  	[dreg:$0x4] =	wrdreg s18  }
0xb2: {  	[dreg:$0x5] =	wrdreg $0x9  }
0xb3: {  	_ =	task.clear_ibuf [dreg:s8], $0x6FFFF;
	_ =	strace $0x90000046  }
0xb4: {  	s29 =	simm.s32 $0x9;
	_ =	strace $0x80000048  }
0xb5: {  	_ =	swait.ge [sflag:s29], $0x1  }
0xb6: {  	[sflag:s29] =	ssyncadd.s32 $0xFFFFFFFF  }
0xb7: {  	_ =	strace $0x90000048  }
0xb8: {  	_ =	sfence  }
0xb9: {  	s30 =	sld [smem:$0x0];
	_ =	sdelay $0x2  }
0xba: {  	s31 =	sshll.u32 s1, $0xD;
	s1 =	sshrl.u32 s1, $0x2  }
0xbb: {  	s3 =	sand.u32 $0x4000, s31;
	s1 =	sadd.s32 s1, s30  }
0xbc: {  	s0 =	sor.u32 s3, s0;
	s1 =	sshll.u32 s1, $0x11  }
0xbd: {  	s0 =	sor.u32 s1, s0  }
0xbe: {  	s0 =	sadd.s32 $0x8F2B, s0  }
0xbf: {  	[sflag:s0] =	ssyncadd.remote.s32 $0x1  }
0xc0: {  	_ =	sfence.sel $0xFFFF  }
0xc1: {  	[dreg:$0x0] =	wrdreg $0xFFFFFFFF;
	(pc) =	sbr.abs _section_cstart, $3  }
0xc2: {  	[dreg:$0x1] =	wrdreg $0xFFFFFFFF  }
0xc3: {  	_ =	task.clear_ibuf [dreg:s8], $0x2FFFF;
	_ =	strace $0x9FFFFFFF  }
0xc4: {  	(tm) =	ssettm $0x7FFFFFFF  }
0xc5: {  	_ =	shalt  }
tec
execute0_lowered:
.L_overlay_start_1:
0x0: {  	(tag) =	ssettag $0x1  }
0x1: {  	s0 =	srdreg.scid  }
0x2: {  	s1 =	rddreg [dreg:$0x0];
	s3 =	stileid.u32  }
0x3: {  	s2 =	rddreg [dreg:$0x1];
	s10 =	simm.s32 $0x2;
	s30 =	simm.s32 $0x1100  }
0x4: {  	s31 =	simm.s32 $0x1900;
	s11 =	simm.s32 $0x4100;
	s13 =	simm.s32 $0x4900  }
0x5: {  	s14 =	simm.s32 $0x5100;
	s15 =	simm.s32 $0x5900;
	s16 =	simm.s32 $0x6100  }
0x6: {  	s17 =	simm.s32 $0x6900;
	s18 =	simm.s32 $0x7100;
	s19 =	simm.s32 $0x7900  }
0x7: {  	s20 =	simm.s32 $0x8100;
	s21 =	simm.s32 $0x8900;
	s22 =	simm.s32 $0x9100  }
0x8: {  	s12 =	simm.s32 $0xA100;
	s28 =	simm.s32 $0xA900;
	s29 =	simm.s32 $0xB100  }
0x9: {  	s0 =	sand.u32 $0x1, s0;
	s3 =	sshll.u32 s3, $0x7;
	s7 =	sadd.s32 $0x10600, s2  }
0xa: {  	s8 =	sadd.s32 $0x10700, s2;
	s4 =	sshll.u32 s0, $0x6;
	s0 =	ssub.s32 $0x2, s0  }
0xb: {  	s4 =	sor.u32 s4, s3;
	s3 =	simm.s32 $0x0;
	s25 =	sshrl.u32 s0, $0x1  }
0xc: {  	s5 =	sshrl.u32 s4, $0x3;
	[smem:$0x7FF] =	sst s3;
	s23 =	sshll.u32 s4, $0x7  }
0xd: {  	s4 =	sshll.u32 s4, $0x4;
	s0 =	ssub.s32 s0, s25;
	s5 =	sadd.s32 s5, s2  }
0xe: {  	_ =	strace $0x80000047;
	s1 =	sadd.s32 s1, s23;
	s24 =	sadd.s32 s2, s4  }
0xf: {  	s9 =	smax.u32 s0, $0x1;
	s4 =	simm.s32 $0x3900;
	[dreg:$0x6] =	wrdreg s1  }
0x10: {  	s23 =	simm.s32 $0x9900;
	s6 =	sadd.s32 $0x10000, s5;
	[dreg:$0x8] =	wrdreg s24  }
0x11: {  	v2 =	vlaneseq.u32;
	s5 =	sadd.s32 $0x10200, s5;
	s26 =	sadd.s32 $0x8000, s24;
	[dreg:$0x4] =	wrdreg s6  }
0x12: {  	vm0 =	vmmov $0xffff;
	v1 =	vshrl.u32 v2, $0x3;
	s24 =	simm.s32 $0x1;
	[dreg:$0x5] =	wrdreg s5;
	s5 =	sadd.s32 $0x10400, s2  }
0x13: {  	v0 =	vand.u32 $0x7, v2;
	v2 =	vor.u32 $0x8, v2;
	v1 =	vmul.u32 $0x8, v1;
	[dreg:$0x7] =	wrdreg s26;
	s6 =	sadd.s32 $0x10500, s2;
	s26 =	simm.s32 $0x2900  }
.LBB2_1:
0x14: {  	s25 =	rddreg [dreg:$0x4]  }
0x15: {  	[tilespmem:s3], [sflag:$0x2] =	stream.linear.gather [hbm4b:s25+s3], $0x40, $0x38;
	[tilespmem:$0x14100] =	vst v63  }
0x16: {  	_ =	swait.ge [sflag:s10], $0x40  }
0x17: {  	[sflag:s10] =	ssyncset.done $0x0  }
0x18: {  	s0 =	simm.s32 $0x80;
	s2 =	rddreg [dreg:$0x5];
	[sflag:s10] =	ssyncadd.s32 $0xFFFFFFC0  }
0x19: {  	[tilespmem:s0], [sflag:$0x2] =	stream.linear.gather [hbm4b:s2+s3], $0x40, $0x38;
	[tilespmem:$0x14100] =	vst v63  }
0x1a: {  	_ =	swait.ge [sflag:s10], $0x40  }
0x1b: {  	[sflag:s10] =	ssyncset.done $0x0  }
0x1c: {  	s0 =	simm.s32 $0x100;
	s1 =	rddreg [dreg:$0x6];
	[sflag:s10] =	ssyncadd.s32 $0xFFFFFFC0  }
0x1d: {  	[tilespmem:s0], [sflag:$0x2] =	stream.linear.gather [hbm4b:s1+s3], $0x10000, $0x38;
	[tilespmem:$0x14100] =	vst v63  }
0x1e: {  	_ =	swait.ge [sflag:s10], $0x10000  }
0x1f: {  	[sflag:s10] =	ssyncset.done $0x0  }
0x20: {  	s1 =	simm.s32 $0x10100;
	s2 =	rddreg [dreg:$0x8];
	[sflag:s10] =	ssyncadd.s32 $0xFFFF0000  }
0x21: {  	[tilespmem:s1], [sflag:$0x2] =	stream.linear.gather [hbm4b:s2+s3], $0x2000, $0x38;
	[tilespmem:$0x14100] =	vst v63  }
0x22: {  	_ =	swait.ge [sflag:s10], $0x2000  }
0x23: {  	[sflag:s10] =	ssyncset.done $0x0  }
0x24: {  	s2 =	simm.s32 $0x12100;
	s1 =	rddreg [dreg:$0x7];
	[sflag:s10] =	ssyncadd.s32 $0xFFFFE000  }
0x25: {  	[tilespmem:s2], [sflag:$0x2] =	stream.linear.gather [hbm4b:s1+s3], $0x2000, $0x38;
	[tilespmem:$0x14100] =	vst v63  }
0x26: {  	_ =	swait.ge [sflag:s10], $0x2000  }
0x27: {  	[sflag:s10] =	ssyncset.done $0x0  }
0x28: {  	[sflag:s10] =	ssyncadd.s32 $0xFFFFE000  }
0x29: {  	v3 =	vld [tilespmem:$0x0];
	_ =	sdelay $0x4  }
0x2a: {  	v4 =	vshll.u32 v3, $0x3  }
0x2b: {  	v3 =	vand.u32 $0x7, v3;
	v4 =	vand.u32 $0xFFFFFFC0, v4  }
0x2c: {  	v3 =	vor.u32 v3, v4  }
0x2d: {  	v4 =	vperm.xlane v3, v0;
	_ =	sdelay $0x1  }
0x2e: {  	v4 =	vadd.s32 v1, v4;
	_ =	sdelay $0x4  }
0x2f: {  	[hbm4b:s5+s3] =	stream.indirect_vreg.scatter [tilespmem:s0], [sflag:$0x1], $0x80, v4, vm0, $0xb8;
	[tilespmem:$0x14100] =	vst v63  }
0x30: {  	s25 =	simm.s32 $0x900;
	v3 =	vperm.xlane v3, v2  }
0x31: {  	[hbm4b:s6+s3] =	stream.indirect_vreg.scatter [tilespmem:s25], [sflag:$0x1], $0x80, v4, vm0, $0xb8;
	[tilespmem:$0x14100] =	vst v63  }
0x32: {  	v3 =	vadd.s32 v1, v3  }
0x33: {  	[hbm4b:s7+s3] =	stream.indirect_vreg.scatter [tilespmem:s30], [sflag:$0x1], $0x80, v4, vm0, $0xb8;
	[tilespmem:$0x14100] =	vst v63  }
0x34: {  	_ = 	snop  }
0x35: {  	[hbm4b:s8+s3] =	stream.indirect_vreg.scatter [tilespmem:s31], [sflag:$0x1], $0x80, v4, vm0, $0xb8;
	[tilespmem:$0x14100] =	vst v63  }
0x36: {  	s2 =	simm.s32 $0x2100  }
0x37: {  	[hbm4b:s5+s3] =	stream.indirect_vreg.scatter [tilespmem:s2], [sflag:$0x1], $0x80, v3, vm0, $0xb8;
	[tilespmem:$0x14100] =	vst v63  }
0x38: {  	_ = 	snop  }
0x39: {  	[hbm4b:s6+s3] =	stream.indirect_vreg.scatter [tilespmem:s26], [sflag:$0x1], $0x80, v3, vm0, $0xb8;
	[tilespmem:$0x14100] =	vst v63  }
0x3a: {  	s2 =	simm.s32 $0x3100  }
0x3b: {  	[hbm4b:s7+s3] =	stream.indirect_vreg.scatter [tilespmem:s2], [sflag:$0x1], $0x80, v3, vm0, $0xb8;
	[tilespmem:$0x14100] =	vst v63  }
0x3c: {  	_ = 	snop  }
0x3d: {  	[hbm4b:s8+s3] =	stream.indirect_vreg.scatter [tilespmem:s4], [sflag:$0x1], $0x80, v3, vm0, $0xb8;
	[tilespmem:$0x14100] =	vst v63  }
0x3e: {  	v3 =	vld [tilespmem:$0x10];
	_ =	sdelay $0x4  }
0x3f: {  	v57 =	vshll.u32 v3, $0x3  }
0x40: {  	v3 =	vand.u32 $0x7, v3;
	v4 =	vand.u32 $0xFFFFFFC0, v57  }
0x41: {  	v3 =	vor.u32 v3, v4  }
0x42: {  	v4 =	vperm.xlane v3, v0;
	_ =	sdelay $0x1  }
0x43: {  	v4 =	vadd.s32 v1, v4;
	_ =	sdelay $0x4  }
0x44: {  	[hbm4b:s5+s3] =	stream.indirect_vreg.scatter [tilespmem:s11], [sflag:$0x1], $0x80, v4, vm0, $0xb8;
	[tilespmem:$0x14100] =	vst v63  }
0x45: {  	v3 =	vperm.xlane v3, v2  }
0x46: {  	[hbm4b:s6+s3] =	stream.indirect_vreg.scatter [tilespmem:s13], [sflag:$0x1], $0x80, v4, vm0, $0xb8;
	[tilespmem:$0x14100] =	vst v63  }
0x47: {  	v3 =	vadd.s32 v1, v3  }
0x48: {  	[hbm4b:s7+s3] =	stream.indirect_vreg.scatter [tilespmem:s14], [sflag:$0x1], $0x80, v4, vm0, $0xb8;
	[tilespmem:$0x14100] =	vst v63  }
0x49: {  	_ = 	snop  }
0x4a: {  	[hbm4b:s8+s3] =	stream.indirect_vreg.scatter [tilespmem:s15], [sflag:$0x1], $0x80, v4, vm0, $0xb8;
	[tilespmem:$0x14100] =	vst v63  }
0x4b: {  	_ = 	snop  }
0x4c: {  	[hbm4b:s5+s3] =	stream.indirect_vreg.scatter [tilespmem:s16], [sflag:$0x1], $0x80, v3, vm0, $0xb8;
	[tilespmem:$0x14100] =	vst v63  }
0x4d: {  	_ = 	snop  }
0x4e: {  	[hbm4b:s6+s3] =	stream.indirect_vreg.scatter [tilespmem:s17], [sflag:$0x1], $0x80, v3, vm0, $0xb8;
	[tilespmem:$0x14100] =	vst v63  }
0x4f: {  	_ = 	snop  }
0x50: {  	[hbm4b:s7+s3] =	stream.indirect_vreg.scatter [tilespmem:s18], [sflag:$0x1], $0x80, v3, vm0, $0xb8;
	[tilespmem:$0x14100] =	vst v63  }
0x51: {  	_ = 	snop  }
0x52: {  	[hbm4b:s8+s3] =	stream.indirect_vreg.scatter [tilespmem:s19], [sflag:$0x1], $0x80, v3, vm0, $0xb8;
	[tilespmem:$0x14100] =	vst v63  }
0x53: {  	v3 =	vld [tilespmem:$0x20];
	_ =	sdelay $0x4  }
0x54: {  	v58 =	vshll.u32 v3, $0x3  }
0x55: {  	v3 =	vand.u32 $0x7, v3;
	v4 =	vand.u32 $0xFFFFFFC0, v58  }
0x56: {  	v3 =	vor.u32 v3, v4  }
0x57: {  	v4 =	vperm.xlane v3, v0;
	_ =	sdelay $0x1  }
0x58: {  	v4 =	vadd.s32 v1, v4;
	_ =	sdelay $0x4  }
0x59: {  	[hbm4b:s5+s3] =	stream.indirect_vreg.scatter [tilespmem:s20], [sflag:$0x1], $0x80, v4, vm0, $0xb8;
	[tilespmem:$0x14100] =	vst v63  }
0x5a: {  	v3 =	vperm.xlane v3, v2  }
0x5b: {  	[hbm4b:s6+s3] =	stream.indirect_vreg.scatter [tilespmem:s21], [sflag:$0x1], $0x80, v4, vm0, $0xb8;
	[tilespmem:$0x14100] =	vst v63  }
0x5c: {  	v3 =	vadd.s32 v1, v3  }
0x5d: {  	[hbm4b:s7+s3] =	stream.indirect_vreg.scatter [tilespmem:s22], [sflag:$0x1], $0x80, v4, vm0, $0xb8;
	[tilespmem:$0x14100] =	vst v63  }
0x5e: {  	_ = 	snop  }
0x5f: {  	[hbm4b:s8+s3] =	stream.indirect_vreg.scatter [tilespmem:s23], [sflag:$0x1], $0x80, v4, vm0, $0xb8;
	[tilespmem:$0x14100] =	vst v63  }
0x60: {  	_ = 	snop  }
0x61: {  	[hbm4b:s5+s3] =	stream.indirect_vreg.scatter [tilespmem:s12], [sflag:$0x1], $0x80, v3, vm0, $0xb8;
	[tilespmem:$0x14100] =	vst v63  }
0x62: {  	_ = 	snop  }
0x63: {  	[hbm4b:s6+s3] =	stream.indirect_vreg.scatter [tilespmem:s28], [sflag:$0x1], $0x80, v3, vm0, $0xb8;
	[tilespmem:$0x14100] =	vst v63  }
0x64: {  	_ = 	snop  }
0x65: {  	[hbm4b:s7+s3] =	stream.indirect_vreg.scatter [tilespmem:s29], [sflag:$0x1], $0x80, v3, vm0, $0xb8;
	[tilespmem:$0x14100] =	vst v63  }
0x66: {  	s1 =	simm.s32 $0xB900  }
0x67: {  	[hbm4b:s8+s3] =	stream.indirect_vreg.scatter [tilespmem:s1], [sflag:$0x1], $0x80, v3, vm0, $0xb8;
	[tilespmem:$0x14100] =	vst v63  }
0x68: {  	v3 =	vld [tilespmem:$0x30];
	_ =	sdelay $0x4  }
0x69: {  	v59 =	vshll.u32 v3, $0x3  }
0x6a: {  	v3 =	vand.u32 $0x7, v3;
	v4 =	vand.u32 $0xFFFFFFC0, v59  }
0x6b: {  	v3 =	vor.u32 v3, v4  }
0x6c: {  	v4 =	vperm.xlane v3, v0;
	_ =	sdelay $0x1  }
0x6d: {  	v4 =	vadd.s32 v1, v4;
	_ =	sdelay $0x3  }
0x6e: {  	s1 =	simm.s32 $0xC100  }
0x6f: {  	[hbm4b:s5+s3] =	stream.indirect_vreg.scatter [tilespmem:s1], [sflag:$0x1], $0x80, v4, vm0, $0xb8;
	[tilespmem:$0x14100] =	vst v63  }
0x70: {  	v3 =	vperm.xlane v3, v2;
	s1 =	simm.s32 $0xC900  }
0x71: {  	[hbm4b:s6+s3] =	stream.indirect_vreg.scatter [tilespmem:s1], [sflag:$0x1], $0x80, v4, vm0, $0xb8;
	[tilespmem:$0x14100] =	vst v63  }
0x72: {  	v3 =	vadd.s32 v1, v3;
	s1 =	simm.s32 $0xD100  }
0x73: {  	[hbm4b:s7+s3] =	stream.indirect_vreg.scatter [tilespmem:s1], [sflag:$0x1], $0x80, v4, vm0, $0xb8;
	[tilespmem:$0x14100] =	vst v63  }
0x74: {  	s1 =	simm.s32 $0xD900  }
0x75: {  	[hbm4b:s8+s3] =	stream.indirect_vreg.scatter [tilespmem:s1], [sflag:$0x1], $0x80, v4, vm0, $0xb8;
	[tilespmem:$0x14100] =	vst v63  }
0x76: {  	s1 =	simm.s32 $0xE100  }
0x77: {  	[hbm4b:s5+s3] =	stream.indirect_vreg.scatter [tilespmem:s1], [sflag:$0x1], $0x80, v3, vm0, $0xb8;
	[tilespmem:$0x14100] =	vst v63  }
0x78: {  	s1 =	simm.s32 $0xE900  }
0x79: {  	[hbm4b:s6+s3] =	stream.indirect_vreg.scatter [tilespmem:s1], [sflag:$0x1], $0x80, v3, vm0, $0xb8;
	[tilespmem:$0x14100] =	vst v63  }
0x7a: {  	s1 =	simm.s32 $0xF100  }
0x7b: {  	[hbm4b:s7+s3] =	stream.indirect_vreg.scatter [tilespmem:s1], [sflag:$0x1], $0x80, v3, vm0, $0xb8;
	[tilespmem:$0x14100] =	vst v63  }
0x7c: {  	s1 =	simm.s32 $0xF900  }
0x7d: {  	[hbm4b:s8+s3] =	stream.indirect_vreg.scatter [tilespmem:s1], [sflag:$0x1], $0x80, v3, vm0, $0xb8;
	[tilespmem:$0x14100] =	vst v63  }
0x7e: {  	v3 =	vld [tilespmem:$0x80];
	_ =	sdelay $0x4  }
0x7f: {  	v60 =	vshll.u32 v3, $0x3  }
0x80: {  	v3 =	vand.u32 $0x7, v3;
	v4 =	vand.u32 $0xFFFFFFC0, v60  }
0x81: {  	v3 =	vor.u32 v3, v4  }
0x82: {  	v4 =	vperm.xlane v3, v0;
	_ =	sdelay $0x1  }
0x83: {  	v4 =	vadd.s32 v1, v4;
	_ =	sdelay $0x4  }
0x84: {  	[hbm4b:s5+s3] =	stream.indirect_vreg.scatter [tilespmem:s0], [sflag:$0x1], $0x80, v4, vm0, $0xb8;
	[tilespmem:$0x14100] =	vst v63  }
0x85: {  	v3 =	vperm.xlane v3, v2  }
0x86: {  	[hbm4b:s6+s3] =	stream.indirect_vreg.scatter [tilespmem:s25], [sflag:$0x1], $0x80, v4, vm0, $0xb8;
	[tilespmem:$0x14100] =	vst v63  }
0x87: {  	v3 =	vadd.s32 v1, v3  }
0x88: {  	[hbm4b:s7+s3] =	stream.indirect_vreg.scatter [tilespmem:s30], [sflag:$0x1], $0x80, v4, vm0, $0xb8;
	[tilespmem:$0x14100] =	vst v63  }
0x89: {  	_ = 	snop  }
0x8a: {  	[hbm4b:s8+s3] =	stream.indirect_vreg.scatter [tilespmem:s31], [sflag:$0x1], $0x80, v4, vm0, $0xb8;
	[tilespmem:$0x14100] =	vst v63  }
0x8b: {  	s25 =	simm.s32 $0x2100  }
0x8c: {  	[hbm4b:s5+s3] =	stream.indirect_vreg.scatter [tilespmem:s25], [sflag:$0x1], $0x80, v3, vm0, $0xb8;
	[tilespmem:$0x14100] =	vst v63  }
0x8d: {  	_ = 	snop  }
0x8e: {  	[hbm4b:s6+s3] =	stream.indirect_vreg.scatter [tilespmem:s26], [sflag:$0x1], $0x80, v3, vm0, $0xb8;
	[tilespmem:$0x14100] =	vst v63  }
0x8f: {  	_ = 	snop  }
0x90: {  	[hbm4b:s7+s3] =	stream.indirect_vreg.scatter [tilespmem:s2], [sflag:$0x1], $0x80, v3, vm0, $0xb8;
	[tilespmem:$0x14100] =	vst v63  }
0x91: {  	_ = 	snop  }
0x92: {  	[hbm4b:s8+s3] =	stream.indirect_vreg.scatter [tilespmem:s4], [sflag:$0x1], $0x80, v3, vm0, $0xb8;
	[tilespmem:$0x14100] =	vst v63  }
0x93: {  	v3 =	vld [tilespmem:$0x90];
	_ =	sdelay $0x4  }
0x94: {  	v61 =	vshll.u32 v3, $0x3  }
0x95: {  	v3 =	vand.u32 $0x7, v3;
	v4 =	vand.u32 $0xFFFFFFC0, v61  }
0x96: {  	v3 =	vor.u32 v3, v4  }
0x97: {  	v4 =	vperm.xlane v3, v0;
	_ =	sdelay $0x1  }
0x98: {  	v4 =	vadd.s32 v1, v4;
	_ =	sdelay $0x4  }
0x99: {  	[hbm4b:s5+s3] =	stream.indirect_vreg.scatter [tilespmem:s11], [sflag:$0x1], $0x80, v4, vm0, $0xb8;
	[tilespmem:$0x14100] =	vst v63  }
0x9a: {  	v3 =	vperm.xlane v3, v2  }
0x9b: {  	[hbm4b:s6+s3] =	stream.indirect_vreg.scatter [tilespmem:s13], [sflag:$0x1], $0x80, v4, vm0, $0xb8;
	[tilespmem:$0x14100] =	vst v63  }
0x9c: {  	v3 =	vadd.s32 v1, v3  }
0x9d: {  	[hbm4b:s7+s3] =	stream.indirect_vreg.scatter [tilespmem:s14], [sflag:$0x1], $0x80, v4, vm0, $0xb8;
	[tilespmem:$0x14100] =	vst v63  }
0x9e: {  	_ = 	snop  }
0x9f: {  	[hbm4b:s8+s3] =	stream.indirect_vreg.scatter [tilespmem:s15], [sflag:$0x1], $0x80, v4, vm0, $0xb8;
	[tilespmem:$0x14100] =	vst v63  }
0xa0: {  	_ = 	snop  }
0xa1: {  	[hbm4b:s5+s3] =	stream.indirect_vreg.scatter [tilespmem:s16], [sflag:$0x1], $0x80, v3, vm0, $0xb8;
	[tilespmem:$0x14100] =	vst v63  }
0xa2: {  	_ = 	snop  }
0xa3: {  	[hbm4b:s6+s3] =	stream.indirect_vreg.scatter [tilespmem:s17], [sflag:$0x1], $0x80, v3, vm0, $0xb8;
	[tilespmem:$0x14100] =	vst v63  }
0xa4: {  	_ = 	snop  }
0xa5: {  	[hbm4b:s7+s3] =	stream.indirect_vreg.scatter [tilespmem:s18], [sflag:$0x1], $0x80, v3, vm0, $0xb8;
	[tilespmem:$0x14100] =	vst v63  }
0xa6: {  	_ = 	snop  }
0xa7: {  	[hbm4b:s8+s3] =	stream.indirect_vreg.scatter [tilespmem:s19], [sflag:$0x1], $0x80, v3, vm0, $0xb8;
	[tilespmem:$0x14100] =	vst v63  }
0xa8: {  	v3 =	vld [tilespmem:$0xA0];
	_ =	sdelay $0x4  }
0xa9: {  	v62 =	vshll.u32 v3, $0x3  }
0xaa: {  	v3 =	vand.u32 $0x7, v3;
	v4 =	vand.u32 $0xFFFFFFC0, v62  }
0xab: {  	v3 =	vor.u32 v3, v4  }
0xac: {  	v4 =	vperm.xlane v3, v0;
	_ =	sdelay $0x1  }
0xad: {  	v4 =	vadd.s32 v1, v4;
	_ =	sdelay $0x4  }
0xae: {  	[hbm4b:s5+s3] =	stream.indirect_vreg.scatter [tilespmem:s20], [sflag:$0x1], $0x80, v4, vm0, $0xb8;
	[tilespmem:$0x14100] =	vst v63  }
0xaf: {  	v3 =	vperm.xlane v3, v2  }
0xb0: {  	[hbm4b:s6+s3] =	stream.indirect_vreg.scatter [tilespmem:s21], [sflag:$0x1], $0x80, v4, vm0, $0xb8;
	[tilespmem:$0x14100] =	vst v63  }
0xb1: {  	v3 =	vadd.s32 v1, v3  }
0xb2: {  	[hbm4b:s7+s3] =	stream.indirect_vreg.scatter [tilespmem:s22], [sflag:$0x1], $0x80, v4, vm0, $0xb8;
	[tilespmem:$0x14100] =	vst v63  }
0xb3: {  	_ = 	snop  }
0xb4: {  	[hbm4b:s8+s3] =	stream.indirect_vreg.scatter [tilespmem:s23], [sflag:$0x1], $0x80, v4, vm0, $0xb8;
	[tilespmem:$0x14100] =	vst v63  }
0xb5: {  	_ = 	snop  }
0xb6: {  	[hbm4b:s5+s3] =	stream.indirect_vreg.scatter [tilespmem:s12], [sflag:$0x1], $0x80, v3, vm0, $0xb8;
	[tilespmem:$0x14100] =	vst v63  }
0xb7: {  	_ = 	snop  }
0xb8: {  	[hbm4b:s6+s3] =	stream.indirect_vreg.scatter [tilespmem:s28], [sflag:$0x1], $0x80, v3, vm0, $0xb8;
	[tilespmem:$0x14100] =	vst v63  }
0xb9: {  	_ = 	snop  }
0xba: {  	[hbm4b:s7+s3] =	stream.indirect_vreg.scatter [tilespmem:s29], [sflag:$0x1], $0x80, v3, vm0, $0xb8;
	[tilespmem:$0x14100] =	vst v63  }
0xbb: {  	s2 =	simm.s32 $0xB900  }
0xbc: {  	[hbm4b:s8+s3] =	stream.indirect_vreg.scatter [tilespmem:s2], [sflag:$0x1], $0x80, v3, vm0, $0xb8;
	[tilespmem:$0x14100] =	vst v63  }
0xbd: {  	v3 =	vld [tilespmem:$0xB0];
	_ =	sdelay $0x4  }
0xbe: {  	v63 =	vshll.u32 v3, $0x3  }
0xbf: {  	v3 =	vand.u32 $0x7, v3;
	v4 =	vand.u32 $0xFFFFFFC0, v63  }
0xc0: {  	v3 =	vor.u32 v3, v4  }
0xc1: {  	v4 =	vperm.xlane v3, v0;
	_ =	sdelay $0x1  }
0xc2: {  	v4 =	vadd.s32 v1, v4;
	_ =	sdelay $0x3  }
0xc3: {  	s25 =	simm.s32 $0xC100  }
0xc4: {  	[hbm4b:s5+s3] =	stream.indirect_vreg.scatter [tilespmem:s25], [sflag:$0x1], $0x80, v4, vm0, $0xb8;
	[tilespmem:$0x14100] =	vst v63  }
0xc5: {  	s2 =	simm.s32 $0xC900;
	v3 =	vperm.xlane v3, v2  }
0xc6: {  	[hbm4b:s6+s3] =	stream.indirect_vreg.scatter [tilespmem:s2], [sflag:$0x1], $0x80, v4, vm0, $0xb8;
	[tilespmem:$0x14100] =	vst v63  }
0xc7: {  	v3 =	vadd.s32 v1, v3;
	s25 =	simm.s32 $0xD100  }
0xc8: {  	[hbm4b:s7+s3] =	stream.indirect_vreg.scatter [tilespmem:s25], [sflag:$0x1], $0x80, v4, vm0, $0xb8;
	[tilespmem:$0x14100] =	vst v63  }
0xc9: {  	s2 =	simm.s32 $0xD900  }
0xca: {  	[hbm4b:s8+s3] =	stream.indirect_vreg.scatter [tilespmem:s2], [sflag:$0x1], $0x80, v4, vm0, $0xb8;
	[tilespmem:$0x14100] =	vst v63  }
0xcb: {  	s25 =	simm.s32 $0xE100  }
0xcc: {  	[hbm4b:s5+s3] =	stream.indirect_vreg.scatter [tilespmem:s25], [sflag:$0x1], $0x80, v3, vm0, $0xb8;
	[tilespmem:$0x14100] =	vst v63  }
0xcd: {  	s2 =	simm.s32 $0xE900  }
0xce: {  	[hbm4b:s6+s3] =	stream.indirect_vreg.scatter [tilespmem:s2], [sflag:$0x1], $0x80, v3, vm0, $0xb8;
	[tilespmem:$0x14100] =	vst v63  }
0xcf: {  	s25 =	simm.s32 $0xF100  }
0xd0: {  	[hbm4b:s7+s3] =	stream.indirect_vreg.scatter [tilespmem:s25], [sflag:$0x1], $0x80, v3, vm0, $0xb8;
	[tilespmem:$0x14100] =	vst v63  }
0xd1: {  	s1 =	simm.s32 $0xF900  }
0xd2: {  	[hbm4b:s8+s3] =	stream.indirect_vreg.scatter [tilespmem:s1], [sflag:$0x1], $0x80, v3, vm0, $0xb8;
	[tilespmem:$0x14100] =	vst v63  }
0xd3: {  	s0 =	simm.s32 $0x40;
	s2 =	simm.s32 $0x10100;
	s25 =	rddreg [dreg:$0x2]  }
0xd4: {  	[hbm4b:s25+s0] =	stream.indirect.scatter [tilespmem:s2], [sflag:$0x1], $0x80, s3, s0, $0xb8;
	[tilespmem:$0x14100] =	vst v63  }
0xd5: {  	s1 =	simm.s32 $0x80;
	s2 =	simm.s32 $0x12100  }
0xd6: {  	[hbm4b:s25+s0] =	stream.indirect.scatter [tilespmem:s2], [sflag:$0x1], $0x80, s1, s0, $0xb8;
	[tilespmem:$0x14100] =	vst v63  }
0xd7: {  	_ =	swait.ge [sflag:s24], $0x10000  }
0xd8: {  	[sflag:s24] =	ssyncset.done $0x0  }
0xd9: {  	[sflag:s24] =	ssyncadd.s32 $0xFFFF0000  }
0xda: {  	_ =	swait.ge [sflag:s24], $0x10000  }
0xdb: {  	[sflag:s24] =	ssyncset.done $0x0  }
0xdc: {  	[sflag:s24] =	ssyncadd.s32 $0xFFFF0000  }
0xdd: {  	p0 =	sne.s32 s9, $0x1;
	_ =	swait.ge [sflag:s24], $0x2000  }
.Ltmp0:
0xde: {  	[sflag:s24] =	ssyncset.done $0x0;
	(pc) =	sbr.rel @p0 .LBB2_1-.Ltmp0, $4  }
0xdf: {  	[sflag:s24] =	ssyncadd.s32 $0xFFFFE000  }
0xe0: {  	_ =	swait.ge [sflag:s24], $0x2000  }
0xe1: {  	[sflag:s24] =	ssyncset.done $0x0  }
0xe2: {  	s9 =	sadd.s32 $0xFFFFFFFF, s9;
	[sflag:s24] =	ssyncadd.s32 $0xFFFFE000  }
0xe3: {  	_ =	sfence.sel $0x180000  }
0xe4: {  	[bflag:$0x0] =	sbarrier.arrive $0xFFFF  }
0xe5: {  	_ =	strace $0x90000047  }
0xe6: {  	s0 =	stileid.u32;
	[bflag:$0x2] =	sbarrier.arrive $0xFFFF  }
0xe7: {  	p0 =	sne.s32 s0, $0x0;
	s0 =	rddreg [dreg:$0x3]  }
0xe8: {  	s0 =	sadd.s32 @!p0 $0x100000, s0  }
0xe9: {  	[sflag:s0] =	ssyncadd.tile.s32 @!p0 $0x1;
	_ =	shalt  }
.Lfunc_end2:
_tile_overlayer_lowered:
.L_overlay_start_2:
0xea: {  	(tag) =	ssettag $0x2  }
0xeb: {  	s0 =	rddreg [dreg:$0x0];
	s2 =	stileid.u32  }
0xec: {  	s1 =	rddreg [dreg:$0x1];
	p0 =	sne.s32 s2, $0x0  }
0xed: {  	s3 =	rddreg [dreg:$0x2];
	[bflag:$0x3] =	sbarrier.arrive $0xFFFF;
	s2 =	simm.s32 @!p0 $0x1C02  }
0xee: {  	[timem:s3], [sflag:s2] =	dma.local @!p0 [hbm:s0], s1  }
0xef: {  	s0 =	simm.s32 @!p0 $0x2  }
0xf0: {  	_ =	swait.ge @!p0 [sflag:s0], s1  }
0xf1: {  	s1 =	ssub.s32 @!p0 $0x0, s1;
	[sflag:s0] =	ssyncset.done @!p0 $0x0  }
0xf2: {  	[sflag:s0] =	ssyncadd.s32 @!p0 s1  }
0xf3: {  	[bflag:$0x3] =	sbarrier.arrive $0xFFFF  }
0xf4: {  	_ =	shalt  }

</sc_bundles>
